<compile_context>
chip_gen: v7x
topology: tpu7x:2x2x1
jax: 0.10.2.dev20260603
libtpu: 0.0.44.dev20260713+nightly
codegen_flags: <defaults>
</compile_context>

<pallas_src>
import functools

import jax
import jax.numpy as jnp
from jax import lax
from jax.experimental import pallas as pl
from jax.experimental.pallas import tpu as pltpu
from jax.experimental.pallas import tpu_sc as plsc

N_ROWS = 1000
EMBED_DIM = 32
LANES = 16
NUM_CORES = 2
NUM_SUBCORES = 16
NUM_WORKERS = NUM_CORES * NUM_SUBCORES

B, T, H, W = 8, 20, 64, 64
T_PER_W = (B * T) // NUM_WORKERS
STRIPE = 8
N_STRIPES = H // STRIPE
N_CHUNKS = T_PER_W * N_STRIPES
WP = W + 1


def _sc_gather(x, table):
  mesh = plsc.VectorSubcoreMesh(
      core_axis_name="c", subcore_axis_name="s",
      num_cores=NUM_CORES, num_subcores=NUM_SUBCORES)

  @functools.partial(
      pl.kernel,
      mesh=mesh,
      out_type=jax.ShapeDtypeStruct((B, T, H, EMBED_DIM, W), jnp.float32),
      scratch_types=[
          pltpu.VMEM_SHARED((N_ROWS, EMBED_DIM), jnp.float32),
          pltpu.VMEM((2, STRIPE, W), jnp.int32),
          pltpu.VMEM((2, STRIPE, W, EMBED_DIM), jnp.float32),
          pltpu.VMEM((2, STRIPE, EMBED_DIM, WP), jnp.float32),
          pltpu.SemaphoreType.DMA((2,)),
          pltpu.SemaphoreType.DMA((2,)),
          pltpu.SemaphoreType.DMA((2,)),
      ],
      compiler_params=pltpu.CompilerParams(
          use_tc_tiling_on_sc=False, needs_layout_passes=False),
  )
  def k(x_hbm, table_hbm, out_hbm, table_sh, idx_v, rows_v, t_v,
        isem, gsem, osem):
    wid = lax.axis_index("s") * NUM_CORES + lax.axis_index("c")
    b = wid // (NUM_WORKERS // B)
    t0 = (wid % (NUM_WORKERS // B)) * T_PER_W

    @pl.when(lax.axis_index("s") == 0)
    def _():
      pltpu.sync_copy(table_hbm, table_sh)

    def idx_copy(i, s):
      p = i // N_STRIPES
      q = i % N_STRIPES
      return pltpu.make_async_copy(
          x_hbm.at[b, t0 + p, pl.ds(q * STRIPE, STRIPE)],
          idx_v.at[s], isem.at[s])

    def gather_copies(s):
      return [
          pltpu.make_async_copy(
              table_sh.at[idx_v.at[s, r]], rows_v.at[s, r], gsem.at[s])
          for r in range(STRIPE)
      ]

    def out_copy(i, s):
      p = i // N_STRIPES
      q = i % N_STRIPES
      return pltpu.make_async_copy(
          t_v.at[s, :, :, pl.ds(0, W)],
          out_hbm.at[b, t0 + p, pl.ds(q * STRIPE, STRIPE)],
          osem.at[s])

    lane = lax.iota(jnp.int32, LANES)
    zero16 = jnp.zeros((LANES,), jnp.int32)
    e_lo = lane
    e_hi = lane + LANES

    UNROLL = 8

    def transpose(s):
      def body(j, carry):
        r = j // (W // UNROLL)
        w0 = (j % (W // UNROLL)) * UNROLL
        for u in range(UNROLL):
          w = w0 + u
          idx_w = zero16 + w
          v_lo = rows_v[s, r, w, pl.ds(0, LANES)]
          v_hi = rows_v[s, r, w, pl.ds(LANES, LANES)]
          plsc.store_scatter(t_v.at[s, r], [e_lo, idx_w], v_lo)
          plsc.store_scatter(t_v.at[s, r], [e_hi, idx_w], v_hi)
        return carry

      lax.fori_loop(0, STRIPE * W // UNROLL, body, 0)

    idx_copy(0, 0).start()
    idx_copy(1, 1).start()
    plsc.subcore_barrier()
    idx_copy(0, 0).wait()
    for g in gather_copies(0):
      g.start()

    def step(kk, carry):
      a = 2 * kk
      bb = a + 1
      not_last = kk < N_CHUNKS // 2 - 1

      for g in gather_copies(0):
        g.wait()

      @pl.when(not_last)
      def _():
        idx_copy(a + 2, 0).start()

      idx_copy(bb, 1).wait()
      for g in gather_copies(1):
        g.start()

      @pl.when(kk > 0)
      def _():
        out_copy(a - 2, 0).wait()

      transpose(0)
      out_copy(a, 0).start()

      @pl.when(not_last)
      def _():
        idx_copy(a + 2, 0).wait()
        for g in gather_copies(0):
          g.start()

      for g in gather_copies(1):
        g.wait()

      @pl.when(not_last)
      def _():
        idx_copy(bb + 2, 1).start()

      @pl.when(kk > 0)
      def _():
        out_copy(bb - 2, 1).wait()

      transpose(1)
      out_copy(bb, 1).start()

      return carry

    lax.fori_loop(0, N_CHUNKS // 2, step, 0)

    out_copy(N_CHUNKS - 2, 0).wait()
    out_copy(N_CHUNKS - 1, 1).wait()

  return k(x, table)


def kernel(x, table):
  out = _sc_gather(x, table)
  return jnp.transpose(out, (0, 1, 2, 4, 3))

# --- scband reference (transcript-rebuilt; emitter-appended) ---
"""Pipeline reference for scband-segm-encoder-80728205296025 (READ-ONLY COPY).

The authoritative reference and input builder live on the scoring server;
editing this copy changes nothing except your own understanding.
"""

import jax, jax.numpy as jnp
import numpy as np

N_OBJS = 1000
EMBED_DIM = 32

def setup_inputs(seed: int = 0) -> dict:
    key = jax.random.key(seed)
    k_x, k_tab = jax.random.split(key)
    x = jax.random.randint(k_x, (8, 20, 64, 64), 0, N_OBJS, dtype=jnp.int64 if jax.config.read('jax_enable_x64') else jnp.int32).astype(jnp.int32)
    table = jax.random.normal(k_tab, (N_OBJS, EMBED_DIM), dtype=jnp.float32)
    return {"x": x, "table": table}

def reference(x, table):
    # SegmEncoder.forward with is_lang_feat=False, learn_padding=True:
    # just an embedding lookup: int64 (B, T, H, W) -> float32 (B, T, H, W, embed_dim)
    return jnp.take(table, x, axis=0)

if __name__ == "__main__":
    import jax
    _d = setup_inputs()
    print(jax.jit(kernel)(*tuple(_d.values())))

</pallas_src>

<mosaic_0001>
#map = affine_map<(d0, d1) -> (0, 0, 0, 0)>
#map1 = affine_map<(d0, d1) -> (0, 0)>
#map2 = affine_map<(d0, d1) -> (0, 0, 0, 0, 0)>
module attributes {stable_mosaic.version = 14 : i64} {
  func.func @k(%arg0: i32, %arg1: i32, %arg2: memref<8x20x64x64xi32, #tpu.memory_space<hbm>>, %arg3: memref<1000x32xf32, #tpu.memory_space<hbm>>, %arg4: memref<8x20x64x32x64xf32, #tpu.memory_space<hbm>>, %arg5: memref<1000x32xf32, #tpu.memory_space<vmem_shared>>, %arg6: memref<2x8x64xi32, #tpu.memory_space<vmem>>, %arg7: memref<2x8x64x32xf32, #tpu.memory_space<vmem>>, %arg8: memref<2x8x32x65xf32, #tpu.memory_space<vmem>>, %arg9: memref<2x!tpu.dma_semaphore, #tpu.memory_space<semaphore_mem>>, %arg10: memref<2x!tpu.dma_semaphore, #tpu.memory_space<semaphore_mem>>, %arg11: memref<2x!tpu.dma_semaphore, #tpu.memory_space<semaphore_mem>>) attributes {dimension_semantics = [#tpu.dimension_semantics<core_parallel>, #tpu.dimension_semantics<subcore_parallel>], iteration_bounds = array<i64: 2, 16>, scalar_prefetch = 0 : i64, scratch_operands = 7 : i64, tpu.core_type = #tpu.core_type<sc_vector_subcore>, window_params = [{transform_indices = #map}, {transform_indices = #map1}, {transform_indices = #map2}]} {
    %mul3A = arith.constant 2 : i32
    %mul3A_0 = arith.muli %arg1, %mul3A : i32
    %add3A = arith.addi %mul3A_0, %arg0 : i32
    %jit3A = arith.constant 4 : i32
    %div3A = arith.divsi %add3A, %jit3A : i32
    %sign3A = arith.constant 0 : i32
    %sign3A_1 = arith.cmpi sgt, %add3A, %sign3A : i32
    %sign3A_2 = arith.extui %sign3A_1 : i1 to i32
    %sign3A_3 = arith.constant 0 : i32
    %sign3A_4 = arith.cmpi slt, %add3A, %sign3A_3 : i32
    %sign3A_5 = arith.extui %sign3A_4 : i1 to i32
    %sign3A_6 = arith.subi %sign3A_2, %sign3A_5 : i32
    %sign3A_7 = arith.constant 0 : i32
    %sign3A_8 = arith.cmpi sgt, %jit3A, %sign3A_7 : i32
    %sign3A_9 = arith.extui %sign3A_8 : i1 to i32
    %sign3A_10 = arith.constant 0 : i32
    %sign3A_11 = arith.cmpi slt, %jit3A, %sign3A_10 : i32
    %sign3A_12 = arith.extui %sign3A_11 : i1 to i32
    %sign3A_13 = arith.subi %sign3A_9, %sign3A_12 : i32
    %ne3A = arith.cmpi ne, %sign3A_6, %sign3A_13 : i32
    %rem3A = arith.remsi %add3A, %jit3A : i32
    %ne3A_14 = arith.constant 0 : i32
    %ne3A_15 = arith.cmpi ne, %rem3A, %ne3A_14 : i32
    %and3A = arith.andi %ne3A, %ne3A_15 : i1
    %sub3A = arith.constant 1 : i32
    %sub3A_16 = arith.subi %div3A, %sub3A : i32
    %select_n3A = arith.select %and3A, %sub3A_16, %div3A : i32
    %jit3A_17 = arith.constant 4 : i32
    %eq3A = arith.constant 0 : i32
    %eq3A_18 = arith.cmpi eq, %jit3A_17, %eq3A : i32
    %jit3A_19 = arith.constant 1 : i32
    %select_n3A_20 = arith.select %eq3A_18, %jit3A_19, %jit3A_17 : i32
    %rem3A_21 = arith.remsi %add3A, %select_n3A_20 : i32
    %ne3A_22 = arith.constant 0 : i32
    %ne3A_23 = arith.cmpi ne, %rem3A_21, %ne3A_22 : i32
    %lt3A = arith.constant 0 : i32
    %lt3A_24 = arith.cmpi slt, %rem3A_21, %lt3A : i32
    %lt3A_25 = arith.constant 0 : i32
    %lt3A_26 = arith.cmpi slt, %select_n3A_20, %lt3A_25 : i32
    %ne3A_27 = arith.xori %lt3A_24, %lt3A_26 : i1
    %and3A_28 = arith.andi %ne3A_27, %ne3A_23 : i1
    %add3A_29 = arith.addi %rem3A_21, %select_n3A_20 : i32
    %select_n3A_30 = arith.select %and3A_28, %add3A_29, %rem3A_21 : i32
    %mul3A_31 = arith.constant 5 : i32
    %mul3A_32 = arith.muli %select_n3A_30, %mul3A_31 : i32
    %eq3A_33 = arith.constant 0 : i32
    %eq3A_34 = arith.cmpi eq, %arg1, %eq3A_33 : i32
    %convert_element_type3A = arith.extui %eq3A_34 : i1 to i32
    %cond3A = arith.constant 0 : i32
    %cond3A_35 = arith.cmpi ne, %convert_element_type3A, %cond3A : i32
    scf.if %cond3A_35 {
      "tpu.region"() ({
        %run_scoped3A = tpu.sem_alloc : memref<!tpu.dma_semaphore, #tpu.memory_space<semaphore_mem>>
        tpu.enqueue_dma source(%arg3 : memref<1000x32xf32, #tpu.memory_space<hbm>>) target(%arg5 : memref<1000x32xf32, #tpu.memory_space<vmem_shared>>) target_semaphore(%run_scoped3A : memref<!tpu.dma_semaphore, #tpu.memory_space<semaphore_mem>>)
        tpu.wait_dma2 semaphore(%run_scoped3A : memref<!tpu.dma_semaphore, #tpu.memory_space<semaphore_mem>>) src(%arg3 : memref<1000x32xf32, #tpu.memory_space<hbm>>) dst(%arg5 : memref<1000x32xf32, #tpu.memory_space<vmem_shared>>)
        tpu.yield
      }) : () -> ()
    } else {
    }
    %iota3A = tpu.iota {dimensions = array<i32: 0>} : vector<16xi32>
    %broadcast_in_dim3A = arith.constant 0 : i32
    %broadcast_in_dim3A_36 = vector.broadcast %broadcast_in_dim3A : i32 to vector<16xi32>
    %add3A_37 = arith.constant 16 : i32
    %add3A_38 = vector.broadcast %add3A_37 : i32 to vector<16xi32>
    %add3A_39 = arith.addi %iota3A, %add3A_38 : vector<16xi32>
    %add3A_40 = arith.constant 0 : i32
    %add3A_41 = arith.addi %mul3A_32, %add3A_40 : i32
    %dma_start3A = arith.constant 0 : i32
    %dma_start3A_42 = arith.constant 0 : i32
    %dma_start3A_43 = arith.constant 0 : i32
    %dma_start3A_44 = arith.constant 0 : i32
    %dma_start3A_45 = tpu.memref_slice %arg6[%dma_start3A, %dma_start3A_43, %dma_start3A_44] : memref<2x8x64xi32, #tpu.memory_space<vmem>> -> memref<1x8x64xi32, #tpu.memory_space<vmem>>
    %dma_start3A_46 = tpu.memref_squeeze %dma_start3A_45 : memref<1x8x64xi32, #tpu.memory_space<vmem>> -> memref<8x64xi32, #tpu.memory_space<vmem>>
    %dma_start3A_47 = arith.constant 0 : i32
    %dma_start3A_48 = arith.constant 0 : i32
    %dma_start3A_49 = tpu.memref_slice %arg2[%select_n3A, %add3A_41, %dma_start3A_47, %dma_start3A_48] : memref<8x20x64x64xi32, #tpu.memory_space<hbm>> -> memref<1x1x8x64xi32, #tpu.memory_space<hbm>>
    %dma_start3A_50 = tpu.memref_squeeze %dma_start3A_49 : memref<1x1x8x64xi32, #tpu.memory_space<hbm>> -> memref<8x64xi32, #tpu.memory_space<hbm>>
    %dma_start3A_51 = tpu.memref_slice %arg9[%dma_start3A_42] : memref<2x!tpu.dma_semaphore, #tpu.memory_space<semaphore_mem>> -> memref<1x!tpu.dma_semaphore, #tpu.memory_space<semaphore_mem>>
    %dma_start3A_52 = tpu.memref_squeeze %dma_start3A_51 : memref<1x!tpu.dma_semaphore, #tpu.memory_space<semaphore_mem>> -> memref<!tpu.dma_semaphore, #tpu.memory_space<semaphore_mem>>
    %dma_start3A_53 = arith.constant 0 : i32
    %dma_start3A_54 = arith.constant 0 : i32
    %dma_start3A_55 = tpu.memref_slice %arg6[%dma_start3A, %dma_start3A_53, %dma_start3A_54] : memref<2x8x64xi32, #tpu.memory_space<vmem>> -> memref<1x8x64xi32, #tpu.memory_space<vmem>>
    %dma_start3A_56 = tpu.memref_squeeze %dma_start3A_55 : memref<1x8x64xi32, #tpu.memory_space<vmem>> -> memref<8x64xi32, #tpu.memory_space<vmem>>
    %dma_start3A_57 = arith.constant 0 : i32
    %dma_start3A_58 = arith.constant 0 : i32
    %dma_start3A_59 = tpu.memref_slice %arg2[%select_n3A, %add3A_41, %dma_start3A_57, %dma_start3A_58] : memref<8x20x64x64xi32, #tpu.memory_space<hbm>> -> memref<1x1x8x64xi32, #tpu.memory_space<hbm>>
    %dma_start3A_60 = tpu.memref_squeeze %dma_start3A_59 : memref<1x1x8x64xi32, #tpu.memory_space<hbm>> -> memref<8x64xi32, #tpu.memory_space<hbm>>
    tpu.enqueue_dma source(%dma_start3A_60 : memref<8x64xi32, #tpu.memory_space<hbm>>) target(%dma_start3A_56 : memref<8x64xi32, #tpu.memory_space<vmem>>) target_semaphore(%dma_start3A_52 : memref<!tpu.dma_semaphore, #tpu.memory_space<semaphore_mem>>)
    %add3A_61 = arith.constant 0 : i32
    %add3A_62 = arith.addi %mul3A_32, %add3A_61 : i32
    %dma_start3A_63 = arith.constant 1 : i32
    %dma_start3A_64 = arith.constant 1 : i32
    %dma_start3A_65 = arith.constant 0 : i32
    %dma_start3A_66 = arith.constant 0 : i32
    %dma_start3A_67 = tpu.memref_slice %arg6[%dma_start3A_63, %dma_start3A_65, %dma_start3A_66] : memref<2x8x64xi32, #tpu.memory_space<vmem>> -> memref<1x8x64xi32, #tpu.memory_space<vmem>>
    %dma_start3A_68 = tpu.memref_squeeze %dma_start3A_67 : memref<1x8x64xi32, #tpu.memory_space<vmem>> -> memref<8x64xi32, #tpu.memory_space<vmem>>
    %dma_start3A_69 = arith.constant 8 : i32
    %dma_start3A_70 = arith.constant 0 : i32
    %dma_start3A_71 = tpu.memref_slice %arg2[%select_n3A, %add3A_62, %dma_start3A_69, %dma_start3A_70] : memref<8x20x64x64xi32, #tpu.memory_space<hbm>> -> memref<1x1x8x64xi32, #tpu.memory_space<hbm>>
    %dma_start3A_72 = tpu.memref_squeeze %dma_start3A_71 : memref<1x1x8x64xi32, #tpu.memory_space<hbm>> -> memref<8x64xi32, #tpu.memory_space<hbm>>
    %dma_start3A_73 = tpu.memref_slice %arg9[%dma_start3A_64] : memref<2x!tpu.dma_semaphore, #tpu.memory_space<semaphore_mem>> -> memref<1x!tpu.dma_semaphore, #tpu.memory_space<semaphore_mem>>
    %dma_start3A_74 = tpu.memref_squeeze %dma_start3A_73 : memref<1x!tpu.dma_semaphore, #tpu.memory_space<semaphore_mem>> -> memref<!tpu.dma_semaphore, #tpu.memory_space<semaphore_mem>>
    %dma_start3A_75 = arith.constant 0 : i32
    %dma_start3A_76 = arith.constant 0 : i32
    %dma_start3A_77 = tpu.memref_slice %arg6[%dma_start3A_63, %dma_start3A_75, %dma_start3A_76] : memref<2x8x64xi32, #tpu.memory_space<vmem>> -> memref<1x8x64xi32, #tpu.memory_space<vmem>>
    %dma_start3A_78 = tpu.memref_squeeze %dma_start3A_77 : memref<1x8x64xi32, #tpu.memory_space<vmem>> -> memref<8x64xi32, #tpu.memory_space<vmem>>
    %dma_start3A_79 = arith.constant 8 : i32
    %dma_start3A_80 = arith.constant 0 : i32
    %dma_start3A_81 = tpu.memref_slice %arg2[%select_n3A, %add3A_62, %dma_start3A_79, %dma_start3A_80] : memref<8x20x64x64xi32, #tpu.memory_space<hbm>> -> memref<1x1x8x64xi32, #tpu.memory_space<hbm>>
    %dma_start3A_82 = tpu.memref_squeeze %dma_start3A_81 : memref<1x1x8x64xi32, #tpu.memory_space<hbm>> -> memref<8x64xi32, #tpu.memory_space<hbm>>
    tpu.enqueue_dma source(%dma_start3A_82 : memref<8x64xi32, #tpu.memory_space<hbm>>) target(%dma_start3A_78 : memref<8x64xi32, #tpu.memory_space<vmem>>) target_semaphore(%dma_start3A_74 : memref<!tpu.dma_semaphore, #tpu.memory_space<semaphore_mem>>)
    %barrier3A = arith.constant 0 : index
    tpu.barrier barrier_id(%barrier3A)
    %add3A_83 = arith.constant 0 : i32
    %add3A_84 = arith.addi %mul3A_32, %add3A_83 : i32
    %dma_wait3A = arith.constant 0 : i32
    %dma_wait3A_85 = arith.constant 0 : i32
    %dma_wait3A_86 = arith.constant 0 : i32
    %dma_wait3A_87 = arith.constant 0 : i32
    %dma_wait3A_88 = tpu.memref_slice %arg6[%dma_wait3A, %dma_wait3A_86, %dma_wait3A_87] : memref<2x8x64xi32, #tpu.memory_space<vmem>> -> memref<1x8x64xi32, #tpu.memory_space<vmem>>
    %dma_wait3A_89 = tpu.memref_squeeze %dma_wait3A_88 : memref<1x8x64xi32, #tpu.memory_space<vmem>> -> memref<8x64xi32, #tpu.memory_space<vmem>>
    %dma_wait3A_90 = arith.constant 0 : i32
    %dma_wait3A_91 = arith.constant 0 : i32
    %dma_wait3A_92 = tpu.memref_slice %arg2[%select_n3A, %add3A_84, %dma_wait3A_90, %dma_wait3A_91] : memref<8x20x64x64xi32, #tpu.memory_space<hbm>> -> memref<1x1x8x64xi32, #tpu.memory_space<hbm>>
    %dma_wait3A_93 = tpu.memref_squeeze %dma_wait3A_92 : memref<1x1x8x64xi32, #tpu.memory_space<hbm>> -> memref<8x64xi32, #tpu.memory_space<hbm>>
    %dma_wait3A_94 = tpu.memref_slice %arg9[%dma_wait3A_85] : memref<2x!tpu.dma_semaphore, #tpu.memory_space<semaphore_mem>> -> memref<1x!tpu.dma_semaphore, #tpu.memory_space<semaphore_mem>>
    %dma_wait3A_95 = tpu.memref_squeeze %dma_wait3A_94 : memref<1x!tpu.dma_semaphore, #tpu.memory_space<semaphore_mem>> -> memref<!tpu.dma_semaphore, #tpu.memory_space<semaphore_mem>>
    %dma_wait3A_96 = arith.constant 0 : i32
    %dma_wait3A_97 = arith.constant 0 : i32
    %dma_wait3A_98 = tpu.memref_slice %arg6[%dma_wait3A, %dma_wait3A_96, %dma_wait3A_97] : memref<2x8x64xi32, #tpu.memory_space<vmem>> -> memref<1x8x64xi32, #tpu.memory_space<vmem>>
    %dma_wait3A_99 = tpu.memref_squeeze %dma_wait3A_98 : memref<1x8x64xi32, #tpu.memory_space<vmem>> -> memref<8x64xi32, #tpu.memory_space<vmem>>
    %dma_wait3A_100 = arith.constant 0 : i32
    %dma_wait3A_101 = arith.constant 0 : i32
    %dma_wait3A_102 = tpu.memref_slice %arg2[%select_n3A, %add3A_84, %dma_wait3A_100, %dma_wait3A_101] : memref<8x20x64x64xi32, #tpu.memory_space<hbm>> -> memref<1x1x8x64xi32, #tpu.memory_space<hbm>>
    %dma_wait3A_103 = tpu.memref_squeeze %dma_wait3A_102 : memref<1x1x8x64xi32, #tpu.memory_space<hbm>> -> memref<8x64xi32, #tpu.memory_space<hbm>>
    tpu.wait_dma2 semaphore(%dma_wait3A_95 : memref<!tpu.dma_semaphore, #tpu.memory_space<semaphore_mem>>) src(%dma_wait3A_103 : memref<8x64xi32, #tpu.memory_space<hbm>>) dst(%dma_wait3A_99 : memref<8x64xi32, #tpu.memory_space<vmem>>)
    %dma_start3A_104 = arith.constant 0 : i32
    %dma_start3A_105 = arith.constant 0 : i32
    %dma_start3A_106 = arith.constant 0 : i32
    %dma_start3A_107 = arith.constant 0 : i32
    %dma_start3A_108 = arith.constant 0 : i32
    %dma_start3A_109 = arith.constant 0 : i32
    %dma_start3A_110 = arith.constant 0 : i32
    %dma_start3A_111 = tpu.memref_slice %arg7[%dma_start3A_106, %dma_start3A_107, %dma_start3A_109, %dma_start3A_110] : memref<2x8x64x32xf32, #tpu.memory_space<vmem>> -> memref<1x1x64x32xf32, #tpu.memory_space<vmem>>
    %dma_start3A_112 = tpu.memref_squeeze %dma_start3A_111 : memref<1x1x64x32xf32, #tpu.memory_space<vmem>> -> memref<64x32xf32, #tpu.memory_space<vmem>>
    %dma_start3A_113 = arith.constant 0 : i32
    %dma_start3A_114 = tpu.memref_slice %arg6[%dma_start3A_104, %dma_start3A_105, %dma_start3A_113] : memref<2x8x64xi32, #tpu.memory_space<vmem>> -> memref<1x1x64xi32, #tpu.memory_space<vmem>>
    %dma_start3A_115 = tpu.memref_squeeze %dma_start3A_114 : memref<1x1x64xi32, #tpu.memory_space<vmem>> -> memref<64xi32, #tpu.memory_space<vmem>>
    %dma_start3A_116 = arith.constant 0 : i32
    %dma_start3A_117 = arith.constant 0 : i32
    %dma_start3A_118 = tpu.memref_slice %arg5[%dma_start3A_116, %dma_start3A_117] : memref<1000x32xf32, #tpu.memory_space<vmem_shared>> -> memref<1000x32xf32, #tpu.memory_space<vmem_shared>>
    %dma_start3A_119 = tpu.memref_slice %arg10[%dma_start3A_108] : memref<2x!tpu.dma_semaphore, #tpu.memory_space<semaphore_mem>> -> memref<1x!tpu.dma_semaphore, #tpu.memory_space<semaphore_mem>>
    %dma_start3A_120 = tpu.memref_squeeze %dma_start3A_119 : memref<1x!tpu.dma_semaphore, #tpu.memory_space<semaphore_mem>> -> memref<!tpu.dma_semaphore, #tpu.memory_space<semaphore_mem>>
    tpu.enqueue_indirect_dma source(%dma_start3A_118 : memref<1000x32xf32, #tpu.memory_space<vmem_shared>>) target(%dma_start3A_112 : memref<64x32xf32, #tpu.memory_space<vmem>>) offsets(%dma_start3A_115 : memref<64xi32, #tpu.memory_space<vmem>>) semaphore(%dma_start3A_120 : memref<!tpu.dma_semaphore, #tpu.memory_space<semaphore_mem>>)
    %dma_start3A_121 = arith.constant 0 : i32
    %dma_start3A_122 = arith.constant 1 : i32
    %dma_start3A_123 = arith.constant 0 : i32
    %dma_start3A_124 = arith.constant 1 : i32
    %dma_start3A_125 = arith.constant 0 : i32
    %dma_start3A_126 = arith.constant 0 : i32
    %dma_start3A_127 = arith.constant 0 : i32
    %dma_start3A_128 = tpu.memref_slice %arg7[%dma_start3A_123, %dma_start3A_124, %dma_start3A_126, %dma_start3A_127] : memref<2x8x64x32xf32, #tpu.memory_space<vmem>> -> memref<1x1x64x32xf32, #tpu.memory_space<vmem>>
    %dma_start3A_129 = tpu.memref_squeeze %dma_start3A_128 : memref<1x1x64x32xf32, #tpu.memory_space<vmem>> -> memref<64x32xf32, #tpu.memory_space<vmem>>
    %dma_start3A_130 = arith.constant 0 : i32
    %dma_start3A_131 = tpu.memref_slice %arg6[%dma_start3A_121, %dma_start3A_122, %dma_start3A_130] : memref<2x8x64xi32, #tpu.memory_space<vmem>> -> memref<1x1x64xi32, #tpu.memory_space<vmem>>
    %dma_start3A_132 = tpu.memref_squeeze %dma_start3A_131 : memref<1x1x64xi32, #tpu.memory_space<vmem>> -> memref<64xi32, #tpu.memory_space<vmem>>
    %dma_start3A_133 = arith.constant 0 : i32
    %dma_start3A_134 = arith.constant 0 : i32
    %dma_start3A_135 = tpu.memref_slice %arg5[%dma_start3A_133, %dma_start3A_134] : memref<1000x32xf32, #tpu.memory_space<vmem_shared>> -> memref<1000x32xf32, #tpu.memory_space<vmem_shared>>
    %dma_start3A_136 = tpu.memref_slice %arg10[%dma_start3A_125] : memref<2x!tpu.dma_semaphore, #tpu.memory_space<semaphore_mem>> -> memref<1x!tpu.dma_semaphore, #tpu.memory_space<semaphore_mem>>
    %dma_start3A_137 = tpu.memref_squeeze %dma_start3A_136 : memref<1x!tpu.dma_semaphore, #tpu.memory_space<semaphore_mem>> -> memref<!tpu.dma_semaphore, #tpu.memory_space<semaphore_mem>>
    tpu.enqueue_indirect_dma source(%dma_start3A_135 : memref<1000x32xf32, #tpu.memory_space<vmem_shared>>) target(%dma_start3A_129 : memref<64x32xf32, #tpu.memory_space<vmem>>) offsets(%dma_start3A_132 : memref<64xi32, #tpu.memory_space<vmem>>) semaphore(%dma_start3A_137 : memref<!tpu.dma_semaphore, #tpu.memory_space<semaphore_mem>>)
    %dma_start3A_138 = arith.constant 0 : i32
    %dma_start3A_139 = arith.constant 2 : i32
    %dma_start3A_140 = arith.constant 0 : i32
    %dma_start3A_141 = arith.constant 2 : i32
    %dma_start3A_142 = arith.constant 0 : i32
    %dma_start3A_143 = arith.constant 0 : i32
    %dma_start3A_144 = arith.constant 0 : i32
    %dma_start3A_145 = tpu.memref_slice %arg7[%dma_start3A_140, %dma_start3A_141, %dma_start3A_143, %dma_start3A_144] : memref<2x8x64x32xf32, #tpu.memory_space<vmem>> -> memref<1x1x64x32xf32, #tpu.memory_space<vmem>>
    %dma_start3A_146 = tpu.memref_squeeze %dma_start3A_145 : memref<1x1x64x32xf32, #tpu.memory_space<vmem>> -> memref<64x32xf32, #tpu.memory_space<vmem>>
    %dma_start3A_147 = arith.constant 0 : i32
    %dma_start3A_148 = tpu.memref_slice %arg6[%dma_start3A_138, %dma_start3A_139, %dma_start3A_147] : memref<2x8x64xi32, #tpu.memory_space<vmem>> -> memref<1x1x64xi32, #tpu.memory_space<vmem>>
    %dma_start3A_149 = tpu.memref_squeeze %dma_start3A_148 : memref<1x1x64xi32, #tpu.memory_space<vmem>> -> memref<64xi32, #tpu.memory_space<vmem>>
    %dma_start3A_150 = arith.constant 0 : i32
    %dma_start3A_151 = arith.constant 0 : i32
    %dma_start3A_152 = tpu.memref_slice %arg5[%dma_start3A_150, %dma_start3A_151] : memref<1000x32xf32, #tpu.memory_space<vmem_shared>> -> memref<1000x32xf32, #tpu.memory_space<vmem_shared>>
    %dma_start3A_153 = tpu.memref_slice %arg10[%dma_start3A_142] : memref<2x!tpu.dma_semaphore, #tpu.memory_space<semaphore_mem>> -> memref<1x!tpu.dma_semaphore, #tpu.memory_space<semaphore_mem>>
    %dma_start3A_154 = tpu.memref_squeeze %dma_start3A_153 : memref<1x!tpu.dma_semaphore, #tpu.memory_space<semaphore_mem>> -> memref<!tpu.dma_semaphore, #tpu.memory_space<semaphore_mem>>
    tpu.enqueue_indirect_dma source(%dma_start3A_152 : memref<1000x32xf32, #tpu.memory_space<vmem_shared>>) target(%dma_start3A_146 : memref<64x32xf32, #tpu.memory_space<vmem>>) offsets(%dma_start3A_149 : memref<64xi32, #tpu.memory_space<vmem>>) semaphore(%dma_start3A_154 : memref<!tpu.dma_semaphore, #tpu.memory_space<semaphore_mem>>)
    %dma_start3A_155 = arith.constant 0 : i32
    %dma_start3A_156 = arith.constant 3 : i32
    %dma_start3A_157 = arith.constant 0 : i32
    %dma_start3A_158 = arith.constant 3 : i32
    %dma_start3A_159 = arith.constant 0 : i32
    %dma_start3A_160 = arith.constant 0 : i32
    %dma_start3A_161 = arith.constant 0 : i32
    %dma_start3A_162 = tpu.memref_slice %arg7[%dma_start3A_157, %dma_start3A_158, %dma_start3A_160, %dma_start3A_161] : memref<2x8x64x32xf32, #tpu.memory_space<vmem>> -> memref<1x1x64x32xf32, #tpu.memory_space<vmem>>
    %dma_start3A_163 = tpu.memref_squeeze %dma_start3A_162 : memref<1x1x64x32xf32, #tpu.memory_space<vmem>> -> memref<64x32xf32, #tpu.memory_space<vmem>>
    %dma_start3A_164 = arith.constant 0 : i32
    %dma_start3A_165 = tpu.memref_slice %arg6[%dma_start3A_155, %dma_start3A_156, %dma_start3A_164] : memref<2x8x64xi32, #tpu.memory_space<vmem>> -> memref<1x1x64xi32, #tpu.memory_space<vmem>>
    %dma_start3A_166 = tpu.memref_squeeze %dma_start3A_165 : memref<1x1x64xi32, #tpu.memory_space<vmem>> -> memref<64xi32, #tpu.memory_space<vmem>>
    %dma_start3A_167 = arith.constant 0 : i32
    %dma_start3A_168 = arith.constant 0 : i32
    %dma_start3A_169 = tpu.memref_slice %arg5[%dma_start3A_167, %dma_start3A_168] : memref<1000x32xf32, #tpu.memory_space<vmem_shared>> -> memref<1000x32xf32, #tpu.memory_space<vmem_shared>>
    %dma_start3A_170 = tpu.memref_slice %arg10[%dma_start3A_159] : memref<2x!tpu.dma_semaphore, #tpu.memory_space<semaphore_mem>> -> memref<1x!tpu.dma_semaphore, #tpu.memory_space<semaphore_mem>>
    %dma_start3A_171 = tpu.memref_squeeze %dma_start3A_170 : memref<1x!tpu.dma_semaphore, #tpu.memory_space<semaphore_mem>> -> memref<!tpu.dma_semaphore, #tpu.memory_space<semaphore_mem>>
    tpu.enqueue_indirect_dma source(%dma_start3A_169 : memref<1000x32xf32, #tpu.memory_space<vmem_shared>>) target(%dma_start3A_163 : memref<64x32xf32, #tpu.memory_space<vmem>>) offsets(%dma_start3A_166 : memref<64xi32, #tpu.memory_space<vmem>>) semaphore(%dma_start3A_171 : memref<!tpu.dma_semaphore, #tpu.memory_space<semaphore_mem>>)
    %dma_start3A_172 = arith.constant 0 : i32
    %dma_start3A_173 = arith.constant 4 : i32
    %dma_start3A_174 = arith.constant 0 : i32
    %dma_start3A_175 = arith.constant 4 : i32
    %dma_start3A_176 = arith.constant 0 : i32
    %dma_start3A_177 = arith.constant 0 : i32
    %dma_start3A_178 = arith.constant 0 : i32
    %dma_start3A_179 = tpu.memref_slice %arg7[%dma_start3A_174, %dma_start3A_175, %dma_start3A_177, %dma_start3A_178] : memref<2x8x64x32xf32, #tpu.memory_space<vmem>> -> memref<1x1x64x32xf32, #tpu.memory_space<vmem>>
    %dma_start3A_180 = tpu.memref_squeeze %dma_start3A_179 : memref<1x1x64x32xf32, #tpu.memory_space<vmem>> -> memref<64x32xf32, #tpu.memory_space<vmem>>
    %dma_start3A_181 = arith.constant 0 : i32
    %dma_start3A_182 = tpu.memref_slice %arg6[%dma_start3A_172, %dma_start3A_173, %dma_start3A_181] : memref<2x8x64xi32, #tpu.memory_space<vmem>> -> memref<1x1x64xi32, #tpu.memory_space<vmem>>
    %dma_start3A_183 = tpu.memref_squeeze %dma_start3A_182 : memref<1x1x64xi32, #tpu.memory_space<vmem>> -> memref<64xi32, #tpu.memory_space<vmem>>
    %dma_start3A_184 = arith.constant 0 : i32
    %dma_start3A_185 = arith.constant 0 : i32
    %dma_start3A_186 = tpu.memref_slice %arg5[%dma_start3A_184, %dma_start3A_185] : memref<1000x32xf32, #tpu.memory_space<vmem_shared>> -> memref<1000x32xf32, #tpu.memory_space<vmem_shared>>
    %dma_start3A_187 = tpu.memref_slice %arg10[%dma_start3A_176] : memref<2x!tpu.dma_semaphore, #tpu.memory_space<semaphore_mem>> -> memref<1x!tpu.dma_semaphore, #tpu.memory_space<semaphore_mem>>
    %dma_start3A_188 = tpu.memref_squeeze %dma_start3A_187 : memref<1x!tpu.dma_semaphore, #tpu.memory_space<semaphore_mem>> -> memref<!tpu.dma_semaphore, #tpu.memory_space<semaphore_mem>>
    tpu.enqueue_indirect_dma source(%dma_start3A_186 : memref<1000x32xf32, #tpu.memory_space<vmem_shared>>) target(%dma_start3A_180 : memref<64x32xf32, #tpu.memory_space<vmem>>) offsets(%dma_start3A_183 : memref<64xi32, #tpu.memory_space<vmem>>) semaphore(%dma_start3A_188 : memref<!tpu.dma_semaphore, #tpu.memory_space<semaphore_mem>>)
    %dma_start3A_189 = arith.constant 0 : i32
    %dma_start3A_190 = arith.constant 5 : i32
    %dma_start3A_191 = arith.constant 0 : i32
    %dma_start3A_192 = arith.constant 5 : i32
    %dma_start3A_193 = arith.constant 0 : i32
    %dma_start3A_194 = arith.constant 0 : i32
    %dma_start3A_195 = arith.constant 0 : i32
    %dma_start3A_196 = tpu.memref_slice %arg7[%dma_start3A_191, %dma_start3A_192, %dma_start3A_194, %dma_start3A_195] : memref<2x8x64x32xf32, #tpu.memory_space<vmem>> -> memref<1x1x64x32xf32, #tpu.memory_space<vmem>>
    %dma_start3A_197 = tpu.memref_squeeze %dma_start3A_196 : memref<1x1x64x32xf32, #tpu.memory_space<vmem>> -> memref<64x32xf32, #tpu.memory_space<vmem>>
    %dma_start3A_198 = arith.constant 0 : i32
    %dma_start3A_199 = tpu.memref_slice %arg6[%dma_start3A_189, %dma_start3A_190, %dma_start3A_198] : memref<2x8x64xi32, #tpu.memory_space<vmem>> -> memref<1x1x64xi32, #tpu.memory_space<vmem>>
    %dma_start3A_200 = tpu.memref_squeeze %dma_start3A_199 : memref<1x1x64xi32, #tpu.memory_space<vmem>> -> memref<64xi32, #tpu.memory_space<vmem>>
    %dma_start3A_201 = arith.constant 0 : i32
    %dma_start3A_202 = arith.constant 0 : i32
    %dma_start3A_203 = tpu.memref_slice %arg5[%dma_start3A_201, %dma_start3A_202] : memref<1000x32xf32, #tpu.memory_space<vmem_shared>> -> memref<1000x32xf32, #tpu.memory_space<vmem_shared>>
    %dma_start3A_204 = tpu.memref_slice %arg10[%dma_start3A_193] : memref<2x!tpu.dma_semaphore, #tpu.memory_space<semaphore_mem>> -> memref<1x!tpu.dma_semaphore, #tpu.memory_space<semaphore_mem>>
    %dma_start3A_205 = tpu.memref_squeeze %dma_start3A_204 : memref<1x!tpu.dma_semaphore, #tpu.memory_space<semaphore_mem>> -> memref<!tpu.dma_semaphore, #tpu.memory_space<semaphore_mem>>
    tpu.enqueue_indirect_dma source(%dma_start3A_203 : memref<1000x32xf32, #tpu.memory_space<vmem_shared>>) target(%dma_start3A_197 : memref<64x32xf32, #tpu.memory_space<vmem>>) offsets(%dma_start3A_200 : memref<64xi32, #tpu.memory_space<vmem>>) semaphore(%dma_start3A_205 : memref<!tpu.dma_semaphore, #tpu.memory_space<semaphore_mem>>)
    %dma_start3A_206 = arith.constant 0 : i32
    %dma_start3A_207 = arith.constant 6 : i32
    %dma_start3A_208 = arith.constant 0 : i32
    %dma_start3A_209 = arith.constant 6 : i32
    %dma_start3A_210 = arith.constant 0 : i32
    %dma_start3A_211 = arith.constant 0 : i32
    %dma_start3A_212 = arith.constant 0 : i32
    %dma_start3A_213 = tpu.memref_slice %arg7[%dma_start3A_208, %dma_start3A_209, %dma_start3A_211, %dma_start3A_212] : memref<2x8x64x32xf32, #tpu.memory_space<vmem>> -> memref<1x1x64x32xf32, #tpu.memory_space<vmem>>
    %dma_start3A_214 = tpu.memref_squeeze %dma_start3A_213 : memref<1x1x64x32xf32, #tpu.memory_space<vmem>> -> memref<64x32xf32, #tpu.memory_space<vmem>>
    %dma_start3A_215 = arith.constant 0 : i32
    %dma_start3A_216 = tpu.memref_slice %arg6[%dma_start3A_206, %dma_start3A_207, %dma_start3A_215] : memref<2x8x64xi32, #tpu.memory_space<vmem>> -> memref<1x1x64xi32, #tpu.memory_space<vmem>>
    %dma_start3A_217 = tpu.memref_squeeze %dma_start3A_216 : memref<1x1x64xi32, #tpu.memory_space<vmem>> -> memref<64xi32, #tpu.memory_space<vmem>>
    %dma_start3A_218 = arith.constant 0 : i32
    %dma_start3A_219 = arith.constant 0 : i32
    %dma_start3A_220 = tpu.memref_slice %arg5[%dma_start3A_218, %dma_start3A_219] : memref<1000x32xf32, #tpu.memory_space<vmem_shared>> -> memref<1000x32xf32, #tpu.memory_space<vmem_shared>>
    %dma_start3A_221 = tpu.memref_slice %arg10[%dma_start3A_210] : memref<2x!tpu.dma_semaphore, #tpu.memory_space<semaphore_mem>> -> memref<1x!tpu.dma_semaphore, #tpu.memory_space<semaphore_mem>>
    %dma_start3A_222 = tpu.memref_squeeze %dma_start3A_221 : memref<1x!tpu.dma_semaphore, #tpu.memory_space<semaphore_mem>> -> memref<!tpu.dma_semaphore, #tpu.memory_space<semaphore_mem>>
    tpu.enqueue_indirect_dma source(%dma_start3A_220 : memref<1000x32xf32, #tpu.memory_space<vmem_shared>>) target(%dma_start3A_214 : memref<64x32xf32, #tpu.memory_space<vmem>>) offsets(%dma_start3A_217 : memref<64xi32, #tpu.memory_space<vmem>>) semaphore(%dma_start3A_222 : memref<!tpu.dma_semaphore, #tpu.memory_space<semaphore_mem>>)
    %dma_start3A_223 = arith.constant 0 : i32
    %dma_start3A_224 = arith.constant 7 : i32
    %dma_start3A_225 = arith.constant 0 : i32
    %dma_start3A_226 = arith.constant 7 : i32
    %dma_start3A_227 = arith.constant 0 : i32
    %dma_start3A_228 = arith.constant 0 : i32
    %dma_start3A_229 = arith.constant 0 : i32
    %dma_start3A_230 = tpu.memref_slice %arg7[%dma_start3A_225, %dma_start3A_226, %dma_start3A_228, %dma_start3A_229] : memref<2x8x64x32xf32, #tpu.memory_space<vmem>> -> memref<1x1x64x32xf32, #tpu.memory_space<vmem>>
    %dma_start3A_231 = tpu.memref_squeeze %dma_start3A_230 : memref<1x1x64x32xf32, #tpu.memory_space<vmem>> -> memref<64x32xf32, #tpu.memory_space<vmem>>
    %dma_start3A_232 = arith.constant 0 : i32
    %dma_start3A_233 = tpu.memref_slice %arg6[%dma_start3A_223, %dma_start3A_224, %dma_start3A_232] : memref<2x8x64xi32, #tpu.memory_space<vmem>> -> memref<1x1x64xi32, #tpu.memory_space<vmem>>
    %dma_start3A_234 = tpu.memref_squeeze %dma_start3A_233 : memref<1x1x64xi32, #tpu.memory_space<vmem>> -> memref<64xi32, #tpu.memory_space<vmem>>
    %dma_start3A_235 = arith.constant 0 : i32
    %dma_start3A_236 = arith.constant 0 : i32
    %dma_start3A_237 = tpu.memref_slice %arg5[%dma_start3A_235, %dma_start3A_236] : memref<1000x32xf32, #tpu.memory_space<vmem_shared>> -> memref<1000x32xf32, #tpu.memory_space<vmem_shared>>
    %dma_start3A_238 = tpu.memref_slice %arg10[%dma_start3A_227] : memref<2x!tpu.dma_semaphore, #tpu.memory_space<semaphore_mem>> -> memref<1x!tpu.dma_semaphore, #tpu.memory_space<semaphore_mem>>
    %dma_start3A_239 = tpu.memref_squeeze %dma_start3A_238 : memref<1x!tpu.dma_semaphore, #tpu.memory_space<semaphore_mem>> -> memref<!tpu.dma_semaphore, #tpu.memory_space<semaphore_mem>>
    tpu.enqueue_indirect_dma source(%dma_start3A_237 : memref<1000x32xf32, #tpu.memory_space<vmem_shared>>) target(%dma_start3A_231 : memref<64x32xf32, #tpu.memory_space<vmem>>) offsets(%dma_start3A_234 : memref<64xi32, #tpu.memory_space<vmem>>) semaphore(%dma_start3A_239 : memref<!tpu.dma_semaphore, #tpu.memory_space<semaphore_mem>>)
    %scan3A = arith.constant 0 : i32
    %scan3A_240 = arith.constant 0 : i32
    %scan3A_241 = arith.constant 20 : i32
    %scan3A_242 = arith.addi %scan3A_240, %scan3A_241 : i32
    %scan3A_243 = arith.constant 1 : i32
    scf.for %scan3A_297 = %scan3A_240 to %scan3A_242 step %scan3A_243  : i32 {
      %mul3A_298 = arith.constant 2 : i32
      %mul3A_299 = arith.muli %mul3A_298, %scan3A_297 : i32
      %add3A_300 = arith.constant 1 : i32
      %add3A_301 = arith.addi %mul3A_299, %add3A_300 : i32
      %lt3A_302 = arith.constant 19 : i32
      %lt3A_303 = arith.cmpi slt, %scan3A_297, %lt3A_302 : i32
      %dma_wait3A_304 = arith.constant 0 : i32
      %dma_wait3A_305 = arith.constant 0 : i32
      %dma_wait3A_306 = arith.constant 0 : i32
      %dma_wait3A_307 = arith.constant 0 : i32
      %dma_wait3A_308 = arith.constant 0 : i32
      %dma_wait3A_309 = arith.constant 0 : i32
      %dma_wait3A_310 = arith.constant 0 : i32
      %dma_wait3A_311 = tpu.memref_slice %arg7[%dma_wait3A_306, %dma_wait3A_307, %dma_wait3A_309, %dma_wait3A_310] : memref<2x8x64x32xf32, #tpu.memory_space<vmem>> -> memref<1x1x64x32xf32, #tpu.memory_space<vmem>>
      %dma_wait3A_312 = tpu.memref_squeeze %dma_wait3A_311 : memref<1x1x64x32xf32, #tpu.memory_space<vmem>> -> memref<64x32xf32, #tpu.memory_space<vmem>>
      %dma_wait3A_313 = arith.constant 0 : i32
      %dma_wait3A_314 = tpu.memref_slice %arg6[%dma_wait3A_304, %dma_wait3A_305, %dma_wait3A_313] : memref<2x8x64xi32, #tpu.memory_space<vmem>> -> memref<1x1x64xi32, #tpu.memory_space<vmem>>
      %dma_wait3A_315 = tpu.memref_squeeze %dma_wait3A_314 : memref<1x1x64xi32, #tpu.memory_space<vmem>> -> memref<64xi32, #tpu.memory_space<vmem>>
      %dma_wait3A_316 = arith.constant 0 : i32
      %dma_wait3A_317 = arith.constant 0 : i32
      %dma_wait3A_318 = tpu.memref_slice %arg5[%dma_wait3A_316, %dma_wait3A_317] : memref<1000x32xf32, #tpu.memory_space<vmem_shared>> -> memref<1000x32xf32, #tpu.memory_space<vmem_shared>>
      %dma_wait3A_319 = tpu.memref_slice %arg10[%dma_wait3A_308] : memref<2x!tpu.dma_semaphore, #tpu.memory_space<semaphore_mem>> -> memref<1x!tpu.dma_semaphore, #tpu.memory_space<semaphore_mem>>
      %dma_wait3A_320 = tpu.memref_squeeze %dma_wait3A_319 : memref<1x!tpu.dma_semaphore, #tpu.memory_space<semaphore_mem>> -> memref<!tpu.dma_semaphore, #tpu.memory_space<semaphore_mem>>
      tpu.wait_indirect_dma semaphore(%dma_wait3A_320 : memref<!tpu.dma_semaphore, #tpu.memory_space<semaphore_mem>>) src(%dma_wait3A_318 : memref<1000x32xf32, #tpu.memory_space<vmem_shared>>) dst(%dma_wait3A_312 : memref<64x32xf32, #tpu.memory_space<vmem>>)
      %dma_wait3A_321 = arith.constant 0 : i32
      %dma_wait3A_322 = arith.constant 1 : i32
      %dma_wait3A_323 = arith.constant 0 : i32
      %dma_wait3A_324 = arith.constant 1 : i32
      %dma_wait3A_325 = arith.constant 0 : i32
      %dma_wait3A_326 = arith.constant 0 : i32
      %dma_wait3A_327 = arith.constant 0 : i32
      %dma_wait3A_328 = tpu.memref_slice %arg7[%dma_wait3A_323, %dma_wait3A_324, %dma_wait3A_326, %dma_wait3A_327] : memref<2x8x64x32xf32, #tpu.memory_space<vmem>> -> memref<1x1x64x32xf32, #tpu.memory_space<vmem>>
      %dma_wait3A_329 = tpu.memref_squeeze %dma_wait3A_328 : memref<1x1x64x32xf32, #tpu.memory_space<vmem>> -> memref<64x32xf32, #tpu.memory_space<vmem>>
      %dma_wait3A_330 = arith.constant 0 : i32
      %dma_wait3A_331 = tpu.memref_slice %arg6[%dma_wait3A_321, %dma_wait3A_322, %dma_wait3A_330] : memref<2x8x64xi32, #tpu.memory_space<vmem>> -> memref<1x1x64xi32, #tpu.memory_space<vmem>>
      %dma_wait3A_332 = tpu.memref_squeeze %dma_wait3A_331 : memref<1x1x64xi32, #tpu.memory_space<vmem>> -> memref<64xi32, #tpu.memory_space<vmem>>
      %dma_wait3A_333 = arith.constant 0 : i32
      %dma_wait3A_334 = arith.constant 0 : i32
      %dma_wait3A_335 = tpu.memref_slice %arg5[%dma_wait3A_333, %dma_wait3A_334] : memref<1000x32xf32, #tpu.memory_space<vmem_shared>> -> memref<1000x32xf32, #tpu.memory_space<vmem_shared>>
      %dma_wait3A_336 = tpu.memref_slice %arg10[%dma_wait3A_325] : memref<2x!tpu.dma_semaphore, #tpu.memory_space<semaphore_mem>> -> memref<1x!tpu.dma_semaphore, #tpu.memory_space<semaphore_mem>>
      %dma_wait3A_337 = tpu.memref_squeeze %dma_wait3A_336 : memref<1x!tpu.dma_semaphore, #tpu.memory_space<semaphore_mem>> -> memref<!tpu.dma_semaphore, #tpu.memory_space<semaphore_mem>>
      tpu.wait_indirect_dma semaphore(%dma_wait3A_337 : memref<!tpu.dma_semaphore, #tpu.memory_space<semaphore_mem>>) src(%dma_wait3A_335 : memref<1000x32xf32, #tpu.memory_space<vmem_shared>>) dst(%dma_wait3A_329 : memref<64x32xf32, #tpu.memory_space<vmem>>)
      %dma_wait3A_338 = arith.constant 0 : i32
      %dma_wait3A_339 = arith.constant 2 : i32
      %dma_wait3A_340 = arith.constant 0 : i32
      %dma_wait3A_341 = arith.constant 2 : i32
      %dma_wait3A_342 = arith.constant 0 : i32
      %dma_wait3A_343 = arith.constant 0 : i32
      %dma_wait3A_344 = arith.constant 0 : i32
      %dma_wait3A_345 = tpu.memref_slice %arg7[%dma_wait3A_340, %dma_wait3A_341, %dma_wait3A_343, %dma_wait3A_344] : memref<2x8x64x32xf32, #tpu.memory_space<vmem>> -> memref<1x1x64x32xf32, #tpu.memory_space<vmem>>
      %dma_wait3A_346 = tpu.memref_squeeze %dma_wait3A_345 : memref<1x1x64x32xf32, #tpu.memory_space<vmem>> -> memref<64x32xf32, #tpu.memory_space<vmem>>
      %dma_wait3A_347 = arith.constant 0 : i32
      %dma_wait3A_348 = tpu.memref_slice %arg6[%dma_wait3A_338, %dma_wait3A_339, %dma_wait3A_347] : memref<2x8x64xi32, #tpu.memory_space<vmem>> -> memref<1x1x64xi32, #tpu.memory_space<vmem>>
      %dma_wait3A_349 = tpu.memref_squeeze %dma_wait3A_348 : memref<1x1x64xi32, #tpu.memory_space<vmem>> -> memref<64xi32, #tpu.memory_space<vmem>>
      %dma_wait3A_350 = arith.constant 0 : i32
      %dma_wait3A_351 = arith.constant 0 : i32
      %dma_wait3A_352 = tpu.memref_slice %arg5[%dma_wait3A_350, %dma_wait3A_351] : memref<1000x32xf32, #tpu.memory_space<vmem_shared>> -> memref<1000x32xf32, #tpu.memory_space<vmem_shared>>
      %dma_wait3A_353 = tpu.memref_slice %arg10[%dma_wait3A_342] : memref<2x!tpu.dma_semaphore, #tpu.memory_space<semaphore_mem>> -> memref<1x!tpu.dma_semaphore, #tpu.memory_space<semaphore_mem>>
      %dma_wait3A_354 = tpu.memref_squeeze %dma_wait3A_353 : memref<1x!tpu.dma_semaphore, #tpu.memory_space<semaphore_mem>> -> memref<!tpu.dma_semaphore, #tpu.memory_space<semaphore_mem>>
      tpu.wait_indirect_dma semaphore(%dma_wait3A_354 : memref<!tpu.dma_semaphore, #tpu.memory_space<semaphore_mem>>) src(%dma_wait3A_352 : memref<1000x32xf32, #tpu.memory_space<vmem_shared>>) dst(%dma_wait3A_346 : memref<64x32xf32, #tpu.memory_space<vmem>>)
      %dma_wait3A_355 = arith.constant 0 : i32
      %dma_wait3A_356 = arith.constant 3 : i32
      %dma_wait3A_357 = arith.constant 0 : i32
      %dma_wait3A_358 = arith.constant 3 : i32
      %dma_wait3A_359 = arith.constant 0 : i32
      %dma_wait3A_360 = arith.constant 0 : i32
      %dma_wait3A_361 = arith.constant 0 : i32
      %dma_wait3A_362 = tpu.memref_slice %arg7[%dma_wait3A_357, %dma_wait3A_358, %dma_wait3A_360, %dma_wait3A_361] : memref<2x8x64x32xf32, #tpu.memory_space<vmem>> -> memref<1x1x64x32xf32, #tpu.memory_space<vmem>>
      %dma_wait3A_363 = tpu.memref_squeeze %dma_wait3A_362 : memref<1x1x64x32xf32, #tpu.memory_space<vmem>> -> memref<64x32xf32, #tpu.memory_space<vmem>>
      %dma_wait3A_364 = arith.constant 0 : i32
      %dma_wait3A_365 = tpu.memref_slice %arg6[%dma_wait3A_355, %dma_wait3A_356, %dma_wait3A_364] : memref<2x8x64xi32, #tpu.memory_space<vmem>> -> memref<1x1x64xi32, #tpu.memory_space<vmem>>
      %dma_wait3A_366 = tpu.memref_squeeze %dma_wait3A_365 : memref<1x1x64xi32, #tpu.memory_space<vmem>> -> memref<64xi32, #tpu.memory_space<vmem>>
      %dma_wait3A_367 = arith.constant 0 : i32
      %dma_wait3A_368 = arith.constant 0 : i32
      %dma_wait3A_369 = tpu.memref_slice %arg5[%dma_wait3A_367, %dma_wait3A_368] : memref<1000x32xf32, #tpu.memory_space<vmem_shared>> -> memref<1000x32xf32, #tpu.memory_space<vmem_shared>>
      %dma_wait3A_370 = tpu.memref_slice %arg10[%dma_wait3A_359] : memref<2x!tpu.dma_semaphore, #tpu.memory_space<semaphore_mem>> -> memref<1x!tpu.dma_semaphore, #tpu.memory_space<semaphore_mem>>
      %dma_wait3A_371 = tpu.memref_squeeze %dma_wait3A_370 : memref<1x!tpu.dma_semaphore, #tpu.memory_space<semaphore_mem>> -> memref<!tpu.dma_semaphore, #tpu.memory_space<semaphore_mem>>
      tpu.wait_indirect_dma semaphore(%dma_wait3A_371 : memref<!tpu.dma_semaphore, #tpu.memory_space<semaphore_mem>>) src(%dma_wait3A_369 : memref<1000x32xf32, #tpu.memory_space<vmem_shared>>) dst(%dma_wait3A_363 : memref<64x32xf32, #tpu.memory_space<vmem>>)
      %dma_wait3A_372 = arith.constant 0 : i32
      %dma_wait3A_373 = arith.constant 4 : i32
      %dma_wait3A_374 = arith.constant 0 : i32
      %dma_wait3A_375 = arith.constant 4 : i32
      %dma_wait3A_376 = arith.constant 0 : i32
      %dma_wait3A_377 = arith.constant 0 : i32
      %dma_wait3A_378 = arith.constant 0 : i32
      %dma_wait3A_379 = tpu.memref_slice %arg7[%dma_wait3A_374, %dma_wait3A_375, %dma_wait3A_377, %dma_wait3A_378] : memref<2x8x64x32xf32, #tpu.memory_space<vmem>> -> memref<1x1x64x32xf32, #tpu.memory_space<vmem>>
      %dma_wait3A_380 = tpu.memref_squeeze %dma_wait3A_379 : memref<1x1x64x32xf32, #tpu.memory_space<vmem>> -> memref<64x32xf32, #tpu.memory_space<vmem>>
      %dma_wait3A_381 = arith.constant 0 : i32
      %dma_wait3A_382 = tpu.memref_slice %arg6[%dma_wait3A_372, %dma_wait3A_373, %dma_wait3A_381] : memref<2x8x64xi32, #tpu.memory_space<vmem>> -> memref<1x1x64xi32, #tpu.memory_space<vmem>>
      %dma_wait3A_383 = tpu.memref_squeeze %dma_wait3A_382 : memref<1x1x64xi32, #tpu.memory_space<vmem>> -> memref<64xi32, #tpu.memory_space<vmem>>
      %dma_wait3A_384 = arith.constant 0 : i32
      %dma_wait3A_385 = arith.constant 0 : i32
      %dma_wait3A_386 = tpu.memref_slice %arg5[%dma_wait3A_384, %dma_wait3A_385] : memref<1000x32xf32, #tpu.memory_space<vmem_shared>> -> memref<1000x32xf32, #tpu.memory_space<vmem_shared>>
      %dma_wait3A_387 = tpu.memref_slice %arg10[%dma_wait3A_376] : memref<2x!tpu.dma_semaphore, #tpu.memory_space<semaphore_mem>> -> memref<1x!tpu.dma_semaphore, #tpu.memory_space<semaphore_mem>>
      %dma_wait3A_388 = tpu.memref_squeeze %dma_wait3A_387 : memref<1x!tpu.dma_semaphore, #tpu.memory_space<semaphore_mem>> -> memref<!tpu.dma_semaphore, #tpu.memory_space<semaphore_mem>>
      tpu.wait_indirect_dma semaphore(%dma_wait3A_388 : memref<!tpu.dma_semaphore, #tpu.memory_space<semaphore_mem>>) src(%dma_wait3A_386 : memref<1000x32xf32, #tpu.memory_space<vmem_shared>>) dst(%dma_wait3A_380 : memref<64x32xf32, #tpu.memory_space<vmem>>)
      %dma_wait3A_389 = arith.constant 0 : i32
      %dma_wait3A_390 = arith.constant 5 : i32
      %dma_wait3A_391 = arith.constant 0 : i32
      %dma_wait3A_392 = arith.constant 5 : i32
      %dma_wait3A_393 = arith.constant 0 : i32
      %dma_wait3A_394 = arith.constant 0 : i32
      %dma_wait3A_395 = arith.constant 0 : i32
      %dma_wait3A_396 = tpu.memref_slice %arg7[%dma_wait3A_391, %dma_wait3A_392, %dma_wait3A_394, %dma_wait3A_395] : memref<2x8x64x32xf32, #tpu.memory_space<vmem>> -> memref<1x1x64x32xf32, #tpu.memory_space<vmem>>
      %dma_wait3A_397 = tpu.memref_squeeze %dma_wait3A_396 : memref<1x1x64x32xf32, #tpu.memory_space<vmem>> -> memref<64x32xf32, #tpu.memory_space<vmem>>
      %dma_wait3A_398 = arith.constant 0 : i32
      %dma_wait3A_399 = tpu.memref_slice %arg6[%dma_wait3A_389, %dma_wait3A_390, %dma_wait3A_398] : memref<2x8x64xi32, #tpu.memory_space<vmem>> -> memref<1x1x64xi32, #tpu.memory_space<vmem>>
      %dma_wait3A_400 = tpu.memref_squeeze %dma_wait3A_399 : memref<1x1x64xi32, #tpu.memory_space<vmem>> -> memref<64xi32, #tpu.memory_space<vmem>>
      %dma_wait3A_401 = arith.constant 0 : i32
      %dma_wait3A_402 = arith.constant 0 : i32
      %dma_wait3A_403 = tpu.memref_slice %arg5[%dma_wait3A_401, %dma_wait3A_402] : memref<1000x32xf32, #tpu.memory_space<vmem_shared>> -> memref<1000x32xf32, #tpu.memory_space<vmem_shared>>
      %dma_wait3A_404 = tpu.memref_slice %arg10[%dma_wait3A_393] : memref<2x!tpu.dma_semaphore, #tpu.memory_space<semaphore_mem>> -> memref<1x!tpu.dma_semaphore, #tpu.memory_space<semaphore_mem>>
      %dma_wait3A_405 = tpu.memref_squeeze %dma_wait3A_404 : memref<1x!tpu.dma_semaphore, #tpu.memory_space<semaphore_mem>> -> memref<!tpu.dma_semaphore, #tpu.memory_space<semaphore_mem>>
      tpu.wait_indirect_dma semaphore(%dma_wait3A_405 : memref<!tpu.dma_semaphore, #tpu.memory_space<semaphore_mem>>) src(%dma_wait3A_403 : memref<1000x32xf32, #tpu.memory_space<vmem_shared>>) dst(%dma_wait3A_397 : memref<64x32xf32, #tpu.memory_space<vmem>>)
      %dma_wait3A_406 = arith.constant 0 : i32
      %dma_wait3A_407 = arith.constant 6 : i32
      %dma_wait3A_408 = arith.constant 0 : i32
      %dma_wait3A_409 = arith.constant 6 : i32
      %dma_wait3A_410 = arith.constant 0 : i32
      %dma_wait3A_411 = arith.constant 0 : i32
      %dma_wait3A_412 = arith.constant 0 : i32
      %dma_wait3A_413 = tpu.memref_slice %arg7[%dma_wait3A_408, %dma_wait3A_409, %dma_wait3A_411, %dma_wait3A_412] : memref<2x8x64x32xf32, #tpu.memory_space<vmem>> -> memref<1x1x64x32xf32, #tpu.memory_space<vmem>>
      %dma_wait3A_414 = tpu.memref_squeeze %dma_wait3A_413 : memref<1x1x64x32xf32, #tpu.memory_space<vmem>> -> memref<64x32xf32, #tpu.memory_space<vmem>>
      %dma_wait3A_415 = arith.constant 0 : i32
      %dma_wait3A_416 = tpu.memref_slice %arg6[%dma_wait3A_406, %dma_wait3A_407, %dma_wait3A_415] : memref<2x8x64xi32, #tpu.memory_space<vmem>> -> memref<1x1x64xi32, #tpu.memory_space<vmem>>
      %dma_wait3A_417 = tpu.memref_squeeze %dma_wait3A_416 : memref<1x1x64xi32, #tpu.memory_space<vmem>> -> memref<64xi32, #tpu.memory_space<vmem>>
      %dma_wait3A_418 = arith.constant 0 : i32
      %dma_wait3A_419 = arith.constant 0 : i32
      %dma_wait3A_420 = tpu.memref_slice %arg5[%dma_wait3A_418, %dma_wait3A_419] : memref<1000x32xf32, #tpu.memory_space<vmem_shared>> -> memref<1000x32xf32, #tpu.memory_space<vmem_shared>>
      %dma_wait3A_421 = tpu.memref_slice %arg10[%dma_wait3A_410] : memref<2x!tpu.dma_semaphore, #tpu.memory_space<semaphore_mem>> -> memref<1x!tpu.dma_semaphore, #tpu.memory_space<semaphore_mem>>
      %dma_wait3A_422 = tpu.memref_squeeze %dma_wait3A_421 : memref<1x!tpu.dma_semaphore, #tpu.memory_space<semaphore_mem>> -> memref<!tpu.dma_semaphore, #tpu.memory_space<semaphore_mem>>
      tpu.wait_indirect_dma semaphore(%dma_wait3A_422 : memref<!tpu.dma_semaphore, #tpu.memory_space<semaphore_mem>>) src(%dma_wait3A_420 : memref<1000x32xf32, #tpu.memory_space<vmem_shared>>) dst(%dma_wait3A_414 : memref<64x32xf32, #tpu.memory_space<vmem>>)
      %dma_wait3A_423 = arith.constant 0 : i32
      %dma_wait3A_424 = arith.constant 7 : i32
      %dma_wait3A_425 = arith.constant 0 : i32
      %dma_wait3A_426 = arith.constant 7 : i32
      %dma_wait3A_427 = arith.constant 0 : i32
      %dma_wait3A_428 = arith.constant 0 : i32
      %dma_wait3A_429 = arith.constant 0 : i32
      %dma_wait3A_430 = tpu.memref_slice %arg7[%dma_wait3A_425, %dma_wait3A_426, %dma_wait3A_428, %dma_wait3A_429] : memref<2x8x64x32xf32, #tpu.memory_space<vmem>> -> memref<1x1x64x32xf32, #tpu.memory_space<vmem>>
      %dma_wait3A_431 = tpu.memref_squeeze %dma_wait3A_430 : memref<1x1x64x32xf32, #tpu.memory_space<vmem>> -> memref<64x32xf32, #tpu.memory_space<vmem>>
      %dma_wait3A_432 = arith.constant 0 : i32
      %dma_wait3A_433 = tpu.memref_slice %arg6[%dma_wait3A_423, %dma_wait3A_424, %dma_wait3A_432] : memref<2x8x64xi32, #tpu.memory_space<vmem>> -> memref<1x1x64xi32, #tpu.memory_space<vmem>>
      %dma_wait3A_434 = tpu.memref_squeeze %dma_wait3A_433 : memref<1x1x64xi32, #tpu.memory_space<vmem>> -> memref<64xi32, #tpu.memory_space<vmem>>
      %dma_wait3A_435 = arith.constant 0 : i32
      %dma_wait3A_436 = arith.constant 0 : i32
      %dma_wait3A_437 = tpu.memref_slice %arg5[%dma_wait3A_435, %dma_wait3A_436] : memref<1000x32xf32, #tpu.memory_space<vmem_shared>> -> memref<1000x32xf32, #tpu.memory_space<vmem_shared>>
      %dma_wait3A_438 = tpu.memref_slice %arg10[%dma_wait3A_427] : memref<2x!tpu.dma_semaphore, #tpu.memory_space<semaphore_mem>> -> memref<1x!tpu.dma_semaphore, #tpu.memory_space<semaphore_mem>>
      %dma_wait3A_439 = tpu.memref_squeeze %dma_wait3A_438 : memref<1x!tpu.dma_semaphore, #tpu.memory_space<semaphore_mem>> -> memref<!tpu.dma_semaphore, #tpu.memory_space<semaphore_mem>>
      tpu.wait_indirect_dma semaphore(%dma_wait3A_439 : memref<!tpu.dma_semaphore, #tpu.memory_space<semaphore_mem>>) src(%dma_wait3A_437 : memref<1000x32xf32, #tpu.memory_space<vmem_shared>>) dst(%dma_wait3A_431 : memref<64x32xf32, #tpu.memory_space<vmem>>)
      %convert_element_type3A_440 = arith.extui %lt3A_303 : i1 to i32
      %cond3A_441 = arith.constant 0 : i32
      %cond3A_442 = arith.cmpi ne, %convert_element_type3A_440, %cond3A_441 : i32
      scf.if %cond3A_442 {
        %add3A_933 = arith.constant 2 : i32
        %add3A_934 = arith.addi %mul3A_299, %add3A_933 : i32
        %jit3A_935 = arith.constant 8 : i32
        %div3A_936 = arith.divsi %add3A_934, %jit3A_935 : i32
        %sign3A_937 = arith.constant 0 : i32
        %sign3A_938 = arith.cmpi sgt, %add3A_934, %sign3A_937 : i32
        %sign3A_939 = arith.extui %sign3A_938 : i1 to i32
        %sign3A_940 = arith.constant 0 : i32
        %sign3A_941 = arith.cmpi slt, %add3A_934, %sign3A_940 : i32
        %sign3A_942 = arith.extui %sign3A_941 : i1 to i32
        %sign3A_943 = arith.subi %sign3A_939, %sign3A_942 : i32
        %sign3A_944 = arith.constant 0 : i32
        %sign3A_945 = arith.cmpi sgt, %jit3A_935, %sign3A_944 : i32
        %sign3A_946 = arith.extui %sign3A_945 : i1 to i32
        %sign3A_947 = arith.constant 0 : i32
        %sign3A_948 = arith.cmpi slt, %jit3A_935, %sign3A_947 : i32
        %sign3A_949 = arith.extui %sign3A_948 : i1 to i32
        %sign3A_950 = arith.subi %sign3A_946, %sign3A_949 : i32
        %ne3A_951 = arith.cmpi ne, %sign3A_943, %sign3A_950 : i32
        %rem3A_952 = arith.remsi %add3A_934, %jit3A_935 : i32
        %ne3A_953 = arith.constant 0 : i32
        %ne3A_954 = arith.cmpi ne, %rem3A_952, %ne3A_953 : i32
        %and3A_955 = arith.andi %ne3A_951, %ne3A_954 : i1
        %sub3A_956 = arith.constant 1 : i32
        %sub3A_957 = arith.subi %div3A_936, %sub3A_956 : i32
        %select_n3A_958 = arith.select %and3A_955, %sub3A_957, %div3A_936 : i32
        %jit3A_959 = arith.constant 8 : i32
        %eq3A_960 = arith.constant 0 : i32
        %eq3A_961 = arith.cmpi eq, %jit3A_959, %eq3A_960 : i32
        %jit3A_962 = arith.constant 1 : i32
        %select_n3A_963 = arith.select %eq3A_961, %jit3A_962, %jit3A_959 : i32
        %rem3A_964 = arith.remsi %add3A_934, %select_n3A_963 : i32
        %ne3A_965 = arith.constant 0 : i32
        %ne3A_966 = arith.cmpi ne, %rem3A_964, %ne3A_965 : i32
        %lt3A_967 = arith.constant 0 : i32
        %lt3A_968 = arith.cmpi slt, %rem3A_964, %lt3A_967 : i32
        %lt3A_969 = arith.constant 0 : i32
        %lt3A_970 = arith.cmpi slt, %select_n3A_963, %lt3A_969 : i32
        %ne3A_971 = arith.xori %lt3A_968, %lt3A_970 : i1
        %and3A_972 = arith.andi %ne3A_971, %ne3A_966 : i1
        %add3A_973 = arith.addi %rem3A_964, %select_n3A_963 : i32
        %select_n3A_974 = arith.select %and3A_972, %add3A_973, %rem3A_964 : i32
        %add3A_975 = arith.addi %mul3A_32, %select_n3A_958 : i32
        %mul3A_976 = arith.constant 8 : i32
        %mul3A_977 = arith.muli %select_n3A_974, %mul3A_976 : i32
        %dma_start3A_978 = arith.constant 0 : i32
        %dma_start3A_979 = arith.constant 0 : i32
        %dma_start3A_980 = arith.constant 0 : i32
        %dma_start3A_981 = arith.constant 0 : i32
        %dma_start3A_982 = tpu.memref_slice %arg6[%dma_start3A_978, %dma_start3A_980, %dma_start3A_981] : memref<2x8x64xi32, #tpu.memory_space<vmem>> -> memref<1x8x64xi32, #tpu.memory_space<vmem>>
        %dma_start3A_983 = tpu.memref_squeeze %dma_start3A_982 : memref<1x8x64xi32, #tpu.memory_space<vmem>> -> memref<8x64xi32, #tpu.memory_space<vmem>>
        %dma_start3A_984 = arith.constant 0 : i32
        %dma_start3A_985 = tpu.memref_slice %arg2[%select_n3A, %add3A_975, %mul3A_977, %dma_start3A_984] : memref<8x20x64x64xi32, #tpu.memory_space<hbm>> -> memref<1x1x8x64xi32, #tpu.memory_space<hbm>>
        %dma_start3A_986 = tpu.memref_squeeze %dma_start3A_985 : memref<1x1x8x64xi32, #tpu.memory_space<hbm>> -> memref<8x64xi32, #tpu.memory_space<hbm>>
        %dma_start3A_987 = tpu.memref_slice %arg9[%dma_start3A_979] : memref<2x!tpu.dma_semaphore, #tpu.memory_space<semaphore_mem>> -> memref<1x!tpu.dma_semaphore, #tpu.memory_space<semaphore_mem>>
        %dma_start3A_988 = tpu.memref_squeeze %dma_start3A_987 : memref<1x!tpu.dma_semaphore, #tpu.memory_space<semaphore_mem>> -> memref<!tpu.dma_semaphore, #tpu.memory_space<semaphore_mem>>
        %dma_start3A_989 = arith.constant 0 : i32
        %dma_start3A_990 = arith.constant 0 : i32
        %dma_start3A_991 = tpu.memref_slice %arg6[%dma_start3A_978, %dma_start3A_989, %dma_start3A_990] : memref<2x8x64xi32, #tpu.memory_space<vmem>> -> memref<1x8x64xi32, #tpu.memory_space<vmem>>
        %dma_start3A_992 = tpu.memref_squeeze %dma_start3A_991 : memref<1x8x64xi32, #tpu.memory_space<vmem>> -> memref<8x64xi32, #tpu.memory_space<vmem>>
        %dma_start3A_993 = arith.constant 0 : i32
        %dma_start3A_994 = tpu.memref_slice %arg2[%select_n3A, %add3A_975, %mul3A_977, %dma_start3A_993] : memref<8x20x64x64xi32, #tpu.memory_space<hbm>> -> memref<1x1x8x64xi32, #tpu.memory_space<hbm>>
        %dma_start3A_995 = tpu.memref_squeeze %dma_start3A_994 : memref<1x1x8x64xi32, #tpu.memory_space<hbm>> -> memref<8x64xi32, #tpu.memory_space<hbm>>
        tpu.enqueue_dma source(%dma_start3A_995 : memref<8x64xi32, #tpu.memory_space<hbm>>) target(%dma_start3A_992 : memref<8x64xi32, #tpu.memory_space<vmem>>) target_semaphore(%dma_start3A_988 : memref<!tpu.dma_semaphore, #tpu.memory_space<semaphore_mem>>)
      } else {
      }
      %jit3A_443 = arith.constant 8 : i32
      %div3A_444 = arith.divsi %add3A_301, %jit3A_443 : i32
      %sign3A_445 = arith.constant 0 : i32
      %sign3A_446 = arith.cmpi sgt, %add3A_301, %sign3A_445 : i32
      %sign3A_447 = arith.extui %sign3A_446 : i1 to i32
      %sign3A_448 = arith.constant 0 : i32
      %sign3A_449 = arith.cmpi slt, %add3A_301, %sign3A_448 : i32
      %sign3A_450 = arith.extui %sign3A_449 : i1 to i32
      %sign3A_451 = arith.subi %sign3A_447, %sign3A_450 : i32
      %sign3A_452 = arith.constant 0 : i32
      %sign3A_453 = arith.cmpi sgt, %jit3A_443, %sign3A_452 : i32
      %sign3A_454 = arith.extui %sign3A_453 : i1 to i32
      %sign3A_455 = arith.constant 0 : i32
      %sign3A_456 = arith.cmpi slt, %jit3A_443, %sign3A_455 : i32
      %sign3A_457 = arith.extui %sign3A_456 : i1 to i32
      %sign3A_458 = arith.subi %sign3A_454, %sign3A_457 : i32
      %ne3A_459 = arith.cmpi ne, %sign3A_451, %sign3A_458 : i32
      %rem3A_460 = arith.remsi %add3A_301, %jit3A_443 : i32
      %ne3A_461 = arith.constant 0 : i32
      %ne3A_462 = arith.cmpi ne, %rem3A_460, %ne3A_461 : i32
      %and3A_463 = arith.andi %ne3A_459, %ne3A_462 : i1
      %sub3A_464 = arith.constant 1 : i32
      %sub3A_465 = arith.subi %div3A_444, %sub3A_464 : i32
      %select_n3A_466 = arith.select %and3A_463, %sub3A_465, %div3A_444 : i32
      %jit3A_467 = arith.constant 8 : i32
      %eq3A_468 = arith.constant 0 : i32
      %eq3A_469 = arith.cmpi eq, %jit3A_467, %eq3A_468 : i32
      %jit3A_470 = arith.constant 1 : i32
      %select_n3A_471 = arith.select %eq3A_469, %jit3A_470, %jit3A_467 : i32
      %rem3A_472 = arith.remsi %add3A_301, %select_n3A_471 : i32
      %ne3A_473 = arith.constant 0 : i32
      %ne3A_474 = arith.cmpi ne, %rem3A_472, %ne3A_473 : i32
      %lt3A_475 = arith.constant 0 : i32
      %lt3A_476 = arith.cmpi slt, %rem3A_472, %lt3A_475 : i32
      %lt3A_477 = arith.constant 0 : i32
      %lt3A_478 = arith.cmpi slt, %select_n3A_471, %lt3A_477 : i32
      %ne3A_479 = arith.xori %lt3A_476, %lt3A_478 : i1
      %and3A_480 = arith.andi %ne3A_479, %ne3A_474 : i1
      %add3A_481 = arith.addi %rem3A_472, %select_n3A_471 : i32
      %select_n3A_482 = arith.select %and3A_480, %add3A_481, %rem3A_472 : i32
      %add3A_483 = arith.addi %mul3A_32, %select_n3A_466 : i32
      %mul3A_484 = arith.constant 8 : i32
      %mul3A_485 = arith.muli %select_n3A_482, %mul3A_484 : i32
      %dma_wait3A_486 = arith.constant 1 : i32
      %dma_wait3A_487 = arith.constant 1 : i32
      %dma_wait3A_488 = arith.constant 0 : i32
      %dma_wait3A_489 = arith.constant 0 : i32
      %dma_wait3A_490 = tpu.memref_slice %arg6[%dma_wait3A_486, %dma_wait3A_488, %dma_wait3A_489] : memref<2x8x64xi32, #tpu.memory_space<vmem>> -> memref<1x8x64xi32, #tpu.memory_space<vmem>>
      %dma_wait3A_491 = tpu.memref_squeeze %dma_wait3A_490 : memref<1x8x64xi32, #tpu.memory_space<vmem>> -> memref<8x64xi32, #tpu.memory_space<vmem>>
      %dma_wait3A_492 = arith.constant 0 : i32
      %dma_wait3A_493 = tpu.memref_slice %arg2[%select_n3A, %add3A_483, %mul3A_485, %dma_wait3A_492] : memref<8x20x64x64xi32, #tpu.memory_space<hbm>> -> memref<1x1x8x64xi32, #tpu.memory_space<hbm>>
      %dma_wait3A_494 = tpu.memref_squeeze %dma_wait3A_493 : memref<1x1x8x64xi32, #tpu.memory_space<hbm>> -> memref<8x64xi32, #tpu.memory_space<hbm>>
      %dma_wait3A_495 = tpu.memref_slice %arg9[%dma_wait3A_487] : memref<2x!tpu.dma_semaphore, #tpu.memory_space<semaphore_mem>> -> memref<1x!tpu.dma_semaphore, #tpu.memory_space<semaphore_mem>>
      %dma_wait3A_496 = tpu.memref_squeeze %dma_wait3A_495 : memref<1x!tpu.dma_semaphore, #tpu.memory_space<semaphore_mem>> -> memref<!tpu.dma_semaphore, #tpu.memory_space<semaphore_mem>>
      %dma_wait3A_497 = arith.constant 0 : i32
      %dma_wait3A_498 = arith.constant 0 : i32
      %dma_wait3A_499 = tpu.memref_slice %arg6[%dma_wait3A_486, %dma_wait3A_497, %dma_wait3A_498] : memref<2x8x64xi32, #tpu.memory_space<vmem>> -> memref<1x8x64xi32, #tpu.memory_space<vmem>>
      %dma_wait3A_500 = tpu.memref_squeeze %dma_wait3A_499 : memref<1x8x64xi32, #tpu.memory_space<vmem>> -> memref<8x64xi32, #tpu.memory_space<vmem>>
      %dma_wait3A_501 = arith.constant 0 : i32
      %dma_wait3A_502 = tpu.memref_slice %arg2[%select_n3A, %add3A_483, %mul3A_485, %dma_wait3A_501] : memref<8x20x64x64xi32, #tpu.memory_space<hbm>> -> memref<1x1x8x64xi32, #tpu.memory_space<hbm>>
      %dma_wait3A_503 = tpu.memref_squeeze %dma_wait3A_502 : memref<1x1x8x64xi32, #tpu.memory_space<hbm>> -> memref<8x64xi32, #tpu.memory_space<hbm>>
      tpu.wait_dma2 semaphore(%dma_wait3A_496 : memref<!tpu.dma_semaphore, #tpu.memory_space<semaphore_mem>>) src(%dma_wait3A_503 : memref<8x64xi32, #tpu.memory_space<hbm>>) dst(%dma_wait3A_500 : memref<8x64xi32, #tpu.memory_space<vmem>>)
      %dma_start3A_504 = arith.constant 1 : i32
      %dma_start3A_505 = arith.constant 0 : i32
      %dma_start3A_506 = arith.constant 1 : i32
      %dma_start3A_507 = arith.constant 0 : i32
      %dma_start3A_508 = arith.constant 1 : i32
      %dma_start3A_509 = arith.constant 0 : i32
      %dma_start3A_510 = arith.constant 0 : i32
      %dma_start3A_511 = tpu.memref_slice %arg7[%dma_start3A_506, %dma_start3A_507, %dma_start3A_509, %dma_start3A_510] : memref<2x8x64x32xf32, #tpu.memory_space<vmem>> -> memref<1x1x64x32xf32, #tpu.memory_space<vmem>>
      %dma_start3A_512 = tpu.memref_squeeze %dma_start3A_511 : memref<1x1x64x32xf32, #tpu.memory_space<vmem>> -> memref<64x32xf32, #tpu.memory_space<vmem>>
      %dma_start3A_513 = arith.constant 0 : i32
      %dma_start3A_514 = tpu.memref_slice %arg6[%dma_start3A_504, %dma_start3A_505, %dma_start3A_513] : memref<2x8x64xi32, #tpu.memory_space<vmem>> -> memref<1x1x64xi32, #tpu.memory_space<vmem>>
      %dma_start3A_515 = tpu.memref_squeeze %dma_start3A_514 : memref<1x1x64xi32, #tpu.memory_space<vmem>> -> memref<64xi32, #tpu.memory_space<vmem>>
      %dma_start3A_516 = arith.constant 0 : i32
      %dma_start3A_517 = arith.constant 0 : i32
      %dma_start3A_518 = tpu.memref_slice %arg5[%dma_start3A_516, %dma_start3A_517] : memref<1000x32xf32, #tpu.memory_space<vmem_shared>> -> memref<1000x32xf32, #tpu.memory_space<vmem_shared>>
      %dma_start3A_519 = tpu.memref_slice %arg10[%dma_start3A_508] : memref<2x!tpu.dma_semaphore, #tpu.memory_space<semaphore_mem>> -> memref<1x!tpu.dma_semaphore, #tpu.memory_space<semaphore_mem>>
      %dma_start3A_520 = tpu.memref_squeeze %dma_start3A_519 : memref<1x!tpu.dma_semaphore, #tpu.memory_space<semaphore_mem>> -> memref<!tpu.dma_semaphore, #tpu.memory_space<semaphore_mem>>
      tpu.enqueue_indirect_dma source(%dma_start3A_518 : memref<1000x32xf32, #tpu.memory_space<vmem_shared>>) target(%dma_start3A_512 : memref<64x32xf32, #tpu.memory_space<vmem>>) offsets(%dma_start3A_515 : memref<64xi32, #tpu.memory_space<vmem>>) semaphore(%dma_start3A_520 : memref<!tpu.dma_semaphore, #tpu.memory_space<semaphore_mem>>)
      %dma_start3A_521 = arith.constant 1 : i32
      %dma_start3A_522 = arith.constant 1 : i32
      %dma_start3A_523 = arith.constant 1 : i32
      %dma_start3A_524 = arith.constant 1 : i32
      %dma_start3A_525 = arith.constant 1 : i32
      %dma_start3A_526 = arith.constant 0 : i32
      %dma_start3A_527 = arith.constant 0 : i32
      %dma_start3A_528 = tpu.memref_slice %arg7[%dma_start3A_523, %dma_start3A_524, %dma_start3A_526, %dma_start3A_527] : memref<2x8x64x32xf32, #tpu.memory_space<vmem>> -> memref<1x1x64x32xf32, #tpu.memory_space<vmem>>
      %dma_start3A_529 = tpu.memref_squeeze %dma_start3A_528 : memref<1x1x64x32xf32, #tpu.memory_space<vmem>> -> memref<64x32xf32, #tpu.memory_space<vmem>>
      %dma_start3A_530 = arith.constant 0 : i32
      %dma_start3A_531 = tpu.memref_slice %arg6[%dma_start3A_521, %dma_start3A_522, %dma_start3A_530] : memref<2x8x64xi32, #tpu.memory_space<vmem>> -> memref<1x1x64xi32, #tpu.memory_space<vmem>>
      %dma_start3A_532 = tpu.memref_squeeze %dma_start3A_531 : memref<1x1x64xi32, #tpu.memory_space<vmem>> -> memref<64xi32, #tpu.memory_space<vmem>>
      %dma_start3A_533 = arith.constant 0 : i32
      %dma_start3A_534 = arith.constant 0 : i32
      %dma_start3A_535 = tpu.memref_slice %arg5[%dma_start3A_533, %dma_start3A_534] : memref<1000x32xf32, #tpu.memory_space<vmem_shared>> -> memref<1000x32xf32, #tpu.memory_space<vmem_shared>>
      %dma_start3A_536 = tpu.memref_slice %arg10[%dma_start3A_525] : memref<2x!tpu.dma_semaphore, #tpu.memory_space<semaphore_mem>> -> memref<1x!tpu.dma_semaphore, #tpu.memory_space<semaphore_mem>>
      %dma_start3A_537 = tpu.memref_squeeze %dma_start3A_536 : memref<1x!tpu.dma_semaphore, #tpu.memory_space<semaphore_mem>> -> memref<!tpu.dma_semaphore, #tpu.memory_space<semaphore_mem>>
      tpu.enqueue_indirect_dma source(%dma_start3A_535 : memref<1000x32xf32, #tpu.memory_space<vmem_shared>>) target(%dma_start3A_529 : memref<64x32xf32, #tpu.memory_space<vmem>>) offsets(%dma_start3A_532 : memref<64xi32, #tpu.memory_space<vmem>>) semaphore(%dma_start3A_537 : memref<!tpu.dma_semaphore, #tpu.memory_space<semaphore_mem>>)
      %dma_start3A_538 = arith.constant 1 : i32
      %dma_start3A_539 = arith.constant 2 : i32
      %dma_start3A_540 = arith.constant 1 : i32
      %dma_start3A_541 = arith.constant 2 : i32
      %dma_start3A_542 = arith.constant 1 : i32
      %dma_start3A_543 = arith.constant 0 : i32
      %dma_start3A_544 = arith.constant 0 : i32
      %dma_start3A_545 = tpu.memref_slice %arg7[%dma_start3A_540, %dma_start3A_541, %dma_start3A_543, %dma_start3A_544] : memref<2x8x64x32xf32, #tpu.memory_space<vmem>> -> memref<1x1x64x32xf32, #tpu.memory_space<vmem>>
      %dma_start3A_546 = tpu.memref_squeeze %dma_start3A_545 : memref<1x1x64x32xf32, #tpu.memory_space<vmem>> -> memref<64x32xf32, #tpu.memory_space<vmem>>
      %dma_start3A_547 = arith.constant 0 : i32
      %dma_start3A_548 = tpu.memref_slice %arg6[%dma_start3A_538, %dma_start3A_539, %dma_start3A_547] : memref<2x8x64xi32, #tpu.memory_space<vmem>> -> memref<1x1x64xi32, #tpu.memory_space<vmem>>
      %dma_start3A_549 = tpu.memref_squeeze %dma_start3A_548 : memref<1x1x64xi32, #tpu.memory_space<vmem>> -> memref<64xi32, #tpu.memory_space<vmem>>
      %dma_start3A_550 = arith.constant 0 : i32
      %dma_start3A_551 = arith.constant 0 : i32
      %dma_start3A_552 = tpu.memref_slice %arg5[%dma_start3A_550, %dma_start3A_551] : memref<1000x32xf32, #tpu.memory_space<vmem_shared>> -> memref<1000x32xf32, #tpu.memory_space<vmem_shared>>
      %dma_start3A_553 = tpu.memref_slice %arg10[%dma_start3A_542] : memref<2x!tpu.dma_semaphore, #tpu.memory_space<semaphore_mem>> -> memref<1x!tpu.dma_semaphore, #tpu.memory_space<semaphore_mem>>
      %dma_start3A_554 = tpu.memref_squeeze %dma_start3A_553 : memref<1x!tpu.dma_semaphore, #tpu.memory_space<semaphore_mem>> -> memref<!tpu.dma_semaphore, #tpu.memory_space<semaphore_mem>>
      tpu.enqueue_indirect_dma source(%dma_start3A_552 : memref<1000x32xf32, #tpu.memory_space<vmem_shared>>) target(%dma_start3A_546 : memref<64x32xf32, #tpu.memory_space<vmem>>) offsets(%dma_start3A_549 : memref<64xi32, #tpu.memory_space<vmem>>) semaphore(%dma_start3A_554 : memref<!tpu.dma_semaphore, #tpu.memory_space<semaphore_mem>>)
      %dma_start3A_555 = arith.constant 1 : i32
      %dma_start3A_556 = arith.constant 3 : i32
      %dma_start3A_557 = arith.constant 1 : i32
      %dma_start3A_558 = arith.constant 3 : i32
      %dma_start3A_559 = arith.constant 1 : i32
      %dma_start3A_560 = arith.constant 0 : i32
      %dma_start3A_561 = arith.constant 0 : i32
      %dma_start3A_562 = tpu.memref_slice %arg7[%dma_start3A_557, %dma_start3A_558, %dma_start3A_560, %dma_start3A_561] : memref<2x8x64x32xf32, #tpu.memory_space<vmem>> -> memref<1x1x64x32xf32, #tpu.memory_space<vmem>>
      %dma_start3A_563 = tpu.memref_squeeze %dma_start3A_562 : memref<1x1x64x32xf32, #tpu.memory_space<vmem>> -> memref<64x32xf32, #tpu.memory_space<vmem>>
      %dma_start3A_564 = arith.constant 0 : i32
      %dma_start3A_565 = tpu.memref_slice %arg6[%dma_start3A_555, %dma_start3A_556, %dma_start3A_564] : memref<2x8x64xi32, #tpu.memory_space<vmem>> -> memref<1x1x64xi32, #tpu.memory_space<vmem>>
      %dma_start3A_566 = tpu.memref_squeeze %dma_start3A_565 : memref<1x1x64xi32, #tpu.memory_space<vmem>> -> memref<64xi32, #tpu.memory_space<vmem>>
      %dma_start3A_567 = arith.constant 0 : i32
      %dma_start3A_568 = arith.constant 0 : i32
      %dma_start3A_569 = tpu.memref_slice %arg5[%dma_start3A_567, %dma_start3A_568] : memref<1000x32xf32, #tpu.memory_space<vmem_shared>> -> memref<1000x32xf32, #tpu.memory_space<vmem_shared>>
      %dma_start3A_570 = tpu.memref_slice %arg10[%dma_start3A_559] : memref<2x!tpu.dma_semaphore, #tpu.memory_space<semaphore_mem>> -> memref<1x!tpu.dma_semaphore, #tpu.memory_space<semaphore_mem>>
      %dma_start3A_571 = tpu.memref_squeeze %dma_start3A_570 : memref<1x!tpu.dma_semaphore, #tpu.memory_space<semaphore_mem>> -> memref<!tpu.dma_semaphore, #tpu.memory_space<semaphore_mem>>
      tpu.enqueue_indirect_dma source(%dma_start3A_569 : memref<1000x32xf32, #tpu.memory_space<vmem_shared>>) target(%dma_start3A_563 : memref<64x32xf32, #tpu.memory_space<vmem>>) offsets(%dma_start3A_566 : memref<64xi32, #tpu.memory_space<vmem>>) semaphore(%dma_start3A_571 : memref<!tpu.dma_semaphore, #tpu.memory_space<semaphore_mem>>)
      %dma_start3A_572 = arith.constant 1 : i32
      %dma_start3A_573 = arith.constant 4 : i32
      %dma_start3A_574 = arith.constant 1 : i32
      %dma_start3A_575 = arith.constant 4 : i32
      %dma_start3A_576 = arith.constant 1 : i32
      %dma_start3A_577 = arith.constant 0 : i32
      %dma_start3A_578 = arith.constant 0 : i32
      %dma_start3A_579 = tpu.memref_slice %arg7[%dma_start3A_574, %dma_start3A_575, %dma_start3A_577, %dma_start3A_578] : memref<2x8x64x32xf32, #tpu.memory_space<vmem>> -> memref<1x1x64x32xf32, #tpu.memory_space<vmem>>
      %dma_start3A_580 = tpu.memref_squeeze %dma_start3A_579 : memref<1x1x64x32xf32, #tpu.memory_space<vmem>> -> memref<64x32xf32, #tpu.memory_space<vmem>>
      %dma_start3A_581 = arith.constant 0 : i32
      %dma_start3A_582 = tpu.memref_slice %arg6[%dma_start3A_572, %dma_start3A_573, %dma_start3A_581] : memref<2x8x64xi32, #tpu.memory_space<vmem>> -> memref<1x1x64xi32, #tpu.memory_space<vmem>>
      %dma_start3A_583 = tpu.memref_squeeze %dma_start3A_582 : memref<1x1x64xi32, #tpu.memory_space<vmem>> -> memref<64xi32, #tpu.memory_space<vmem>>
      %dma_start3A_584 = arith.constant 0 : i32
      %dma_start3A_585 = arith.constant 0 : i32
      %dma_start3A_586 = tpu.memref_slice %arg5[%dma_start3A_584, %dma_start3A_585] : memref<1000x32xf32, #tpu.memory_space<vmem_shared>> -> memref<1000x32xf32, #tpu.memory_space<vmem_shared>>
      %dma_start3A_587 = tpu.memref_slice %arg10[%dma_start3A_576] : memref<2x!tpu.dma_semaphore, #tpu.memory_space<semaphore_mem>> -> memref<1x!tpu.dma_semaphore, #tpu.memory_space<semaphore_mem>>
      %dma_start3A_588 = tpu.memref_squeeze %dma_start3A_587 : memref<1x!tpu.dma_semaphore, #tpu.memory_space<semaphore_mem>> -> memref<!tpu.dma_semaphore, #tpu.memory_space<semaphore_mem>>
      tpu.enqueue_indirect_dma source(%dma_start3A_586 : memref<1000x32xf32, #tpu.memory_space<vmem_shared>>) target(%dma_start3A_580 : memref<64x32xf32, #tpu.memory_space<vmem>>) offsets(%dma_start3A_583 : memref<64xi32, #tpu.memory_space<vmem>>) semaphore(%dma_start3A_588 : memref<!tpu.dma_semaphore, #tpu.memory_space<semaphore_mem>>)
      %dma_start3A_589 = arith.constant 1 : i32
      %dma_start3A_590 = arith.constant 5 : i32
      %dma_start3A_591 = arith.constant 1 : i32
      %dma_start3A_592 = arith.constant 5 : i32
      %dma_start3A_593 = arith.constant 1 : i32
      %dma_start3A_594 = arith.constant 0 : i32
      %dma_start3A_595 = arith.constant 0 : i32
      %dma_start3A_596 = tpu.memref_slice %arg7[%dma_start3A_591, %dma_start3A_592, %dma_start3A_594, %dma_start3A_595] : memref<2x8x64x32xf32, #tpu.memory_space<vmem>> -> memref<1x1x64x32xf32, #tpu.memory_space<vmem>>
      %dma_start3A_597 = tpu.memref_squeeze %dma_start3A_596 : memref<1x1x64x32xf32, #tpu.memory_space<vmem>> -> memref<64x32xf32, #tpu.memory_space<vmem>>
      %dma_start3A_598 = arith.constant 0 : i32
      %dma_start3A_599 = tpu.memref_slice %arg6[%dma_start3A_589, %dma_start3A_590, %dma_start3A_598] : memref<2x8x64xi32, #tpu.memory_space<vmem>> -> memref<1x1x64xi32, #tpu.memory_space<vmem>>
      %dma_start3A_600 = tpu.memref_squeeze %dma_start3A_599 : memref<1x1x64xi32, #tpu.memory_space<vmem>> -> memref<64xi32, #tpu.memory_space<vmem>>
      %dma_start3A_601 = arith.constant 0 : i32
      %dma_start3A_602 = arith.constant 0 : i32
      %dma_start3A_603 = tpu.memref_slice %arg5[%dma_start3A_601, %dma_start3A_602] : memref<1000x32xf32, #tpu.memory_space<vmem_shared>> -> memref<1000x32xf32, #tpu.memory_space<vmem_shared>>
      %dma_start3A_604 = tpu.memref_slice %arg10[%dma_start3A_593] : memref<2x!tpu.dma_semaphore, #tpu.memory_space<semaphore_mem>> -> memref<1x!tpu.dma_semaphore, #tpu.memory_space<semaphore_mem>>
      %dma_start3A_605 = tpu.memref_squeeze %dma_start3A_604 : memref<1x!tpu.dma_semaphore, #tpu.memory_space<semaphore_mem>> -> memref<!tpu.dma_semaphore, #tpu.memory_space<semaphore_mem>>
      tpu.enqueue_indirect_dma source(%dma_start3A_603 : memref<1000x32xf32, #tpu.memory_space<vmem_shared>>) target(%dma_start3A_597 : memref<64x32xf32, #tpu.memory_space<vmem>>) offsets(%dma_start3A_600 : memref<64xi32, #tpu.memory_space<vmem>>) semaphore(%dma_start3A_605 : memref<!tpu.dma_semaphore, #tpu.memory_space<semaphore_mem>>)
      %dma_start3A_606 = arith.constant 1 : i32
      %dma_start3A_607 = arith.constant 6 : i32
      %dma_start3A_608 = arith.constant 1 : i32
      %dma_start3A_609 = arith.constant 6 : i32
      %dma_start3A_610 = arith.constant 1 : i32
      %dma_start3A_611 = arith.constant 0 : i32
      %dma_start3A_612 = arith.constant 0 : i32
      %dma_start3A_613 = tpu.memref_slice %arg7[%dma_start3A_608, %dma_start3A_609, %dma_start3A_611, %dma_start3A_612] : memref<2x8x64x32xf32, #tpu.memory_space<vmem>> -> memref<1x1x64x32xf32, #tpu.memory_space<vmem>>
      %dma_start3A_614 = tpu.memref_squeeze %dma_start3A_613 : memref<1x1x64x32xf32, #tpu.memory_space<vmem>> -> memref<64x32xf32, #tpu.memory_space<vmem>>
      %dma_start3A_615 = arith.constant 0 : i32
      %dma_start3A_616 = tpu.memref_slice %arg6[%dma_start3A_606, %dma_start3A_607, %dma_start3A_615] : memref<2x8x64xi32, #tpu.memory_space<vmem>> -> memref<1x1x64xi32, #tpu.memory_space<vmem>>
      %dma_start3A_617 = tpu.memref_squeeze %dma_start3A_616 : memref<1x1x64xi32, #tpu.memory_space<vmem>> -> memref<64xi32, #tpu.memory_space<vmem>>
      %dma_start3A_618 = arith.constant 0 : i32
      %dma_start3A_619 = arith.constant 0 : i32
      %dma_start3A_620 = tpu.memref_slice %arg5[%dma_start3A_618, %dma_start3A_619] : memref<1000x32xf32, #tpu.memory_space<vmem_shared>> -> memref<1000x32xf32, #tpu.memory_space<vmem_shared>>
      %dma_start3A_621 = tpu.memref_slice %arg10[%dma_start3A_610] : memref<2x!tpu.dma_semaphore, #tpu.memory_space<semaphore_mem>> -> memref<1x!tpu.dma_semaphore, #tpu.memory_space<semaphore_mem>>
      %dma_start3A_622 = tpu.memref_squeeze %dma_start3A_621 : memref<1x!tpu.dma_semaphore, #tpu.memory_space<semaphore_mem>> -> memref<!tpu.dma_semaphore, #tpu.memory_space<semaphore_mem>>
      tpu.enqueue_indirect_dma source(%dma_start3A_620 : memref<1000x32xf32, #tpu.memory_space<vmem_shared>>) target(%dma_start3A_614 : memref<64x32xf32, #tpu.memory_space<vmem>>) offsets(%dma_start3A_617 : memref<64xi32, #tpu.memory_space<vmem>>) semaphore(%dma_start3A_622 : memref<!tpu.dma_semaphore, #tpu.memory_space<semaphore_mem>>)
      %dma_start3A_623 = arith.constant 1 : i32
      %dma_start3A_624 = arith.constant 7 : i32
      %dma_start3A_625 = arith.constant 1 : i32
      %dma_start3A_626 = arith.constant 7 : i32
      %dma_start3A_627 = arith.constant 1 : i32
      %dma_start3A_628 = arith.constant 0 : i32
      %dma_start3A_629 = arith.constant 0 : i32
      %dma_start3A_630 = tpu.memref_slice %arg7[%dma_start3A_625, %dma_start3A_626, %dma_start3A_628, %dma_start3A_629] : memref<2x8x64x32xf32, #tpu.memory_space<vmem>> -> memref<1x1x64x32xf32, #tpu.memory_space<vmem>>
      %dma_start3A_631 = tpu.memref_squeeze %dma_start3A_630 : memref<1x1x64x32xf32, #tpu.memory_space<vmem>> -> memref<64x32xf32, #tpu.memory_space<vmem>>
      %dma_start3A_632 = arith.constant 0 : i32
      %dma_start3A_633 = tpu.memref_slice %arg6[%dma_start3A_623, %dma_start3A_624, %dma_start3A_632] : memref<2x8x64xi32, #tpu.memory_space<vmem>> -> memref<1x1x64xi32, #tpu.memory_space<vmem>>
      %dma_start3A_634 = tpu.memref_squeeze %dma_start3A_633 : memref<1x1x64xi32, #tpu.memory_space<vmem>> -> memref<64xi32, #tpu.memory_space<vmem>>
      %dma_start3A_635 = arith.constant 0 : i32
      %dma_start3A_636 = arith.constant 0 : i32
      %dma_start3A_637 = tpu.memref_slice %arg5[%dma_start3A_635, %dma_start3A_636] : memref<1000x32xf32, #tpu.memory_space<vmem_shared>> -> memref<1000x32xf32, #tpu.memory_space<vmem_shared>>
      %dma_start3A_638 = tpu.memref_slice %arg10[%dma_start3A_627] : memref<2x!tpu.dma_semaphore, #tpu.memory_space<semaphore_mem>> -> memref<1x!tpu.dma_semaphore, #tpu.memory_space<semaphore_mem>>
      %dma_start3A_639 = tpu.memref_squeeze %dma_start3A_638 : memref<1x!tpu.dma_semaphore, #tpu.memory_space<semaphore_mem>> -> memref<!tpu.dma_semaphore, #tpu.memory_space<semaphore_mem>>
      tpu.enqueue_indirect_dma source(%dma_start3A_637 : memref<1000x32xf32, #tpu.memory_space<vmem_shared>>) target(%dma_start3A_631 : memref<64x32xf32, #tpu.memory_space<vmem>>) offsets(%dma_start3A_634 : memref<64xi32, #tpu.memory_space<vmem>>) semaphore(%dma_start3A_639 : memref<!tpu.dma_semaphore, #tpu.memory_space<semaphore_mem>>)
      %gt3A = arith.constant 0 : i32
      %gt3A_640 = arith.cmpi sgt, %scan3A_297, %gt3A : i32
      %convert_element_type3A_641 = arith.extui %gt3A_640 : i1 to i32
      %cond3A_642 = arith.constant 0 : i32
      %cond3A_643 = arith.cmpi ne, %convert_element_type3A_641, %cond3A_642 : i32
      scf.if %cond3A_643 {
        %sub3A_933 = arith.constant 2 : i32
        %sub3A_934 = arith.subi %mul3A_299, %sub3A_933 : i32
        %jit3A_935 = arith.constant 8 : i32
        %div3A_936 = arith.divsi %sub3A_934, %jit3A_935 : i32
        %sign3A_937 = arith.constant 0 : i32
        %sign3A_938 = arith.cmpi sgt, %sub3A_934, %sign3A_937 : i32
        %sign3A_939 = arith.extui %sign3A_938 : i1 to i32
        %sign3A_940 = arith.constant 0 : i32
        %sign3A_941 = arith.cmpi slt, %sub3A_934, %sign3A_940 : i32
        %sign3A_942 = arith.extui %sign3A_941 : i1 to i32
        %sign3A_943 = arith.subi %sign3A_939, %sign3A_942 : i32
        %sign3A_944 = arith.constant 0 : i32
        %sign3A_945 = arith.cmpi sgt, %jit3A_935, %sign3A_944 : i32
        %sign3A_946 = arith.extui %sign3A_945 : i1 to i32
        %sign3A_947 = arith.constant 0 : i32
        %sign3A_948 = arith.cmpi slt, %jit3A_935, %sign3A_947 : i32
        %sign3A_949 = arith.extui %sign3A_948 : i1 to i32
        %sign3A_950 = arith.subi %sign3A_946, %sign3A_949 : i32
        %ne3A_951 = arith.cmpi ne, %sign3A_943, %sign3A_950 : i32
        %rem3A_952 = arith.remsi %sub3A_934, %jit3A_935 : i32
        %ne3A_953 = arith.constant 0 : i32
        %ne3A_954 = arith.cmpi ne, %rem3A_952, %ne3A_953 : i32
        %and3A_955 = arith.andi %ne3A_951, %ne3A_954 : i1
        %sub3A_956 = arith.constant 1 : i32
        %sub3A_957 = arith.subi %div3A_936, %sub3A_956 : i32
        %select_n3A_958 = arith.select %and3A_955, %sub3A_957, %div3A_936 : i32
        %jit3A_959 = arith.constant 8 : i32
        %eq3A_960 = arith.constant 0 : i32
        %eq3A_961 = arith.cmpi eq, %jit3A_959, %eq3A_960 : i32
        %jit3A_962 = arith.constant 1 : i32
        %select_n3A_963 = arith.select %eq3A_961, %jit3A_962, %jit3A_959 : i32
        %rem3A_964 = arith.remsi %sub3A_934, %select_n3A_963 : i32
        %ne3A_965 = arith.constant 0 : i32
        %ne3A_966 = arith.cmpi ne, %rem3A_964, %ne3A_965 : i32
        %lt3A_967 = arith.constant 0 : i32
        %lt3A_968 = arith.cmpi slt, %rem3A_964, %lt3A_967 : i32
        %lt3A_969 = arith.constant 0 : i32
        %lt3A_970 = arith.cmpi slt, %select_n3A_963, %lt3A_969 : i32
        %ne3A_971 = arith.xori %lt3A_968, %lt3A_970 : i1
        %and3A_972 = arith.andi %ne3A_971, %ne3A_966 : i1
        %add3A_973 = arith.addi %rem3A_964, %select_n3A_963 : i32
        %select_n3A_974 = arith.select %and3A_972, %add3A_973, %rem3A_964 : i32
        %add3A_975 = arith.addi %mul3A_32, %select_n3A_958 : i32
        %mul3A_976 = arith.constant 8 : i32
        %mul3A_977 = arith.muli %select_n3A_974, %mul3A_976 : i32
        %dma_wait3A_978 = arith.constant 0 : i32
        %dma_wait3A_979 = arith.constant 0 : i32
        %dma_wait3A_980 = arith.constant 0 : i32
        %dma_wait3A_981 = arith.constant 0 : i32
        %dma_wait3A_982 = arith.constant 0 : i32
        %dma_wait3A_983 = tpu.memref_slice %arg8[%dma_wait3A_978, %dma_wait3A_980, %dma_wait3A_981, %dma_wait3A_982] : memref<2x8x32x65xf32, #tpu.memory_space<vmem>> -> memref<1x8x32x64xf32, #tpu.memory_space<vmem>>
        %dma_wait3A_984 = tpu.memref_squeeze %dma_wait3A_983 : memref<1x8x32x64xf32, #tpu.memory_space<vmem>> -> memref<8x32x64xf32, #tpu.memory_space<vmem>>
        %dma_wait3A_985 = arith.constant 0 : i32
        %dma_wait3A_986 = arith.constant 0 : i32
        %dma_wait3A_987 = tpu.memref_slice %arg4[%select_n3A, %add3A_975, %mul3A_977, %dma_wait3A_985, %dma_wait3A_986] : memref<8x20x64x32x64xf32, #tpu.memory_space<hbm>> -> memref<1x1x8x32x64xf32, #tpu.memory_space<hbm>>
        %dma_wait3A_988 = tpu.memref_squeeze %dma_wait3A_987 : memref<1x1x8x32x64xf32, #tpu.memory_space<hbm>> -> memref<8x32x64xf32, #tpu.memory_space<hbm>>
        %dma_wait3A_989 = tpu.memref_slice %arg11[%dma_wait3A_979] : memref<2x!tpu.dma_semaphore, #tpu.memory_space<semaphore_mem>> -> memref<1x!tpu.dma_semaphore, #tpu.memory_space<semaphore_mem>>
        %dma_wait3A_990 = tpu.memref_squeeze %dma_wait3A_989 : memref<1x!tpu.dma_semaphore, #tpu.memory_space<semaphore_mem>> -> memref<!tpu.dma_semaphore, #tpu.memory_space<semaphore_mem>>
        %dma_wait3A_991 = arith.constant 0 : i32
        %dma_wait3A_992 = arith.constant 0 : i32
        %dma_wait3A_993 = tpu.memref_slice %arg4[%select_n3A, %add3A_975, %mul3A_977, %dma_wait3A_991, %dma_wait3A_992] : memref<8x20x64x32x64xf32, #tpu.memory_space<hbm>> -> memref<1x1x8x32x64xf32, #tpu.memory_space<hbm>>
        %dma_wait3A_994 = tpu.memref_squeeze %dma_wait3A_993 : memref<1x1x8x32x64xf32, #tpu.memory_space<hbm>> -> memref<8x32x64xf32, #tpu.memory_space<hbm>>
        %dma_wait3A_995 = arith.constant 0 : i32
        %dma_wait3A_996 = arith.constant 0 : i32
        %dma_wait3A_997 = arith.constant 0 : i32
        %dma_wait3A_998 = tpu.memref_slice %arg8[%dma_wait3A_978, %dma_wait3A_995, %dma_wait3A_996, %dma_wait3A_997] : memref<2x8x32x65xf32, #tpu.memory_space<vmem>> -> memref<1x8x32x64xf32, #tpu.memory_space<vmem>>
        %dma_wait3A_999 = tpu.memref_squeeze %dma_wait3A_998 : memref<1x8x32x64xf32, #tpu.memory_space<vmem>> -> memref<8x32x64xf32, #tpu.memory_space<vmem>>
        tpu.wait_dma2 semaphore(%dma_wait3A_990 : memref<!tpu.dma_semaphore, #tpu.memory_space<semaphore_mem>>) src(%dma_wait3A_999 : memref<8x32x64xf32, #tpu.memory_space<vmem>>) dst(%dma_wait3A_994 : memref<8x32x64xf32, #tpu.memory_space<hbm>>)
      } else {
      }
      %scan3A_644 = arith.constant 0 : i32
      %scan3A_645 = arith.constant 0 : i32
      %scan3A_646 = arith.constant 64 : i32
      %scan3A_647 = arith.addi %scan3A_645, %scan3A_646 : i32
      %scan3A_648 = arith.constant 1 : i32
      scf.for %scan3A_933 = %scan3A_645 to %scan3A_647 step %scan3A_648  : i32 {
        %jit3A_934 = arith.constant 8 : i32
        %div3A_935 = arith.divsi %scan3A_933, %jit3A_934 : i32
        %sign3A_936 = arith.constant 0 : i32
        %sign3A_937 = arith.cmpi sgt, %scan3A_933, %sign3A_936 : i32
        %sign3A_938 = arith.extui %sign3A_937 : i1 to i32
        %sign3A_939 = arith.constant 0 : i32
        %sign3A_940 = arith.cmpi slt, %scan3A_933, %sign3A_939 : i32
        %sign3A_941 = arith.extui %sign3A_940 : i1 to i32
        %sign3A_942 = arith.subi %sign3A_938, %sign3A_941 : i32
        %sign3A_943 = arith.constant 0 : i32
        %sign3A_944 = arith.cmpi sgt, %jit3A_934, %sign3A_943 : i32
        %sign3A_945 = arith.extui %sign3A_944 : i1 to i32
        %sign3A_946 = arith.constant 0 : i32
        %sign3A_947 = arith.cmpi slt, %jit3A_934, %sign3A_946 : i32
        %sign3A_948 = arith.extui %sign3A_947 : i1 to i32
        %sign3A_949 = arith.subi %sign3A_945, %sign3A_948 : i32
        %ne3A_950 = arith.cmpi ne, %sign3A_942, %sign3A_949 : i32
        %rem3A_951 = arith.remsi %scan3A_933, %jit3A_934 : i32
        %ne3A_952 = arith.constant 0 : i32
        %ne3A_953 = arith.cmpi ne, %rem3A_951, %ne3A_952 : i32
        %and3A_954 = arith.andi %ne3A_950, %ne3A_953 : i1
        %sub3A_955 = arith.constant 1 : i32
        %sub3A_956 = arith.subi %div3A_935, %sub3A_955 : i32
        %select_n3A_957 = arith.select %and3A_954, %sub3A_956, %div3A_935 : i32
        %jit3A_958 = arith.constant 8 : i32
        %eq3A_959 = arith.constant 0 : i32
        %eq3A_960 = arith.cmpi eq, %jit3A_958, %eq3A_959 : i32
        %jit3A_961 = arith.constant 1 : i32
        %select_n3A_962 = arith.select %eq3A_960, %jit3A_961, %jit3A_958 : i32
        %rem3A_963 = arith.remsi %scan3A_933, %select_n3A_962 : i32
        %ne3A_964 = arith.constant 0 : i32
        %ne3A_965 = arith.cmpi ne, %rem3A_963, %ne3A_964 : i32
        %lt3A_966 = arith.constant 0 : i32
        %lt3A_967 = arith.cmpi slt, %rem3A_963, %lt3A_966 : i32
        %lt3A_968 = arith.constant 0 : i32
        %lt3A_969 = arith.cmpi slt, %select_n3A_962, %lt3A_968 : i32
        %ne3A_970 = arith.xori %lt3A_967, %lt3A_969 : i1
        %and3A_971 = arith.andi %ne3A_970, %ne3A_965 : i1
        %add3A_972 = arith.addi %rem3A_963, %select_n3A_962 : i32
        %select_n3A_973 = arith.select %and3A_971, %add3A_972, %rem3A_963 : i32
        %mul3A_974 = arith.constant 8 : i32
        %mul3A_975 = arith.muli %select_n3A_973, %mul3A_974 : i32
        %add3A_976 = arith.constant 0 : i32
        %add3A_977 = arith.addi %mul3A_975, %add3A_976 : i32
        %add3A_978 = vector.broadcast %add3A_977 : i32 to vector<16xi32>
        %add3A_979 = arith.addi %broadcast_in_dim3A_36, %add3A_978 : vector<16xi32>
        %get3A = arith.constant 0 : i32
        %get3A_980 = arith.index_cast %get3A : i32 to index
        %get3A_981 = arith.index_cast %select_n3A_957 : i32 to index
        %get3A_982 = arith.index_cast %add3A_977 : i32 to index
        %get3A_983 = arith.constant 0 : index
        %get3A_984 = tpu.vector_load %arg7[%get3A_980, %get3A_981, %get3A_982, %get3A_983] {strides = array<i32>} : memref<2x8x64x32xf32, #tpu.memory_space<vmem>>, vector<16xf32>,
        %get3A_985 = arith.constant 0 : i32
        %get3A_986 = arith.index_cast %get3A_985 : i32 to index
        %get3A_987 = arith.index_cast %select_n3A_957 : i32 to index
        %get3A_988 = arith.index_cast %add3A_977 : i32 to index
        %get3A_989 = arith.constant 16 : index
        %get3A_990 = tpu.vector_load %arg7[%get3A_986, %get3A_987, %get3A_988, %get3A_989] {strides = array<i32>} : memref<2x8x64x32xf32, #tpu.memory_space<vmem>>, vector<16xf32>,
        %scatter3A = arith.constant 0 : i32
        %scatter3A_991 = arith.constant 0 : i32
        %scatter3A_992 = arith.constant 0 : i32
        %scatter3A_993 = tpu.memref_slice %arg8[%scatter3A, %select_n3A_957, %scatter3A_991, %scatter3A_992] : memref<2x8x32x65xf32, #tpu.memory_space<vmem>> -> memref<1x1x32x65xf32, #tpu.memory_space<vmem>>
        %scatter3A_994 = tpu.memref_squeeze %scatter3A_993 : memref<1x1x32x65xf32, #tpu.memory_space<vmem>> -> memref<32x65xf32, #tpu.memory_space<vmem>>
        tpu.vector_store_idx %scatter3A_994[%iota3A, %add3A_979], %get3A_984 : memref<32x65xf32, #tpu.memory_space<vmem>>[vector<16xi32>, vector<16xi32>], vector<16xf32>,
        %scatter3A_995 = arith.constant 0 : i32
        %scatter3A_996 = arith.constant 0 : i32
        %scatter3A_997 = arith.constant 0 : i32
        %scatter3A_998 = tpu.memref_slice %arg8[%scatter3A_995, %select_n3A_957, %scatter3A_996, %scatter3A_997] : memref<2x8x32x65xf32, #tpu.memory_space<vmem>> -> memref<1x1x32x65xf32, #tpu.memory_space<vmem>>
        %scatter3A_999 = tpu.memref_squeeze %scatter3A_998 : memref<1x1x32x65xf32, #tpu.memory_space<vmem>> -> memref<32x65xf32, #tpu.memory_space<vmem>>
        tpu.vector_store_idx %scatter3A_999[%add3A_39, %add3A_979], %get3A_990 : memref<32x65xf32, #tpu.memory_space<vmem>>[vector<16xi32>, vector<16xi32>], vector<16xf32>,
        %add3A_1000 = arith.constant 1 : i32
        %add3A_1001 = arith.addi %mul3A_975, %add3A_1000 : i32
        %add3A_1002 = vector.broadcast %add3A_1001 : i32 to vector<16xi32>
        %add3A_1003 = arith.addi %broadcast_in_dim3A_36, %add3A_1002 : vector<16xi32>
        %get3A_1004 = arith.constant 0 : i32
        %get3A_1005 = arith.index_cast %get3A_1004 : i32 to index
        %get3A_1006 = arith.index_cast %select_n3A_957 : i32 to index
        %get3A_1007 = arith.index_cast %add3A_1001 : i32 to index
        %get3A_1008 = arith.constant 0 : index
        %get3A_1009 = tpu.vector_load %arg7[%get3A_1005, %get3A_1006, %get3A_1007, %get3A_1008] {strides = array<i32>} : memref<2x8x64x32xf32, #tpu.memory_space<vmem>>, vector<16xf32>,
        %get3A_1010 = arith.constant 0 : i32
        %get3A_1011 = arith.index_cast %get3A_1010 : i32 to index
        %get3A_1012 = arith.index_cast %select_n3A_957 : i32 to index
        %get3A_1013 = arith.index_cast %add3A_1001 : i32 to index
        %get3A_1014 = arith.constant 16 : index
        %get3A_1015 = tpu.vector_load %arg7[%get3A_1011, %get3A_1012, %get3A_1013, %get3A_1014] {strides = array<i32>} : memref<2x8x64x32xf32, #tpu.memory_space<vmem>>, vector<16xf32>,
        %scatter3A_1016 = arith.constant 0 : i32
        %scatter3A_1017 = arith.constant 0 : i32
        %scatter3A_1018 = arith.constant 0 : i32
        %scatter3A_1019 = tpu.memref_slice %arg8[%scatter3A_1016, %select_n3A_957, %scatter3A_1017, %scatter3A_1018] : memref<2x8x32x65xf32, #tpu.memory_space<vmem>> -> memref<1x1x32x65xf32, #tpu.memory_space<vmem>>
        %scatter3A_1020 = tpu.memref_squeeze %scatter3A_1019 : memref<1x1x32x65xf32, #tpu.memory_space<vmem>> -> memref<32x65xf32, #tpu.memory_space<vmem>>
        tpu.vector_store_idx %scatter3A_1020[%iota3A, %add3A_1003], %get3A_1009 : memref<32x65xf32, #tpu.memory_space<vmem>>[vector<16xi32>, vector<16xi32>], vector<16xf32>,
        %scatter3A_1021 = arith.constant 0 : i32
        %scatter3A_1022 = arith.constant 0 : i32
        %scatter3A_1023 = arith.constant 0 : i32
        %scatter3A_1024 = tpu.memref_slice %arg8[%scatter3A_1021, %select_n3A_957, %scatter3A_1022, %scatter3A_1023] : memref<2x8x32x65xf32, #tpu.memory_space<vmem>> -> memref<1x1x32x65xf32, #tpu.memory_space<vmem>>
        %scatter3A_1025 = tpu.memref_squeeze %scatter3A_1024 : memref<1x1x32x65xf32, #tpu.memory_space<vmem>> -> memref<32x65xf32, #tpu.memory_space<vmem>>
        tpu.vector_store_idx %scatter3A_1025[%add3A_39, %add3A_1003], %get3A_1015 : memref<32x65xf32, #tpu.memory_space<vmem>>[vector<16xi32>, vector<16xi32>], vector<16xf32>,
        %add3A_1026 = arith.constant 2 : i32
        %add3A_1027 = arith.addi %mul3A_975, %add3A_1026 : i32
        %add3A_1028 = vector.broadcast %add3A_1027 : i32 to vector<16xi32>
        %add3A_1029 = arith.addi %broadcast_in_dim3A_36, %add3A_1028 : vector<16xi32>
        %get3A_1030 = arith.constant 0 : i32
        %get3A_1031 = arith.index_cast %get3A_1030 : i32 to index
        %get3A_1032 = arith.index_cast %select_n3A_957 : i32 to index
        %get3A_1033 = arith.index_cast %add3A_1027 : i32 to index
        %get3A_1034 = arith.constant 0 : index
        %get3A_1035 = tpu.vector_load %arg7[%get3A_1031, %get3A_1032, %get3A_1033, %get3A_1034] {strides = array<i32>} : memref<2x8x64x32xf32, #tpu.memory_space<vmem>>, vector<16xf32>,
        %get3A_1036 = arith.constant 0 : i32
        %get3A_1037 = arith.index_cast %get3A_1036 : i32 to index
        %get3A_1038 = arith.index_cast %select_n3A_957 : i32 to index
        %get3A_1039 = arith.index_cast %add3A_1027 : i32 to index
        %get3A_1040 = arith.constant 16 : index
        %get3A_1041 = tpu.vector_load %arg7[%get3A_1037, %get3A_1038, %get3A_1039, %get3A_1040] {strides = array<i32>} : memref<2x8x64x32xf32, #tpu.memory_space<vmem>>, vector<16xf32>,
        %scatter3A_1042 = arith.constant 0 : i32
        %scatter3A_1043 = arith.constant 0 : i32
        %scatter3A_1044 = arith.constant 0 : i32
        %scatter3A_1045 = tpu.memref_slice %arg8[%scatter3A_1042, %select_n3A_957, %scatter3A_1043, %scatter3A_1044] : memref<2x8x32x65xf32, #tpu.memory_space<vmem>> -> memref<1x1x32x65xf32, #tpu.memory_space<vmem>>
        %scatter3A_1046 = tpu.memref_squeeze %scatter3A_1045 : memref<1x1x32x65xf32, #tpu.memory_space<vmem>> -> memref<32x65xf32, #tpu.memory_space<vmem>>
        tpu.vector_store_idx %scatter3A_1046[%iota3A, %add3A_1029], %get3A_1035 : memref<32x65xf32, #tpu.memory_space<vmem>>[vector<16xi32>, vector<16xi32>], vector<16xf32>,
        %scatter3A_1047 = arith.constant 0 : i32
        %scatter3A_1048 = arith.constant 0 : i32
        %scatter3A_1049 = arith.constant 0 : i32
        %scatter3A_1050 = tpu.memref_slice %arg8[%scatter3A_1047, %select_n3A_957, %scatter3A_1048, %scatter3A_1049] : memref<2x8x32x65xf32, #tpu.memory_space<vmem>> -> memref<1x1x32x65xf32, #tpu.memory_space<vmem>>
        %scatter3A_1051 = tpu.memref_squeeze %scatter3A_1050 : memref<1x1x32x65xf32, #tpu.memory_space<vmem>> -> memref<32x65xf32, #tpu.memory_space<vmem>>
        tpu.vector_store_idx %scatter3A_1051[%add3A_39, %add3A_1029], %get3A_1041 : memref<32x65xf32, #tpu.memory_space<vmem>>[vector<16xi32>, vector<16xi32>], vector<16xf32>,
        %add3A_1052 = arith.constant 3 : i32
        %add3A_1053 = arith.addi %mul3A_975, %add3A_1052 : i32
        %add3A_1054 = vector.broadcast %add3A_1053 : i32 to vector<16xi32>
        %add3A_1055 = arith.addi %broadcast_in_dim3A_36, %add3A_1054 : vector<16xi32>
        %get3A_1056 = arith.constant 0 : i32
        %get3A_1057 = arith.index_cast %get3A_1056 : i32 to index
        %get3A_1058 = arith.index_cast %select_n3A_957 : i32 to index
        %get3A_1059 = arith.index_cast %add3A_1053 : i32 to index
        %get3A_1060 = arith.constant 0 : index
        %get3A_1061 = tpu.vector_load %arg7[%get3A_1057, %get3A_1058, %get3A_1059, %get3A_1060] {strides = array<i32>} : memref<2x8x64x32xf32, #tpu.memory_space<vmem>>, vector<16xf32>,
        %get3A_1062 = arith.constant 0 : i32
        %get3A_1063 = arith.index_cast %get3A_1062 : i32 to index
        %get3A_1064 = arith.index_cast %select_n3A_957 : i32 to index
        %get3A_1065 = arith.index_cast %add3A_1053 : i32 to index
        %get3A_1066 = arith.constant 16 : index
        %get3A_1067 = tpu.vector_load %arg7[%get3A_1063, %get3A_1064, %get3A_1065, %get3A_1066] {strides = array<i32>} : memref<2x8x64x32xf32, #tpu.memory_space<vmem>>, vector<16xf32>,
        %scatter3A_1068 = arith.constant 0 : i32
        %scatter3A_1069 = arith.constant 0 : i32
        %scatter3A_1070 = arith.constant 0 : i32
        %scatter3A_1071 = tpu.memref_slice %arg8[%scatter3A_1068, %select_n3A_957, %scatter3A_1069, %scatter3A_1070] : memref<2x8x32x65xf32, #tpu.memory_space<vmem>> -> memref<1x1x32x65xf32, #tpu.memory_space<vmem>>
        %scatter3A_1072 = tpu.memref_squeeze %scatter3A_1071 : memref<1x1x32x65xf32, #tpu.memory_space<vmem>> -> memref<32x65xf32, #tpu.memory_space<vmem>>
        tpu.vector_store_idx %scatter3A_1072[%iota3A, %add3A_1055], %get3A_1061 : memref<32x65xf32, #tpu.memory_space<vmem>>[vector<16xi32>, vector<16xi32>], vector<16xf32>,
        %scatter3A_1073 = arith.constant 0 : i32
        %scatter3A_1074 = arith.constant 0 : i32
        %scatter3A_1075 = arith.constant 0 : i32
        %scatter3A_1076 = tpu.memref_slice %arg8[%scatter3A_1073, %select_n3A_957, %scatter3A_1074, %scatter3A_1075] : memref<2x8x32x65xf32, #tpu.memory_space<vmem>> -> memref<1x1x32x65xf32, #tpu.memory_space<vmem>>
        %scatter3A_1077 = tpu.memref_squeeze %scatter3A_1076 : memref<1x1x32x65xf32, #tpu.memory_space<vmem>> -> memref<32x65xf32, #tpu.memory_space<vmem>>
        tpu.vector_store_idx %scatter3A_1077[%add3A_39, %add3A_1055], %get3A_1067 : memref<32x65xf32, #tpu.memory_space<vmem>>[vector<16xi32>, vector<16xi32>], vector<16xf32>,
        %add3A_1078 = arith.constant 4 : i32
        %add3A_1079 = arith.addi %mul3A_975, %add3A_1078 : i32
        %add3A_1080 = vector.broadcast %add3A_1079 : i32 to vector<16xi32>
        %add3A_1081 = arith.addi %broadcast_in_dim3A_36, %add3A_1080 : vector<16xi32>
        %get3A_1082 = arith.constant 0 : i32
        %get3A_1083 = arith.index_cast %get3A_1082 : i32 to index
        %get3A_1084 = arith.index_cast %select_n3A_957 : i32 to index
        %get3A_1085 = arith.index_cast %add3A_1079 : i32 to index
        %get3A_1086 = arith.constant 0 : index
        %get3A_1087 = tpu.vector_load %arg7[%get3A_1083, %get3A_1084, %get3A_1085, %get3A_1086] {strides = array<i32>} : memref<2x8x64x32xf32, #tpu.memory_space<vmem>>, vector<16xf32>,
        %get3A_1088 = arith.constant 0 : i32
        %get3A_1089 = arith.index_cast %get3A_1088 : i32 to index
        %get3A_1090 = arith.index_cast %select_n3A_957 : i32 to index
        %get3A_1091 = arith.index_cast %add3A_1079 : i32 to index
        %get3A_1092 = arith.constant 16 : index
        %get3A_1093 = tpu.vector_load %arg7[%get3A_1089, %get3A_1090, %get3A_1091, %get3A_1092] {strides = array<i32>} : memref<2x8x64x32xf32, #tpu.memory_space<vmem>>, vector<16xf32>,
        %scatter3A_1094 = arith.constant 0 : i32
        %scatter3A_1095 = arith.constant 0 : i32
        %scatter3A_1096 = arith.constant 0 : i32
        %scatter3A_1097 = tpu.memref_slice %arg8[%scatter3A_1094, %select_n3A_957, %scatter3A_1095, %scatter3A_1096] : memref<2x8x32x65xf32, #tpu.memory_space<vmem>> -> memref<1x1x32x65xf32, #tpu.memory_space<vmem>>
        %scatter3A_1098 = tpu.memref_squeeze %scatter3A_1097 : memref<1x1x32x65xf32, #tpu.memory_space<vmem>> -> memref<32x65xf32, #tpu.memory_space<vmem>>
        tpu.vector_store_idx %scatter3A_1098[%iota3A, %add3A_1081], %get3A_1087 : memref<32x65xf32, #tpu.memory_space<vmem>>[vector<16xi32>, vector<16xi32>], vector<16xf32>,
        %scatter3A_1099 = arith.constant 0 : i32
        %scatter3A_1100 = arith.constant 0 : i32
        %scatter3A_1101 = arith.constant 0 : i32
        %scatter3A_1102 = tpu.memref_slice %arg8[%scatter3A_1099, %select_n3A_957, %scatter3A_1100, %scatter3A_1101] : memref<2x8x32x65xf32, #tpu.memory_space<vmem>> -> memref<1x1x32x65xf32, #tpu.memory_space<vmem>>
        %scatter3A_1103 = tpu.memref_squeeze %scatter3A_1102 : memref<1x1x32x65xf32, #tpu.memory_space<vmem>> -> memref<32x65xf32, #tpu.memory_space<vmem>>
        tpu.vector_store_idx %scatter3A_1103[%add3A_39, %add3A_1081], %get3A_1093 : memref<32x65xf32, #tpu.memory_space<vmem>>[vector<16xi32>, vector<16xi32>], vector<16xf32>,
        %add3A_1104 = arith.constant 5 : i32
        %add3A_1105 = arith.addi %mul3A_975, %add3A_1104 : i32
        %add3A_1106 = vector.broadcast %add3A_1105 : i32 to vector<16xi32>
        %add3A_1107 = arith.addi %broadcast_in_dim3A_36, %add3A_1106 : vector<16xi32>
        %get3A_1108 = arith.constant 0 : i32
        %get3A_1109 = arith.index_cast %get3A_1108 : i32 to index
        %get3A_1110 = arith.index_cast %select_n3A_957 : i32 to index
        %get3A_1111 = arith.index_cast %add3A_1105 : i32 to index
        %get3A_1112 = arith.constant 0 : index
        %get3A_1113 = tpu.vector_load %arg7[%get3A_1109, %get3A_1110, %get3A_1111, %get3A_1112] {strides = array<i32>} : memref<2x8x64x32xf32, #tpu.memory_space<vmem>>, vector<16xf32>,
        %get3A_1114 = arith.constant 0 : i32
        %get3A_1115 = arith.index_cast %get3A_1114 : i32 to index
        %get3A_1116 = arith.index_cast %select_n3A_957 : i32 to index
        %get3A_1117 = arith.index_cast %add3A_1105 : i32 to index
        %get3A_1118 = arith.constant 16 : index
        %get3A_1119 = tpu.vector_load %arg7[%get3A_1115, %get3A_1116, %get3A_1117, %get3A_1118] {strides = array<i32>} : memref<2x8x64x32xf32, #tpu.memory_space<vmem>>, vector<16xf32>,
        %scatter3A_1120 = arith.constant 0 : i32
        %scatter3A_1121 = arith.constant 0 : i32
        %scatter3A_1122 = arith.constant 0 : i32
        %scatter3A_1123 = tpu.memref_slice %arg8[%scatter3A_1120, %select_n3A_957, %scatter3A_1121, %scatter3A_1122] : memref<2x8x32x65xf32, #tpu.memory_space<vmem>> -> memref<1x1x32x65xf32, #tpu.memory_space<vmem>>
        %scatter3A_1124 = tpu.memref_squeeze %scatter3A_1123 : memref<1x1x32x65xf32, #tpu.memory_space<vmem>> -> memref<32x65xf32, #tpu.memory_space<vmem>>
        tpu.vector_store_idx %scatter3A_1124[%iota3A, %add3A_1107], %get3A_1113 : memref<32x65xf32, #tpu.memory_space<vmem>>[vector<16xi32>, vector<16xi32>], vector<16xf32>,
        %scatter3A_1125 = arith.constant 0 : i32
        %scatter3A_1126 = arith.constant 0 : i32
        %scatter3A_1127 = arith.constant 0 : i32
        %scatter3A_1128 = tpu.memref_slice %arg8[%scatter3A_1125, %select_n3A_957, %scatter3A_1126, %scatter3A_1127] : memref<2x8x32x65xf32, #tpu.memory_space<vmem>> -> memref<1x1x32x65xf32, #tpu.memory_space<vmem>>
        %scatter3A_1129 = tpu.memref_squeeze %scatter3A_1128 : memref<1x1x32x65xf32, #tpu.memory_space<vmem>> -> memref<32x65xf32, #tpu.memory_space<vmem>>
        tpu.vector_store_idx %scatter3A_1129[%add3A_39, %add3A_1107], %get3A_1119 : memref<32x65xf32, #tpu.memory_space<vmem>>[vector<16xi32>, vector<16xi32>], vector<16xf32>,
        %add3A_1130 = arith.constant 6 : i32
        %add3A_1131 = arith.addi %mul3A_975, %add3A_1130 : i32
        %add3A_1132 = vector.broadcast %add3A_1131 : i32 to vector<16xi32>
        %add3A_1133 = arith.addi %broadcast_in_dim3A_36, %add3A_1132 : vector<16xi32>
        %get3A_1134 = arith.constant 0 : i32
        %get3A_1135 = arith.index_cast %get3A_1134 : i32 to index
        %get3A_1136 = arith.index_cast %select_n3A_957 : i32 to index
        %get3A_1137 = arith.index_cast %add3A_1131 : i32 to index
        %get3A_1138 = arith.constant 0 : index
        %get3A_1139 = tpu.vector_load %arg7[%get3A_1135, %get3A_1136, %get3A_1137, %get3A_1138] {strides = array<i32>} : memref<2x8x64x32xf32, #tpu.memory_space<vmem>>, vector<16xf32>,
        %get3A_1140 = arith.constant 0 : i32
        %get3A_1141 = arith.index_cast %get3A_1140 : i32 to index
        %get3A_1142 = arith.index_cast %select_n3A_957 : i32 to index
        %get3A_1143 = arith.index_cast %add3A_1131 : i32 to index
        %get3A_1144 = arith.constant 16 : index
        %get3A_1145 = tpu.vector_load %arg7[%get3A_1141, %get3A_1142, %get3A_1143, %get3A_1144] {strides = array<i32>} : memref<2x8x64x32xf32, #tpu.memory_space<vmem>>, vector<16xf32>,
        %scatter3A_1146 = arith.constant 0 : i32
        %scatter3A_1147 = arith.constant 0 : i32
        %scatter3A_1148 = arith.constant 0 : i32
        %scatter3A_1149 = tpu.memref_slice %arg8[%scatter3A_1146, %select_n3A_957, %scatter3A_1147, %scatter3A_1148] : memref<2x8x32x65xf32, #tpu.memory_space<vmem>> -> memref<1x1x32x65xf32, #tpu.memory_space<vmem>>
        %scatter3A_1150 = tpu.memref_squeeze %scatter3A_1149 : memref<1x1x32x65xf32, #tpu.memory_space<vmem>> -> memref<32x65xf32, #tpu.memory_space<vmem>>
        tpu.vector_store_idx %scatter3A_1150[%iota3A, %add3A_1133], %get3A_1139 : memref<32x65xf32, #tpu.memory_space<vmem>>[vector<16xi32>, vector<16xi32>], vector<16xf32>,
        %scatter3A_1151 = arith.constant 0 : i32
        %scatter3A_1152 = arith.constant 0 : i32
        %scatter3A_1153 = arith.constant 0 : i32
        %scatter3A_1154 = tpu.memref_slice %arg8[%scatter3A_1151, %select_n3A_957, %scatter3A_1152, %scatter3A_1153] : memref<2x8x32x65xf32, #tpu.memory_space<vmem>> -> memref<1x1x32x65xf32, #tpu.memory_space<vmem>>
        %scatter3A_1155 = tpu.memref_squeeze %scatter3A_1154 : memref<1x1x32x65xf32, #tpu.memory_space<vmem>> -> memref<32x65xf32, #tpu.memory_space<vmem>>
        tpu.vector_store_idx %scatter3A_1155[%add3A_39, %add3A_1133], %get3A_1145 : memref<32x65xf32, #tpu.memory_space<vmem>>[vector<16xi32>, vector<16xi32>], vector<16xf32>,
        %add3A_1156 = arith.constant 7 : i32
        %add3A_1157 = arith.addi %mul3A_975, %add3A_1156 : i32
        %add3A_1158 = vector.broadcast %add3A_1157 : i32 to vector<16xi32>
        %add3A_1159 = arith.addi %broadcast_in_dim3A_36, %add3A_1158 : vector<16xi32>
        %get3A_1160 = arith.constant 0 : i32
        %get3A_1161 = arith.index_cast %get3A_1160 : i32 to index
        %get3A_1162 = arith.index_cast %select_n3A_957 : i32 to index
        %get3A_1163 = arith.index_cast %add3A_1157 : i32 to index
        %get3A_1164 = arith.constant 0 : index
        %get3A_1165 = tpu.vector_load %arg7[%get3A_1161, %get3A_1162, %get3A_1163, %get3A_1164] {strides = array<i32>} : memref<2x8x64x32xf32, #tpu.memory_space<vmem>>, vector<16xf32>,
        %get3A_1166 = arith.constant 0 : i32
        %get3A_1167 = arith.index_cast %get3A_1166 : i32 to index
        %get3A_1168 = arith.index_cast %select_n3A_957 : i32 to index
        %get3A_1169 = arith.index_cast %add3A_1157 : i32 to index
        %get3A_1170 = arith.constant 16 : index
        %get3A_1171 = tpu.vector_load %arg7[%get3A_1167, %get3A_1168, %get3A_1169, %get3A_1170] {strides = array<i32>} : memref<2x8x64x32xf32, #tpu.memory_space<vmem>>, vector<16xf32>,
        %scatter3A_1172 = arith.constant 0 : i32
        %scatter3A_1173 = arith.constant 0 : i32
        %scatter3A_1174 = arith.constant 0 : i32
        %scatter3A_1175 = tpu.memref_slice %arg8[%scatter3A_1172, %select_n3A_957, %scatter3A_1173, %scatter3A_1174] : memref<2x8x32x65xf32, #tpu.memory_space<vmem>> -> memref<1x1x32x65xf32, #tpu.memory_space<vmem>>
        %scatter3A_1176 = tpu.memref_squeeze %scatter3A_1175 : memref<1x1x32x65xf32, #tpu.memory_space<vmem>> -> memref<32x65xf32, #tpu.memory_space<vmem>>
        tpu.vector_store_idx %scatter3A_1176[%iota3A, %add3A_1159], %get3A_1165 : memref<32x65xf32, #tpu.memory_space<vmem>>[vector<16xi32>, vector<16xi32>], vector<16xf32>,
        %scatter3A_1177 = arith.constant 0 : i32
        %scatter3A_1178 = arith.constant 0 : i32
        %scatter3A_1179 = arith.constant 0 : i32
        %scatter3A_1180 = tpu.memref_slice %arg8[%scatter3A_1177, %select_n3A_957, %scatter3A_1178, %scatter3A_1179] : memref<2x8x32x65xf32, #tpu.memory_space<vmem>> -> memref<1x1x32x65xf32, #tpu.memory_space<vmem>>
        %scatter3A_1181 = tpu.memref_squeeze %scatter3A_1180 : memref<1x1x32x65xf32, #tpu.memory_space<vmem>> -> memref<32x65xf32, #tpu.memory_space<vmem>>
        tpu.vector_store_idx %scatter3A_1181[%add3A_39, %add3A_1159], %get3A_1171 : memref<32x65xf32, #tpu.memory_space<vmem>>[vector<16xi32>, vector<16xi32>], vector<16xf32>,
      }
      %scan3A_649 = arith.constant 64 : i32
      %jit3A_650 = arith.constant 8 : i32
      %div3A_651 = arith.divsi %mul3A_299, %jit3A_650 : i32
      %sign3A_652 = arith.constant 0 : i32
      %sign3A_653 = arith.cmpi sgt, %mul3A_299, %sign3A_652 : i32
      %sign3A_654 = arith.extui %sign3A_653 : i1 to i32
      %sign3A_655 = arith.constant 0 : i32
      %sign3A_656 = arith.cmpi slt, %mul3A_299, %sign3A_655 : i32
      %sign3A_657 = arith.extui %sign3A_656 : i1 to i32
      %sign3A_658 = arith.subi %sign3A_654, %sign3A_657 : i32
      %sign3A_659 = arith.constant 0 : i32
      %sign3A_660 = arith.cmpi sgt, %jit3A_650, %sign3A_659 : i32
      %sign3A_661 = arith.extui %sign3A_660 : i1 to i32
      %sign3A_662 = arith.constant 0 : i32
      %sign3A_663 = arith.cmpi slt, %jit3A_650, %sign3A_662 : i32
      %sign3A_664 = arith.extui %sign3A_663 : i1 to i32
      %sign3A_665 = arith.subi %sign3A_661, %sign3A_664 : i32
      %ne3A_666 = arith.cmpi ne, %sign3A_658, %sign3A_665 : i32
      %rem3A_667 = arith.remsi %mul3A_299, %jit3A_650 : i32
      %ne3A_668 = arith.constant 0 : i32
      %ne3A_669 = arith.cmpi ne, %rem3A_667, %ne3A_668 : i32
      %and3A_670 = arith.andi %ne3A_666, %ne3A_669 : i1
      %sub3A_671 = arith.constant 1 : i32
      %sub3A_672 = arith.subi %div3A_651, %sub3A_671 : i32
      %select_n3A_673 = arith.select %and3A_670, %sub3A_672, %div3A_651 : i32
      %jit3A_674 = arith.constant 8 : i32
      %eq3A_675 = arith.constant 0 : i32
      %eq3A_676 = arith.cmpi eq, %jit3A_674, %eq3A_675 : i32
      %jit3A_677 = arith.constant 1 : i32
      %select_n3A_678 = arith.select %eq3A_676, %jit3A_677, %jit3A_674 : i32
      %rem3A_679 = arith.remsi %mul3A_299, %select_n3A_678 : i32
      %ne3A_680 = arith.constant 0 : i32
      %ne3A_681 = arith.cmpi ne, %rem3A_679, %ne3A_680 : i32
      %lt3A_682 = arith.constant 0 : i32
      %lt3A_683 = arith.cmpi slt, %rem3A_679, %lt3A_682 : i32
      %lt3A_684 = arith.constant 0 : i32
      %lt3A_685 = arith.cmpi slt, %select_n3A_678, %lt3A_684 : i32
      %ne3A_686 = arith.xori %lt3A_683, %lt3A_685 : i1
      %and3A_687 = arith.andi %ne3A_686, %ne3A_681 : i1
      %add3A_688 = arith.addi %rem3A_679, %select_n3A_678 : i32
      %select_n3A_689 = arith.select %and3A_687, %add3A_688, %rem3A_679 : i32
      %add3A_690 = arith.addi %mul3A_32, %select_n3A_673 : i32
      %mul3A_691 = arith.constant 8 : i32
      %mul3A_692 = arith.muli %select_n3A_689, %mul3A_691 : i32
      %dma_start3A_693 = arith.constant 0 : i32
      %dma_start3A_694 = arith.constant 0 : i32
      %dma_start3A_695 = arith.constant 0 : i32
      %dma_start3A_696 = arith.constant 0 : i32
      %dma_start3A_697 = arith.constant 0 : i32
      %dma_start3A_698 = tpu.memref_slice %arg8[%dma_start3A_693, %dma_start3A_695, %dma_start3A_696, %dma_start3A_697] : memref<2x8x32x65xf32, #tpu.memory_space<vmem>> -> memref<1x8x32x64xf32, #tpu.memory_space<vmem>>
      %dma_start3A_699 = tpu.memref_squeeze %dma_start3A_698 : memref<1x8x32x64xf32, #tpu.memory_space<vmem>> -> memref<8x32x64xf32, #tpu.memory_space<vmem>>
      %dma_start3A_700 = arith.constant 0 : i32
      %dma_start3A_701 = arith.constant 0 : i32
      %dma_start3A_702 = tpu.memref_slice %arg4[%select_n3A, %add3A_690, %mul3A_692, %dma_start3A_700, %dma_start3A_701] : memref<8x20x64x32x64xf32, #tpu.memory_space<hbm>> -> memref<1x1x8x32x64xf32, #tpu.memory_space<hbm>>
      %dma_start3A_703 = tpu.memref_squeeze %dma_start3A_702 : memref<1x1x8x32x64xf32, #tpu.memory_space<hbm>> -> memref<8x32x64xf32, #tpu.memory_space<hbm>>
      %dma_start3A_704 = tpu.memref_slice %arg11[%dma_start3A_694] : memref<2x!tpu.dma_semaphore, #tpu.memory_space<semaphore_mem>> -> memref<1x!tpu.dma_semaphore, #tpu.memory_space<semaphore_mem>>
      %dma_start3A_705 = tpu.memref_squeeze %dma_start3A_704 : memref<1x!tpu.dma_semaphore, #tpu.memory_space<semaphore_mem>> -> memref<!tpu.dma_semaphore, #tpu.memory_space<semaphore_mem>>
      %dma_start3A_706 = arith.constant 0 : i32
      %dma_start3A_707 = arith.constant 0 : i32
      %dma_start3A_708 = tpu.memref_slice %arg4[%select_n3A, %add3A_690, %mul3A_692, %dma_start3A_706, %dma_start3A_707] : memref<8x20x64x32x64xf32, #tpu.memory_space<hbm>> -> memref<1x1x8x32x64xf32, #tpu.memory_space<hbm>>
      %dma_start3A_709 = tpu.memref_squeeze %dma_start3A_708 : memref<1x1x8x32x64xf32, #tpu.memory_space<hbm>> -> memref<8x32x64xf32, #tpu.memory_space<hbm>>
      %dma_start3A_710 = arith.constant 0 : i32
      %dma_start3A_711 = arith.constant 0 : i32
      %dma_start3A_712 = arith.constant 0 : i32
      %dma_start3A_713 = tpu.memref_slice %arg8[%dma_start3A_693, %dma_start3A_710, %dma_start3A_711, %dma_start3A_712] : memref<2x8x32x65xf32, #tpu.memory_space<vmem>> -> memref<1x8x32x64xf32, #tpu.memory_space<vmem>>
      %dma_start3A_714 = tpu.memref_squeeze %dma_start3A_713 : memref<1x8x32x64xf32, #tpu.memory_space<vmem>> -> memref<8x32x64xf32, #tpu.memory_space<vmem>>
      tpu.enqueue_dma source(%dma_start3A_714 : memref<8x32x64xf32, #tpu.memory_space<vmem>>) target(%dma_start3A_709 : memref<8x32x64xf32, #tpu.memory_space<hbm>>) target_semaphore(%dma_start3A_705 : memref<!tpu.dma_semaphore, #tpu.memory_space<semaphore_mem>>)
      %convert_element_type3A_715 = arith.extui %lt3A_303 : i1 to i32
      %cond3A_716 = arith.constant 0 : i32
      %cond3A_717 = arith.cmpi ne, %convert_element_type3A_715, %cond3A_716 : i32
      scf.if %cond3A_717 {
        %add3A_933 = arith.constant 2 : i32
        %add3A_934 = arith.addi %mul3A_299, %add3A_933 : i32
        %jit3A_935 = arith.constant 8 : i32
        %div3A_936 = arith.divsi %add3A_934, %jit3A_935 : i32
        %sign3A_937 = arith.constant 0 : i32
        %sign3A_938 = arith.cmpi sgt, %add3A_934, %sign3A_937 : i32
        %sign3A_939 = arith.extui %sign3A_938 : i1 to i32
        %sign3A_940 = arith.constant 0 : i32
        %sign3A_941 = arith.cmpi slt, %add3A_934, %sign3A_940 : i32
        %sign3A_942 = arith.extui %sign3A_941 : i1 to i32
        %sign3A_943 = arith.subi %sign3A_939, %sign3A_942 : i32
        %sign3A_944 = arith.constant 0 : i32
        %sign3A_945 = arith.cmpi sgt, %jit3A_935, %sign3A_944 : i32
        %sign3A_946 = arith.extui %sign3A_945 : i1 to i32
        %sign3A_947 = arith.constant 0 : i32
        %sign3A_948 = arith.cmpi slt, %jit3A_935, %sign3A_947 : i32
        %sign3A_949 = arith.extui %sign3A_948 : i1 to i32
        %sign3A_950 = arith.subi %sign3A_946, %sign3A_949 : i32
        %ne3A_951 = arith.cmpi ne, %sign3A_943, %sign3A_950 : i32
        %rem3A_952 = arith.remsi %add3A_934, %jit3A_935 : i32
        %ne3A_953 = arith.constant 0 : i32
        %ne3A_954 = arith.cmpi ne, %rem3A_952, %ne3A_953 : i32
        %and3A_955 = arith.andi %ne3A_951, %ne3A_954 : i1
        %sub3A_956 = arith.constant 1 : i32
        %sub3A_957 = arith.subi %div3A_936, %sub3A_956 : i32
        %select_n3A_958 = arith.select %and3A_955, %sub3A_957, %div3A_936 : i32
        %jit3A_959 = arith.constant 8 : i32
        %eq3A_960 = arith.constant 0 : i32
        %eq3A_961 = arith.cmpi eq, %jit3A_959, %eq3A_960 : i32
        %jit3A_962 = arith.constant 1 : i32
        %select_n3A_963 = arith.select %eq3A_961, %jit3A_962, %jit3A_959 : i32
        %rem3A_964 = arith.remsi %add3A_934, %select_n3A_963 : i32
        %ne3A_965 = arith.constant 0 : i32
        %ne3A_966 = arith.cmpi ne, %rem3A_964, %ne3A_965 : i32
        %lt3A_967 = arith.constant 0 : i32
        %lt3A_968 = arith.cmpi slt, %rem3A_964, %lt3A_967 : i32
        %lt3A_969 = arith.constant 0 : i32
        %lt3A_970 = arith.cmpi slt, %select_n3A_963, %lt3A_969 : i32
        %ne3A_971 = arith.xori %lt3A_968, %lt3A_970 : i1
        %and3A_972 = arith.andi %ne3A_971, %ne3A_966 : i1
        %add3A_973 = arith.addi %rem3A_964, %select_n3A_963 : i32
        %select_n3A_974 = arith.select %and3A_972, %add3A_973, %rem3A_964 : i32
        %add3A_975 = arith.addi %mul3A_32, %select_n3A_958 : i32
        %mul3A_976 = arith.constant 8 : i32
        %mul3A_977 = arith.muli %select_n3A_974, %mul3A_976 : i32
        %dma_wait3A_978 = arith.constant 0 : i32
        %dma_wait3A_979 = arith.constant 0 : i32
        %dma_wait3A_980 = arith.constant 0 : i32
        %dma_wait3A_981 = arith.constant 0 : i32
        %dma_wait3A_982 = tpu.memref_slice %arg6[%dma_wait3A_978, %dma_wait3A_980, %dma_wait3A_981] : memref<2x8x64xi32, #tpu.memory_space<vmem>> -> memref<1x8x64xi32, #tpu.memory_space<vmem>>
        %dma_wait3A_983 = tpu.memref_squeeze %dma_wait3A_982 : memref<1x8x64xi32, #tpu.memory_space<vmem>> -> memref<8x64xi32, #tpu.memory_space<vmem>>
        %dma_wait3A_984 = arith.constant 0 : i32
        %dma_wait3A_985 = tpu.memref_slice %arg2[%select_n3A, %add3A_975, %mul3A_977, %dma_wait3A_984] : memref<8x20x64x64xi32, #tpu.memory_space<hbm>> -> memref<1x1x8x64xi32, #tpu.memory_space<hbm>>
        %dma_wait3A_986 = tpu.memref_squeeze %dma_wait3A_985 : memref<1x1x8x64xi32, #tpu.memory_space<hbm>> -> memref<8x64xi32, #tpu.memory_space<hbm>>
        %dma_wait3A_987 = tpu.memref_slice %arg9[%dma_wait3A_979] : memref<2x!tpu.dma_semaphore, #tpu.memory_space<semaphore_mem>> -> memref<1x!tpu.dma_semaphore, #tpu.memory_space<semaphore_mem>>
        %dma_wait3A_988 = tpu.memref_squeeze %dma_wait3A_987 : memref<1x!tpu.dma_semaphore, #tpu.memory_space<semaphore_mem>> -> memref<!tpu.dma_semaphore, #tpu.memory_space<semaphore_mem>>
        %dma_wait3A_989 = arith.constant 0 : i32
        %dma_wait3A_990 = arith.constant 0 : i32
        %dma_wait3A_991 = tpu.memref_slice %arg6[%dma_wait3A_978, %dma_wait3A_989, %dma_wait3A_990] : memref<2x8x64xi32, #tpu.memory_space<vmem>> -> memref<1x8x64xi32, #tpu.memory_space<vmem>>
        %dma_wait3A_992 = tpu.memref_squeeze %dma_wait3A_991 : memref<1x8x64xi32, #tpu.memory_space<vmem>> -> memref<8x64xi32, #tpu.memory_space<vmem>>
        %dma_wait3A_993 = arith.constant 0 : i32
        %dma_wait3A_994 = tpu.memref_slice %arg2[%select_n3A, %add3A_975, %mul3A_977, %dma_wait3A_993] : memref<8x20x64x64xi32, #tpu.memory_space<hbm>> -> memref<1x1x8x64xi32, #tpu.memory_space<hbm>>
        %dma_wait3A_995 = tpu.memref_squeeze %dma_wait3A_994 : memref<1x1x8x64xi32, #tpu.memory_space<hbm>> -> memref<8x64xi32, #tpu.memory_space<hbm>>
        tpu.wait_dma2 semaphore(%dma_wait3A_988 : memref<!tpu.dma_semaphore, #tpu.memory_space<semaphore_mem>>) src(%dma_wait3A_995 : memref<8x64xi32, #tpu.memory_space<hbm>>) dst(%dma_wait3A_992 : memref<8x64xi32, #tpu.memory_space<vmem>>)
        %dma_start3A_996 = arith.constant 0 : i32
        %dma_start3A_997 = arith.constant 0 : i32
        %dma_start3A_998 = arith.constant 0 : i32
        %dma_start3A_999 = arith.constant 0 : i32
        %dma_start3A_1000 = arith.constant 0 : i32
        %dma_start3A_1001 = arith.constant 0 : i32
        %dma_start3A_1002 = arith.constant 0 : i32
        %dma_start3A_1003 = tpu.memref_slice %arg7[%dma_start3A_998, %dma_start3A_999, %dma_start3A_1001, %dma_start3A_1002] : memref<2x8x64x32xf32, #tpu.memory_space<vmem>> -> memref<1x1x64x32xf32, #tpu.memory_space<vmem>>
        %dma_start3A_1004 = tpu.memref_squeeze %dma_start3A_1003 : memref<1x1x64x32xf32, #tpu.memory_space<vmem>> -> memref<64x32xf32, #tpu.memory_space<vmem>>
        %dma_start3A_1005 = arith.constant 0 : i32
        %dma_start3A_1006 = tpu.memref_slice %arg6[%dma_start3A_996, %dma_start3A_997, %dma_start3A_1005] : memref<2x8x64xi32, #tpu.memory_space<vmem>> -> memref<1x1x64xi32, #tpu.memory_space<vmem>>
        %dma_start3A_1007 = tpu.memref_squeeze %dma_start3A_1006 : memref<1x1x64xi32, #tpu.memory_space<vmem>> -> memref<64xi32, #tpu.memory_space<vmem>>
        %dma_start3A_1008 = arith.constant 0 : i32
        %dma_start3A_1009 = arith.constant 0 : i32
        %dma_start3A_1010 = tpu.memref_slice %arg5[%dma_start3A_1008, %dma_start3A_1009] : memref<1000x32xf32, #tpu.memory_space<vmem_shared>> -> memref<1000x32xf32, #tpu.memory_space<vmem_shared>>
        %dma_start3A_1011 = tpu.memref_slice %arg10[%dma_start3A_1000] : memref<2x!tpu.dma_semaphore, #tpu.memory_space<semaphore_mem>> -> memref<1x!tpu.dma_semaphore, #tpu.memory_space<semaphore_mem>>
        %dma_start3A_1012 = tpu.memref_squeeze %dma_start3A_1011 : memref<1x!tpu.dma_semaphore, #tpu.memory_space<semaphore_mem>> -> memref<!tpu.dma_semaphore, #tpu.memory_space<semaphore_mem>>
        tpu.enqueue_indirect_dma source(%dma_start3A_1010 : memref<1000x32xf32, #tpu.memory_space<vmem_shared>>) target(%dma_start3A_1004 : memref<64x32xf32, #tpu.memory_space<vmem>>) offsets(%dma_start3A_1007 : memref<64xi32, #tpu.memory_space<vmem>>) semaphore(%dma_start3A_1012 : memref<!tpu.dma_semaphore, #tpu.memory_space<semaphore_mem>>)
        %dma_start3A_1013 = arith.constant 0 : i32
        %dma_start3A_1014 = arith.constant 1 : i32
        %dma_start3A_1015 = arith.constant 0 : i32
        %dma_start3A_1016 = arith.constant 1 : i32
        %dma_start3A_1017 = arith.constant 0 : i32
        %dma_start3A_1018 = arith.constant 0 : i32
        %dma_start3A_1019 = arith.constant 0 : i32
        %dma_start3A_1020 = tpu.memref_slice %arg7[%dma_start3A_1015, %dma_start3A_1016, %dma_start3A_1018, %dma_start3A_1019] : memref<2x8x64x32xf32, #tpu.memory_space<vmem>> -> memref<1x1x64x32xf32, #tpu.memory_space<vmem>>
        %dma_start3A_1021 = tpu.memref_squeeze %dma_start3A_1020 : memref<1x1x64x32xf32, #tpu.memory_space<vmem>> -> memref<64x32xf32, #tpu.memory_space<vmem>>
        %dma_start3A_1022 = arith.constant 0 : i32
        %dma_start3A_1023 = tpu.memref_slice %arg6[%dma_start3A_1013, %dma_start3A_1014, %dma_start3A_1022] : memref<2x8x64xi32, #tpu.memory_space<vmem>> -> memref<1x1x64xi32, #tpu.memory_space<vmem>>
        %dma_start3A_1024 = tpu.memref_squeeze %dma_start3A_1023 : memref<1x1x64xi32, #tpu.memory_space<vmem>> -> memref<64xi32, #tpu.memory_space<vmem>>
        %dma_start3A_1025 = arith.constant 0 : i32
        %dma_start3A_1026 = arith.constant 0 : i32
        %dma_start3A_1027 = tpu.memref_slice %arg5[%dma_start3A_1025, %dma_start3A_1026] : memref<1000x32xf32, #tpu.memory_space<vmem_shared>> -> memref<1000x32xf32, #tpu.memory_space<vmem_shared>>
        %dma_start3A_1028 = tpu.memref_slice %arg10[%dma_start3A_1017] : memref<2x!tpu.dma_semaphore, #tpu.memory_space<semaphore_mem>> -> memref<1x!tpu.dma_semaphore, #tpu.memory_space<semaphore_mem>>
        %dma_start3A_1029 = tpu.memref_squeeze %dma_start3A_1028 : memref<1x!tpu.dma_semaphore, #tpu.memory_space<semaphore_mem>> -> memref<!tpu.dma_semaphore, #tpu.memory_space<semaphore_mem>>
        tpu.enqueue_indirect_dma source(%dma_start3A_1027 : memref<1000x32xf32, #tpu.memory_space<vmem_shared>>) target(%dma_start3A_1021 : memref<64x32xf32, #tpu.memory_space<vmem>>) offsets(%dma_start3A_1024 : memref<64xi32, #tpu.memory_space<vmem>>) semaphore(%dma_start3A_1029 : memref<!tpu.dma_semaphore, #tpu.memory_space<semaphore_mem>>)
        %dma_start3A_1030 = arith.constant 0 : i32
        %dma_start3A_1031 = arith.constant 2 : i32
        %dma_start3A_1032 = arith.constant 0 : i32
        %dma_start3A_1033 = arith.constant 2 : i32
        %dma_start3A_1034 = arith.constant 0 : i32
        %dma_start3A_1035 = arith.constant 0 : i32
        %dma_start3A_1036 = arith.constant 0 : i32
        %dma_start3A_1037 = tpu.memref_slice %arg7[%dma_start3A_1032, %dma_start3A_1033, %dma_start3A_1035, %dma_start3A_1036] : memref<2x8x64x32xf32, #tpu.memory_space<vmem>> -> memref<1x1x64x32xf32, #tpu.memory_space<vmem>>
        %dma_start3A_1038 = tpu.memref_squeeze %dma_start3A_1037 : memref<1x1x64x32xf32, #tpu.memory_space<vmem>> -> memref<64x32xf32, #tpu.memory_space<vmem>>
        %dma_start3A_1039 = arith.constant 0 : i32
        %dma_start3A_1040 = tpu.memref_slice %arg6[%dma_start3A_1030, %dma_start3A_1031, %dma_start3A_1039] : memref<2x8x64xi32, #tpu.memory_space<vmem>> -> memref<1x1x64xi32, #tpu.memory_space<vmem>>
        %dma_start3A_1041 = tpu.memref_squeeze %dma_start3A_1040 : memref<1x1x64xi32, #tpu.memory_space<vmem>> -> memref<64xi32, #tpu.memory_space<vmem>>
        %dma_start3A_1042 = arith.constant 0 : i32
        %dma_start3A_1043 = arith.constant 0 : i32
        %dma_start3A_1044 = tpu.memref_slice %arg5[%dma_start3A_1042, %dma_start3A_1043] : memref<1000x32xf32, #tpu.memory_space<vmem_shared>> -> memref<1000x32xf32, #tpu.memory_space<vmem_shared>>
        %dma_start3A_1045 = tpu.memref_slice %arg10[%dma_start3A_1034] : memref<2x!tpu.dma_semaphore, #tpu.memory_space<semaphore_mem>> -> memref<1x!tpu.dma_semaphore, #tpu.memory_space<semaphore_mem>>
        %dma_start3A_1046 = tpu.memref_squeeze %dma_start3A_1045 : memref<1x!tpu.dma_semaphore, #tpu.memory_space<semaphore_mem>> -> memref<!tpu.dma_semaphore, #tpu.memory_space<semaphore_mem>>
        tpu.enqueue_indirect_dma source(%dma_start3A_1044 : memref<1000x32xf32, #tpu.memory_space<vmem_shared>>) target(%dma_start3A_1038 : memref<64x32xf32, #tpu.memory_space<vmem>>) offsets(%dma_start3A_1041 : memref<64xi32, #tpu.memory_space<vmem>>) semaphore(%dma_start3A_1046 : memref<!tpu.dma_semaphore, #tpu.memory_space<semaphore_mem>>)
        %dma_start3A_1047 = arith.constant 0 : i32
        %dma_start3A_1048 = arith.constant 3 : i32
        %dma_start3A_1049 = arith.constant 0 : i32
        %dma_start3A_1050 = arith.constant 3 : i32
        %dma_start3A_1051 = arith.constant 0 : i32
        %dma_start3A_1052 = arith.constant 0 : i32
        %dma_start3A_1053 = arith.constant 0 : i32
        %dma_start3A_1054 = tpu.memref_slice %arg7[%dma_start3A_1049, %dma_start3A_1050, %dma_start3A_1052, %dma_start3A_1053] : memref<2x8x64x32xf32, #tpu.memory_space<vmem>> -> memref<1x1x64x32xf32, #tpu.memory_space<vmem>>
        %dma_start3A_1055 = tpu.memref_squeeze %dma_start3A_1054 : memref<1x1x64x32xf32, #tpu.memory_space<vmem>> -> memref<64x32xf32, #tpu.memory_space<vmem>>
        %dma_start3A_1056 = arith.constant 0 : i32
        %dma_start3A_1057 = tpu.memref_slice %arg6[%dma_start3A_1047, %dma_start3A_1048, %dma_start3A_1056] : memref<2x8x64xi32, #tpu.memory_space<vmem>> -> memref<1x1x64xi32, #tpu.memory_space<vmem>>
        %dma_start3A_1058 = tpu.memref_squeeze %dma_start3A_1057 : memref<1x1x64xi32, #tpu.memory_space<vmem>> -> memref<64xi32, #tpu.memory_space<vmem>>
        %dma_start3A_1059 = arith.constant 0 : i32
        %dma_start3A_1060 = arith.constant 0 : i32
        %dma_start3A_1061 = tpu.memref_slice %arg5[%dma_start3A_1059, %dma_start3A_1060] : memref<1000x32xf32, #tpu.memory_space<vmem_shared>> -> memref<1000x32xf32, #tpu.memory_space<vmem_shared>>
        %dma_start3A_1062 = tpu.memref_slice %arg10[%dma_start3A_1051] : memref<2x!tpu.dma_semaphore, #tpu.memory_space<semaphore_mem>> -> memref<1x!tpu.dma_semaphore, #tpu.memory_space<semaphore_mem>>
        %dma_start3A_1063 = tpu.memref_squeeze %dma_start3A_1062 : memref<1x!tpu.dma_semaphore, #tpu.memory_space<semaphore_mem>> -> memref<!tpu.dma_semaphore, #tpu.memory_space<semaphore_mem>>
        tpu.enqueue_indirect_dma source(%dma_start3A_1061 : memref<1000x32xf32, #tpu.memory_space<vmem_shared>>) target(%dma_start3A_1055 : memref<64x32xf32, #tpu.memory_space<vmem>>) offsets(%dma_start3A_1058 : memref<64xi32, #tpu.memory_space<vmem>>) semaphore(%dma_start3A_1063 : memref<!tpu.dma_semaphore, #tpu.memory_space<semaphore_mem>>)
        %dma_start3A_1064 = arith.constant 0 : i32
        %dma_start3A_1065 = arith.constant 4 : i32
        %dma_start3A_1066 = arith.constant 0 : i32
        %dma_start3A_1067 = arith.constant 4 : i32
        %dma_start3A_1068 = arith.constant 0 : i32
        %dma_start3A_1069 = arith.constant 0 : i32
        %dma_start3A_1070 = arith.constant 0 : i32
        %dma_start3A_1071 = tpu.memref_slice %arg7[%dma_start3A_1066, %dma_start3A_1067, %dma_start3A_1069, %dma_start3A_1070] : memref<2x8x64x32xf32, #tpu.memory_space<vmem>> -> memref<1x1x64x32xf32, #tpu.memory_space<vmem>>
        %dma_start3A_1072 = tpu.memref_squeeze %dma_start3A_1071 : memref<1x1x64x32xf32, #tpu.memory_space<vmem>> -> memref<64x32xf32, #tpu.memory_space<vmem>>
        %dma_start3A_1073 = arith.constant 0 : i32
        %dma_start3A_1074 = tpu.memref_slice %arg6[%dma_start3A_1064, %dma_start3A_1065, %dma_start3A_1073] : memref<2x8x64xi32, #tpu.memory_space<vmem>> -> memref<1x1x64xi32, #tpu.memory_space<vmem>>
        %dma_start3A_1075 = tpu.memref_squeeze %dma_start3A_1074 : memref<1x1x64xi32, #tpu.memory_space<vmem>> -> memref<64xi32, #tpu.memory_space<vmem>>
        %dma_start3A_1076 = arith.constant 0 : i32
        %dma_start3A_1077 = arith.constant 0 : i32
        %dma_start3A_1078 = tpu.memref_slice %arg5[%dma_start3A_1076, %dma_start3A_1077] : memref<1000x32xf32, #tpu.memory_space<vmem_shared>> -> memref<1000x32xf32, #tpu.memory_space<vmem_shared>>
        %dma_start3A_1079 = tpu.memref_slice %arg10[%dma_start3A_1068] : memref<2x!tpu.dma_semaphore, #tpu.memory_space<semaphore_mem>> -> memref<1x!tpu.dma_semaphore, #tpu.memory_space<semaphore_mem>>
        %dma_start3A_1080 = tpu.memref_squeeze %dma_start3A_1079 : memref<1x!tpu.dma_semaphore, #tpu.memory_space<semaphore_mem>> -> memref<!tpu.dma_semaphore, #tpu.memory_space<semaphore_mem>>
        tpu.enqueue_indirect_dma source(%dma_start3A_1078 : memref<1000x32xf32, #tpu.memory_space<vmem_shared>>) target(%dma_start3A_1072 : memref<64x32xf32, #tpu.memory_space<vmem>>) offsets(%dma_start3A_1075 : memref<64xi32, #tpu.memory_space<vmem>>) semaphore(%dma_start3A_1080 : memref<!tpu.dma_semaphore, #tpu.memory_space<semaphore_mem>>)
        %dma_start3A_1081 = arith.constant 0 : i32
        %dma_start3A_1082 = arith.constant 5 : i32
        %dma_start3A_1083 = arith.constant 0 : i32
        %dma_start3A_1084 = arith.constant 5 : i32
        %dma_start3A_1085 = arith.constant 0 : i32
        %dma_start3A_1086 = arith.constant 0 : i32
        %dma_start3A_1087 = arith.constant 0 : i32
        %dma_start3A_1088 = tpu.memref_slice %arg7[%dma_start3A_1083, %dma_start3A_1084, %dma_start3A_1086, %dma_start3A_1087] : memref<2x8x64x32xf32, #tpu.memory_space<vmem>> -> memref<1x1x64x32xf32, #tpu.memory_space<vmem>>
        %dma_start3A_1089 = tpu.memref_squeeze %dma_start3A_1088 : memref<1x1x64x32xf32, #tpu.memory_space<vmem>> -> memref<64x32xf32, #tpu.memory_space<vmem>>
        %dma_start3A_1090 = arith.constant 0 : i32
        %dma_start3A_1091 = tpu.memref_slice %arg6[%dma_start3A_1081, %dma_start3A_1082, %dma_start3A_1090] : memref<2x8x64xi32, #tpu.memory_space<vmem>> -> memref<1x1x64xi32, #tpu.memory_space<vmem>>
        %dma_start3A_1092 = tpu.memref_squeeze %dma_start3A_1091 : memref<1x1x64xi32, #tpu.memory_space<vmem>> -> memref<64xi32, #tpu.memory_space<vmem>>
        %dma_start3A_1093 = arith.constant 0 : i32
        %dma_start3A_1094 = arith.constant 0 : i32
        %dma_start3A_1095 = tpu.memref_slice %arg5[%dma_start3A_1093, %dma_start3A_1094] : memref<1000x32xf32, #tpu.memory_space<vmem_shared>> -> memref<1000x32xf32, #tpu.memory_space<vmem_shared>>
        %dma_start3A_1096 = tpu.memref_slice %arg10[%dma_start3A_1085] : memref<2x!tpu.dma_semaphore, #tpu.memory_space<semaphore_mem>> -> memref<1x!tpu.dma_semaphore, #tpu.memory_space<semaphore_mem>>
        %dma_start3A_1097 = tpu.memref_squeeze %dma_start3A_1096 : memref<1x!tpu.dma_semaphore, #tpu.memory_space<semaphore_mem>> -> memref<!tpu.dma_semaphore, #tpu.memory_space<semaphore_mem>>
        tpu.enqueue_indirect_dma source(%dma_start3A_1095 : memref<1000x32xf32, #tpu.memory_space<vmem_shared>>) target(%dma_start3A_1089 : memref<64x32xf32, #tpu.memory_space<vmem>>) offsets(%dma_start3A_1092 : memref<64xi32, #tpu.memory_space<vmem>>) semaphore(%dma_start3A_1097 : memref<!tpu.dma_semaphore, #tpu.memory_space<semaphore_mem>>)
        %dma_start3A_1098 = arith.constant 0 : i32
        %dma_start3A_1099 = arith.constant 6 : i32
        %dma_start3A_1100 = arith.constant 0 : i32
        %dma_start3A_1101 = arith.constant 6 : i32
        %dma_start3A_1102 = arith.constant 0 : i32
        %dma_start3A_1103 = arith.constant 0 : i32
        %dma_start3A_1104 = arith.constant 0 : i32
        %dma_start3A_1105 = tpu.memref_slice %arg7[%dma_start3A_1100, %dma_start3A_1101, %dma_start3A_1103, %dma_start3A_1104] : memref<2x8x64x32xf32, #tpu.memory_space<vmem>> -> memref<1x1x64x32xf32, #tpu.memory_space<vmem>>
        %dma_start3A_1106 = tpu.memref_squeeze %dma_start3A_1105 : memref<1x1x64x32xf32, #tpu.memory_space<vmem>> -> memref<64x32xf32, #tpu.memory_space<vmem>>
        %dma_start3A_1107 = arith.constant 0 : i32
        %dma_start3A_1108 = tpu.memref_slice %arg6[%dma_start3A_1098, %dma_start3A_1099, %dma_start3A_1107] : memref<2x8x64xi32, #tpu.memory_space<vmem>> -> memref<1x1x64xi32, #tpu.memory_space<vmem>>
        %dma_start3A_1109 = tpu.memref_squeeze %dma_start3A_1108 : memref<1x1x64xi32, #tpu.memory_space<vmem>> -> memref<64xi32, #tpu.memory_space<vmem>>
        %dma_start3A_1110 = arith.constant 0 : i32
        %dma_start3A_1111 = arith.constant 0 : i32
        %dma_start3A_1112 = tpu.memref_slice %arg5[%dma_start3A_1110, %dma_start3A_1111] : memref<1000x32xf32, #tpu.memory_space<vmem_shared>> -> memref<1000x32xf32, #tpu.memory_space<vmem_shared>>
        %dma_start3A_1113 = tpu.memref_slice %arg10[%dma_start3A_1102] : memref<2x!tpu.dma_semaphore, #tpu.memory_space<semaphore_mem>> -> memref<1x!tpu.dma_semaphore, #tpu.memory_space<semaphore_mem>>
        %dma_start3A_1114 = tpu.memref_squeeze %dma_start3A_1113 : memref<1x!tpu.dma_semaphore, #tpu.memory_space<semaphore_mem>> -> memref<!tpu.dma_semaphore, #tpu.memory_space<semaphore_mem>>
        tpu.enqueue_indirect_dma source(%dma_start3A_1112 : memref<1000x32xf32, #tpu.memory_space<vmem_shared>>) target(%dma_start3A_1106 : memref<64x32xf32, #tpu.memory_space<vmem>>) offsets(%dma_start3A_1109 : memref<64xi32, #tpu.memory_space<vmem>>) semaphore(%dma_start3A_1114 : memref<!tpu.dma_semaphore, #tpu.memory_space<semaphore_mem>>)
        %dma_start3A_1115 = arith.constant 0 : i32
        %dma_start3A_1116 = arith.constant 7 : i32
        %dma_start3A_1117 = arith.constant 0 : i32
        %dma_start3A_1118 = arith.constant 7 : i32
        %dma_start3A_1119 = arith.constant 0 : i32
        %dma_start3A_1120 = arith.constant 0 : i32
        %dma_start3A_1121 = arith.constant 0 : i32
        %dma_start3A_1122 = tpu.memref_slice %arg7[%dma_start3A_1117, %dma_start3A_1118, %dma_start3A_1120, %dma_start3A_1121] : memref<2x8x64x32xf32, #tpu.memory_space<vmem>> -> memref<1x1x64x32xf32, #tpu.memory_space<vmem>>
        %dma_start3A_1123 = tpu.memref_squeeze %dma_start3A_1122 : memref<1x1x64x32xf32, #tpu.memory_space<vmem>> -> memref<64x32xf32, #tpu.memory_space<vmem>>
        %dma_start3A_1124 = arith.constant 0 : i32
        %dma_start3A_1125 = tpu.memref_slice %arg6[%dma_start3A_1115, %dma_start3A_1116, %dma_start3A_1124] : memref<2x8x64xi32, #tpu.memory_space<vmem>> -> memref<1x1x64xi32, #tpu.memory_space<vmem>>
        %dma_start3A_1126 = tpu.memref_squeeze %dma_start3A_1125 : memref<1x1x64xi32, #tpu.memory_space<vmem>> -> memref<64xi32, #tpu.memory_space<vmem>>
        %dma_start3A_1127 = arith.constant 0 : i32
        %dma_start3A_1128 = arith.constant 0 : i32
        %dma_start3A_1129 = tpu.memref_slice %arg5[%dma_start3A_1127, %dma_start3A_1128] : memref<1000x32xf32, #tpu.memory_space<vmem_shared>> -> memref<1000x32xf32, #tpu.memory_space<vmem_shared>>
        %dma_start3A_1130 = tpu.memref_slice %arg10[%dma_start3A_1119] : memref<2x!tpu.dma_semaphore, #tpu.memory_space<semaphore_mem>> -> memref<1x!tpu.dma_semaphore, #tpu.memory_space<semaphore_mem>>
        %dma_start3A_1131 = tpu.memref_squeeze %dma_start3A_1130 : memref<1x!tpu.dma_semaphore, #tpu.memory_space<semaphore_mem>> -> memref<!tpu.dma_semaphore, #tpu.memory_space<semaphore_mem>>
        tpu.enqueue_indirect_dma source(%dma_start3A_1129 : memref<1000x32xf32, #tpu.memory_space<vmem_shared>>) target(%dma_start3A_1123 : memref<64x32xf32, #tpu.memory_space<vmem>>) offsets(%dma_start3A_1126 : memref<64xi32, #tpu.memory_space<vmem>>) semaphore(%dma_start3A_1131 : memref<!tpu.dma_semaphore, #tpu.memory_space<semaphore_mem>>)
      } else {
      }
      %dma_wait3A_718 = arith.constant 1 : i32
      %dma_wait3A_719 = arith.constant 0 : i32
      %dma_wait3A_720 = arith.constant 1 : i32
      %dma_wait3A_721 = arith.constant 0 : i32
      %dma_wait3A_722 = arith.constant 1 : i32
      %dma_wait3A_723 = arith.constant 0 : i32
      %dma_wait3A_724 = arith.constant 0 : i32
      %dma_wait3A_725 = tpu.memref_slice %arg7[%dma_wait3A_720, %dma_wait3A_721, %dma_wait3A_723, %dma_wait3A_724] : memref<2x8x64x32xf32, #tpu.memory_space<vmem>> -> memref<1x1x64x32xf32, #tpu.memory_space<vmem>>
      %dma_wait3A_726 = tpu.memref_squeeze %dma_wait3A_725 : memref<1x1x64x32xf32, #tpu.memory_space<vmem>> -> memref<64x32xf32, #tpu.memory_space<vmem>>
      %dma_wait3A_727 = arith.constant 0 : i32
      %dma_wait3A_728 = tpu.memref_slice %arg6[%dma_wait3A_718, %dma_wait3A_719, %dma_wait3A_727] : memref<2x8x64xi32, #tpu.memory_space<vmem>> -> memref<1x1x64xi32, #tpu.memory_space<vmem>>
      %dma_wait3A_729 = tpu.memref_squeeze %dma_wait3A_728 : memref<1x1x64xi32, #tpu.memory_space<vmem>> -> memref<64xi32, #tpu.memory_space<vmem>>
      %dma_wait3A_730 = arith.constant 0 : i32
      %dma_wait3A_731 = arith.constant 0 : i32
      %dma_wait3A_732 = tpu.memref_slice %arg5[%dma_wait3A_730, %dma_wait3A_731] : memref<1000x32xf32, #tpu.memory_space<vmem_shared>> -> memref<1000x32xf32, #tpu.memory_space<vmem_shared>>
      %dma_wait3A_733 = tpu.memref_slice %arg10[%dma_wait3A_722] : memref<2x!tpu.dma_semaphore, #tpu.memory_space<semaphore_mem>> -> memref<1x!tpu.dma_semaphore, #tpu.memory_space<semaphore_mem>>
      %dma_wait3A_734 = tpu.memref_squeeze %dma_wait3A_733 : memref<1x!tpu.dma_semaphore, #tpu.memory_space<semaphore_mem>> -> memref<!tpu.dma_semaphore, #tpu.memory_space<semaphore_mem>>
      tpu.wait_indirect_dma semaphore(%dma_wait3A_734 : memref<!tpu.dma_semaphore, #tpu.memory_space<semaphore_mem>>) src(%dma_wait3A_732 : memref<1000x32xf32, #tpu.memory_space<vmem_shared>>) dst(%dma_wait3A_726 : memref<64x32xf32, #tpu.memory_space<vmem>>)
      %dma_wait3A_735 = arith.constant 1 : i32
      %dma_wait3A_736 = arith.constant 1 : i32
      %dma_wait3A_737 = arith.constant 1 : i32
      %dma_wait3A_738 = arith.constant 1 : i32
      %dma_wait3A_739 = arith.constant 1 : i32
      %dma_wait3A_740 = arith.constant 0 : i32
      %dma_wait3A_741 = arith.constant 0 : i32
      %dma_wait3A_742 = tpu.memref_slice %arg7[%dma_wait3A_737, %dma_wait3A_738, %dma_wait3A_740, %dma_wait3A_741] : memref<2x8x64x32xf32, #tpu.memory_space<vmem>> -> memref<1x1x64x32xf32, #tpu.memory_space<vmem>>
      %dma_wait3A_743 = tpu.memref_squeeze %dma_wait3A_742 : memref<1x1x64x32xf32, #tpu.memory_space<vmem>> -> memref<64x32xf32, #tpu.memory_space<vmem>>
      %dma_wait3A_744 = arith.constant 0 : i32
      %dma_wait3A_745 = tpu.memref_slice %arg6[%dma_wait3A_735, %dma_wait3A_736, %dma_wait3A_744] : memref<2x8x64xi32, #tpu.memory_space<vmem>> -> memref<1x1x64xi32, #tpu.memory_space<vmem>>
      %dma_wait3A_746 = tpu.memref_squeeze %dma_wait3A_745 : memref<1x1x64xi32, #tpu.memory_space<vmem>> -> memref<64xi32, #tpu.memory_space<vmem>>
      %dma_wait3A_747 = arith.constant 0 : i32
      %dma_wait3A_748 = arith.constant 0 : i32
      %dma_wait3A_749 = tpu.memref_slice %arg5[%dma_wait3A_747, %dma_wait3A_748] : memref<1000x32xf32, #tpu.memory_space<vmem_shared>> -> memref<1000x32xf32, #tpu.memory_space<vmem_shared>>
      %dma_wait3A_750 = tpu.memref_slice %arg10[%dma_wait3A_739] : memref<2x!tpu.dma_semaphore, #tpu.memory_space<semaphore_mem>> -> memref<1x!tpu.dma_semaphore, #tpu.memory_space<semaphore_mem>>
      %dma_wait3A_751 = tpu.memref_squeeze %dma_wait3A_750 : memref<1x!tpu.dma_semaphore, #tpu.memory_space<semaphore_mem>> -> memref<!tpu.dma_semaphore, #tpu.memory_space<semaphore_mem>>
      tpu.wait_indirect_dma semaphore(%dma_wait3A_751 : memref<!tpu.dma_semaphore, #tpu.memory_space<semaphore_mem>>) src(%dma_wait3A_749 : memref<1000x32xf32, #tpu.memory_space<vmem_shared>>) dst(%dma_wait3A_743 : memref<64x32xf32, #tpu.memory_space<vmem>>)
      %dma_wait3A_752 = arith.constant 1 : i32
      %dma_wait3A_753 = arith.constant 2 : i32
      %dma_wait3A_754 = arith.constant 1 : i32
      %dma_wait3A_755 = arith.constant 2 : i32
      %dma_wait3A_756 = arith.constant 1 : i32
      %dma_wait3A_757 = arith.constant 0 : i32
      %dma_wait3A_758 = arith.constant 0 : i32
      %dma_wait3A_759 = tpu.memref_slice %arg7[%dma_wait3A_754, %dma_wait3A_755, %dma_wait3A_757, %dma_wait3A_758] : memref<2x8x64x32xf32, #tpu.memory_space<vmem>> -> memref<1x1x64x32xf32, #tpu.memory_space<vmem>>
      %dma_wait3A_760 = tpu.memref_squeeze %dma_wait3A_759 : memref<1x1x64x32xf32, #tpu.memory_space<vmem>> -> memref<64x32xf32, #tpu.memory_space<vmem>>
      %dma_wait3A_761 = arith.constant 0 : i32
      %dma_wait3A_762 = tpu.memref_slice %arg6[%dma_wait3A_752, %dma_wait3A_753, %dma_wait3A_761] : memref<2x8x64xi32, #tpu.memory_space<vmem>> -> memref<1x1x64xi32, #tpu.memory_space<vmem>>
      %dma_wait3A_763 = tpu.memref_squeeze %dma_wait3A_762 : memref<1x1x64xi32, #tpu.memory_space<vmem>> -> memref<64xi32, #tpu.memory_space<vmem>>
      %dma_wait3A_764 = arith.constant 0 : i32
      %dma_wait3A_765 = arith.constant 0 : i32
      %dma_wait3A_766 = tpu.memref_slice %arg5[%dma_wait3A_764, %dma_wait3A_765] : memref<1000x32xf32, #tpu.memory_space<vmem_shared>> -> memref<1000x32xf32, #tpu.memory_space<vmem_shared>>
      %dma_wait3A_767 = tpu.memref_slice %arg10[%dma_wait3A_756] : memref<2x!tpu.dma_semaphore, #tpu.memory_space<semaphore_mem>> -> memref<1x!tpu.dma_semaphore, #tpu.memory_space<semaphore_mem>>
      %dma_wait3A_768 = tpu.memref_squeeze %dma_wait3A_767 : memref<1x!tpu.dma_semaphore, #tpu.memory_space<semaphore_mem>> -> memref<!tpu.dma_semaphore, #tpu.memory_space<semaphore_mem>>
      tpu.wait_indirect_dma semaphore(%dma_wait3A_768 : memref<!tpu.dma_semaphore, #tpu.memory_space<semaphore_mem>>) src(%dma_wait3A_766 : memref<1000x32xf32, #tpu.memory_space<vmem_shared>>) dst(%dma_wait3A_760 : memref<64x32xf32, #tpu.memory_space<vmem>>)
      %dma_wait3A_769 = arith.constant 1 : i32
      %dma_wait3A_770 = arith.constant 3 : i32
      %dma_wait3A_771 = arith.constant 1 : i32
      %dma_wait3A_772 = arith.constant 3 : i32
      %dma_wait3A_773 = arith.constant 1 : i32
      %dma_wait3A_774 = arith.constant 0 : i32
      %dma_wait3A_775 = arith.constant 0 : i32
      %dma_wait3A_776 = tpu.memref_slice %arg7[%dma_wait3A_771, %dma_wait3A_772, %dma_wait3A_774, %dma_wait3A_775] : memref<2x8x64x32xf32, #tpu.memory_space<vmem>> -> memref<1x1x64x32xf32, #tpu.memory_space<vmem>>
      %dma_wait3A_777 = tpu.memref_squeeze %dma_wait3A_776 : memref<1x1x64x32xf32, #tpu.memory_space<vmem>> -> memref<64x32xf32, #tpu.memory_space<vmem>>
      %dma_wait3A_778 = arith.constant 0 : i32
      %dma_wait3A_779 = tpu.memref_slice %arg6[%dma_wait3A_769, %dma_wait3A_770, %dma_wait3A_778] : memref<2x8x64xi32, #tpu.memory_space<vmem>> -> memref<1x1x64xi32, #tpu.memory_space<vmem>>
      %dma_wait3A_780 = tpu.memref_squeeze %dma_wait3A_779 : memref<1x1x64xi32, #tpu.memory_space<vmem>> -> memref<64xi32, #tpu.memory_space<vmem>>
      %dma_wait3A_781 = arith.constant 0 : i32
      %dma_wait3A_782 = arith.constant 0 : i32
      %dma_wait3A_783 = tpu.memref_slice %arg5[%dma_wait3A_781, %dma_wait3A_782] : memref<1000x32xf32, #tpu.memory_space<vmem_shared>> -> memref<1000x32xf32, #tpu.memory_space<vmem_shared>>
      %dma_wait3A_784 = tpu.memref_slice %arg10[%dma_wait3A_773] : memref<2x!tpu.dma_semaphore, #tpu.memory_space<semaphore_mem>> -> memref<1x!tpu.dma_semaphore, #tpu.memory_space<semaphore_mem>>
      %dma_wait3A_785 = tpu.memref_squeeze %dma_wait3A_784 : memref<1x!tpu.dma_semaphore, #tpu.memory_space<semaphore_mem>> -> memref<!tpu.dma_semaphore, #tpu.memory_space<semaphore_mem>>
      tpu.wait_indirect_dma semaphore(%dma_wait3A_785 : memref<!tpu.dma_semaphore, #tpu.memory_space<semaphore_mem>>) src(%dma_wait3A_783 : memref<1000x32xf32, #tpu.memory_space<vmem_shared>>) dst(%dma_wait3A_777 : memref<64x32xf32, #tpu.memory_space<vmem>>)
      %dma_wait3A_786 = arith.constant 1 : i32
      %dma_wait3A_787 = arith.constant 4 : i32
      %dma_wait3A_788 = arith.constant 1 : i32
      %dma_wait3A_789 = arith.constant 4 : i32
      %dma_wait3A_790 = arith.constant 1 : i32
      %dma_wait3A_791 = arith.constant 0 : i32
      %dma_wait3A_792 = arith.constant 0 : i32
      %dma_wait3A_793 = tpu.memref_slice %arg7[%dma_wait3A_788, %dma_wait3A_789, %dma_wait3A_791, %dma_wait3A_792] : memref<2x8x64x32xf32, #tpu.memory_space<vmem>> -> memref<1x1x64x32xf32, #tpu.memory_space<vmem>>
      %dma_wait3A_794 = tpu.memref_squeeze %dma_wait3A_793 : memref<1x1x64x32xf32, #tpu.memory_space<vmem>> -> memref<64x32xf32, #tpu.memory_space<vmem>>
      %dma_wait3A_795 = arith.constant 0 : i32
      %dma_wait3A_796 = tpu.memref_slice %arg6[%dma_wait3A_786, %dma_wait3A_787, %dma_wait3A_795] : memref<2x8x64xi32, #tpu.memory_space<vmem>> -> memref<1x1x64xi32, #tpu.memory_space<vmem>>
      %dma_wait3A_797 = tpu.memref_squeeze %dma_wait3A_796 : memref<1x1x64xi32, #tpu.memory_space<vmem>> -> memref<64xi32, #tpu.memory_space<vmem>>
      %dma_wait3A_798 = arith.constant 0 : i32
      %dma_wait3A_799 = arith.constant 0 : i32
      %dma_wait3A_800 = tpu.memref_slice %arg5[%dma_wait3A_798, %dma_wait3A_799] : memref<1000x32xf32, #tpu.memory_space<vmem_shared>> -> memref<1000x32xf32, #tpu.memory_space<vmem_shared>>
      %dma_wait3A_801 = tpu.memref_slice %arg10[%dma_wait3A_790] : memref<2x!tpu.dma_semaphore, #tpu.memory_space<semaphore_mem>> -> memref<1x!tpu.dma_semaphore, #tpu.memory_space<semaphore_mem>>
      %dma_wait3A_802 = tpu.memref_squeeze %dma_wait3A_801 : memref<1x!tpu.dma_semaphore, #tpu.memory_space<semaphore_mem>> -> memref<!tpu.dma_semaphore, #tpu.memory_space<semaphore_mem>>
      tpu.wait_indirect_dma semaphore(%dma_wait3A_802 : memref<!tpu.dma_semaphore, #tpu.memory_space<semaphore_mem>>) src(%dma_wait3A_800 : memref<1000x32xf32, #tpu.memory_space<vmem_shared>>) dst(%dma_wait3A_794 : memref<64x32xf32, #tpu.memory_space<vmem>>)
      %dma_wait3A_803 = arith.constant 1 : i32
      %dma_wait3A_804 = arith.constant 5 : i32
      %dma_wait3A_805 = arith.constant 1 : i32
      %dma_wait3A_806 = arith.constant 5 : i32
      %dma_wait3A_807 = arith.constant 1 : i32
      %dma_wait3A_808 = arith.constant 0 : i32
      %dma_wait3A_809 = arith.constant 0 : i32
      %dma_wait3A_810 = tpu.memref_slice %arg7[%dma_wait3A_805, %dma_wait3A_806, %dma_wait3A_808, %dma_wait3A_809] : memref<2x8x64x32xf32, #tpu.memory_space<vmem>> -> memref<1x1x64x32xf32, #tpu.memory_space<vmem>>
      %dma_wait3A_811 = tpu.memref_squeeze %dma_wait3A_810 : memref<1x1x64x32xf32, #tpu.memory_space<vmem>> -> memref<64x32xf32, #tpu.memory_space<vmem>>
      %dma_wait3A_812 = arith.constant 0 : i32
      %dma_wait3A_813 = tpu.memref_slice %arg6[%dma_wait3A_803, %dma_wait3A_804, %dma_wait3A_812] : memref<2x8x64xi32, #tpu.memory_space<vmem>> -> memref<1x1x64xi32, #tpu.memory_space<vmem>>
      %dma_wait3A_814 = tpu.memref_squeeze %dma_wait3A_813 : memref<1x1x64xi32, #tpu.memory_space<vmem>> -> memref<64xi32, #tpu.memory_space<vmem>>
      %dma_wait3A_815 = arith.constant 0 : i32
      %dma_wait3A_816 = arith.constant 0 : i32
      %dma_wait3A_817 = tpu.memref_slice %arg5[%dma_wait3A_815, %dma_wait3A_816] : memref<1000x32xf32, #tpu.memory_space<vmem_shared>> -> memref<1000x32xf32, #tpu.memory_space<vmem_shared>>
      %dma_wait3A_818 = tpu.memref_slice %arg10[%dma_wait3A_807] : memref<2x!tpu.dma_semaphore, #tpu.memory_space<semaphore_mem>> -> memref<1x!tpu.dma_semaphore, #tpu.memory_space<semaphore_mem>>
      %dma_wait3A_819 = tpu.memref_squeeze %dma_wait3A_818 : memref<1x!tpu.dma_semaphore, #tpu.memory_space<semaphore_mem>> -> memref<!tpu.dma_semaphore, #tpu.memory_space<semaphore_mem>>
      tpu.wait_indirect_dma semaphore(%dma_wait3A_819 : memref<!tpu.dma_semaphore, #tpu.memory_space<semaphore_mem>>) src(%dma_wait3A_817 : memref<1000x32xf32, #tpu.memory_space<vmem_shared>>) dst(%dma_wait3A_811 : memref<64x32xf32, #tpu.memory_space<vmem>>)
      %dma_wait3A_820 = arith.constant 1 : i32
      %dma_wait3A_821 = arith.constant 6 : i32
      %dma_wait3A_822 = arith.constant 1 : i32
      %dma_wait3A_823 = arith.constant 6 : i32
      %dma_wait3A_824 = arith.constant 1 : i32
      %dma_wait3A_825 = arith.constant 0 : i32
      %dma_wait3A_826 = arith.constant 0 : i32
      %dma_wait3A_827 = tpu.memref_slice %arg7[%dma_wait3A_822, %dma_wait3A_823, %dma_wait3A_825, %dma_wait3A_826] : memref<2x8x64x32xf32, #tpu.memory_space<vmem>> -> memref<1x1x64x32xf32, #tpu.memory_space<vmem>>
      %dma_wait3A_828 = tpu.memref_squeeze %dma_wait3A_827 : memref<1x1x64x32xf32, #tpu.memory_space<vmem>> -> memref<64x32xf32, #tpu.memory_space<vmem>>
      %dma_wait3A_829 = arith.constant 0 : i32
      %dma_wait3A_830 = tpu.memref_slice %arg6[%dma_wait3A_820, %dma_wait3A_821, %dma_wait3A_829] : memref<2x8x64xi32, #tpu.memory_space<vmem>> -> memref<1x1x64xi32, #tpu.memory_space<vmem>>
      %dma_wait3A_831 = tpu.memref_squeeze %dma_wait3A_830 : memref<1x1x64xi32, #tpu.memory_space<vmem>> -> memref<64xi32, #tpu.memory_space<vmem>>
      %dma_wait3A_832 = arith.constant 0 : i32
      %dma_wait3A_833 = arith.constant 0 : i32
      %dma_wait3A_834 = tpu.memref_slice %arg5[%dma_wait3A_832, %dma_wait3A_833] : memref<1000x32xf32, #tpu.memory_space<vmem_shared>> -> memref<1000x32xf32, #tpu.memory_space<vmem_shared>>
      %dma_wait3A_835 = tpu.memref_slice %arg10[%dma_wait3A_824] : memref<2x!tpu.dma_semaphore, #tpu.memory_space<semaphore_mem>> -> memref<1x!tpu.dma_semaphore, #tpu.memory_space<semaphore_mem>>
      %dma_wait3A_836 = tpu.memref_squeeze %dma_wait3A_835 : memref<1x!tpu.dma_semaphore, #tpu.memory_space<semaphore_mem>> -> memref<!tpu.dma_semaphore, #tpu.memory_space<semaphore_mem>>
      tpu.wait_indirect_dma semaphore(%dma_wait3A_836 : memref<!tpu.dma_semaphore, #tpu.memory_space<semaphore_mem>>) src(%dma_wait3A_834 : memref<1000x32xf32, #tpu.memory_space<vmem_shared>>) dst(%dma_wait3A_828 : memref<64x32xf32, #tpu.memory_space<vmem>>)
      %dma_wait3A_837 = arith.constant 1 : i32
      %dma_wait3A_838 = arith.constant 7 : i32
      %dma_wait3A_839 = arith.constant 1 : i32
      %dma_wait3A_840 = arith.constant 7 : i32
      %dma_wait3A_841 = arith.constant 1 : i32
      %dma_wait3A_842 = arith.constant 0 : i32
      %dma_wait3A_843 = arith.constant 0 : i32
      %dma_wait3A_844 = tpu.memref_slice %arg7[%dma_wait3A_839, %dma_wait3A_840, %dma_wait3A_842, %dma_wait3A_843] : memref<2x8x64x32xf32, #tpu.memory_space<vmem>> -> memref<1x1x64x32xf32, #tpu.memory_space<vmem>>
      %dma_wait3A_845 = tpu.memref_squeeze %dma_wait3A_844 : memref<1x1x64x32xf32, #tpu.memory_space<vmem>> -> memref<64x32xf32, #tpu.memory_space<vmem>>
      %dma_wait3A_846 = arith.constant 0 : i32
      %dma_wait3A_847 = tpu.memref_slice %arg6[%dma_wait3A_837, %dma_wait3A_838, %dma_wait3A_846] : memref<2x8x64xi32, #tpu.memory_space<vmem>> -> memref<1x1x64xi32, #tpu.memory_space<vmem>>
      %dma_wait3A_848 = tpu.memref_squeeze %dma_wait3A_847 : memref<1x1x64xi32, #tpu.memory_space<vmem>> -> memref<64xi32, #tpu.memory_space<vmem>>
      %dma_wait3A_849 = arith.constant 0 : i32
      %dma_wait3A_850 = arith.constant 0 : i32
      %dma_wait3A_851 = tpu.memref_slice %arg5[%dma_wait3A_849, %dma_wait3A_850] : memref<1000x32xf32, #tpu.memory_space<vmem_shared>> -> memref<1000x32xf32, #tpu.memory_space<vmem_shared>>
      %dma_wait3A_852 = tpu.memref_slice %arg10[%dma_wait3A_841] : memref<2x!tpu.dma_semaphore, #tpu.memory_space<semaphore_mem>> -> memref<1x!tpu.dma_semaphore, #tpu.memory_space<semaphore_mem>>
      %dma_wait3A_853 = tpu.memref_squeeze %dma_wait3A_852 : memref<1x!tpu.dma_semaphore, #tpu.memory_space<semaphore_mem>> -> memref<!tpu.dma_semaphore, #tpu.memory_space<semaphore_mem>>
      tpu.wait_indirect_dma semaphore(%dma_wait3A_853 : memref<!tpu.dma_semaphore, #tpu.memory_space<semaphore_mem>>) src(%dma_wait3A_851 : memref<1000x32xf32, #tpu.memory_space<vmem_shared>>) dst(%dma_wait3A_845 : memref<64x32xf32, #tpu.memory_space<vmem>>)
      %convert_element_type3A_854 = arith.extui %lt3A_303 : i1 to i32
      %cond3A_855 = arith.constant 0 : i32
      %cond3A_856 = arith.cmpi ne, %convert_element_type3A_854, %cond3A_855 : i32
      scf.if %cond3A_856 {
        %add3A_933 = arith.constant 2 : i32
        %add3A_934 = arith.addi %add3A_301, %add3A_933 : i32
        %jit3A_935 = arith.constant 8 : i32
        %div3A_936 = arith.divsi %add3A_934, %jit3A_935 : i32
        %sign3A_937 = arith.constant 0 : i32
        %sign3A_938 = arith.cmpi sgt, %add3A_934, %sign3A_937 : i32
        %sign3A_939 = arith.extui %sign3A_938 : i1 to i32
        %sign3A_940 = arith.constant 0 : i32
        %sign3A_941 = arith.cmpi slt, %add3A_934, %sign3A_940 : i32
        %sign3A_942 = arith.extui %sign3A_941 : i1 to i32
        %sign3A_943 = arith.subi %sign3A_939, %sign3A_942 : i32
        %sign3A_944 = arith.constant 0 : i32
        %sign3A_945 = arith.cmpi sgt, %jit3A_935, %sign3A_944 : i32
        %sign3A_946 = arith.extui %sign3A_945 : i1 to i32
        %sign3A_947 = arith.constant 0 : i32
        %sign3A_948 = arith.cmpi slt, %jit3A_935, %sign3A_947 : i32
        %sign3A_949 = arith.extui %sign3A_948 : i1 to i32
        %sign3A_950 = arith.subi %sign3A_946, %sign3A_949 : i32
        %ne3A_951 = arith.cmpi ne, %sign3A_943, %sign3A_950 : i32
        %rem3A_952 = arith.remsi %add3A_934, %jit3A_935 : i32
        %ne3A_953 = arith.constant 0 : i32
        %ne3A_954 = arith.cmpi ne, %rem3A_952, %ne3A_953 : i32
        %and3A_955 = arith.andi %ne3A_951, %ne3A_954 : i1
        %sub3A_956 = arith.constant 1 : i32
        %sub3A_957 = arith.subi %div3A_936, %sub3A_956 : i32
        %select_n3A_958 = arith.select %and3A_955, %sub3A_957, %div3A_936 : i32
        %jit3A_959 = arith.constant 8 : i32
        %eq3A_960 = arith.constant 0 : i32
        %eq3A_961 = arith.cmpi eq, %jit3A_959, %eq3A_960 : i32
        %jit3A_962 = arith.constant 1 : i32
        %select_n3A_963 = arith.select %eq3A_961, %jit3A_962, %jit3A_959 : i32
        %rem3A_964 = arith.remsi %add3A_934, %select_n3A_963 : i32
        %ne3A_965 = arith.constant 0 : i32
        %ne3A_966 = arith.cmpi ne, %rem3A_964, %ne3A_965 : i32
        %lt3A_967 = arith.constant 0 : i32
        %lt3A_968 = arith.cmpi slt, %rem3A_964, %lt3A_967 : i32
        %lt3A_969 = arith.constant 0 : i32
        %lt3A_970 = arith.cmpi slt, %select_n3A_963, %lt3A_969 : i32
        %ne3A_971 = arith.xori %lt3A_968, %lt3A_970 : i1
        %and3A_972 = arith.andi %ne3A_971, %ne3A_966 : i1
        %add3A_973 = arith.addi %rem3A_964, %select_n3A_963 : i32
        %select_n3A_974 = arith.select %and3A_972, %add3A_973, %rem3A_964 : i32
        %add3A_975 = arith.addi %mul3A_32, %select_n3A_958 : i32
        %mul3A_976 = arith.constant 8 : i32
        %mul3A_977 = arith.muli %select_n3A_974, %mul3A_976 : i32
        %dma_start3A_978 = arith.constant 1 : i32
        %dma_start3A_979 = arith.constant 1 : i32
        %dma_start3A_980 = arith.constant 0 : i32
        %dma_start3A_981 = arith.constant 0 : i32
        %dma_start3A_982 = tpu.memref_slice %arg6[%dma_start3A_978, %dma_start3A_980, %dma_start3A_981] : memref<2x8x64xi32, #tpu.memory_space<vmem>> -> memref<1x8x64xi32, #tpu.memory_space<vmem>>
        %dma_start3A_983 = tpu.memref_squeeze %dma_start3A_982 : memref<1x8x64xi32, #tpu.memory_space<vmem>> -> memref<8x64xi32, #tpu.memory_space<vmem>>
        %dma_start3A_984 = arith.constant 0 : i32
        %dma_start3A_985 = tpu.memref_slice %arg2[%select_n3A, %add3A_975, %mul3A_977, %dma_start3A_984] : memref<8x20x64x64xi32, #tpu.memory_space<hbm>> -> memref<1x1x8x64xi32, #tpu.memory_space<hbm>>
        %dma_start3A_986 = tpu.memref_squeeze %dma_start3A_985 : memref<1x1x8x64xi32, #tpu.memory_space<hbm>> -> memref<8x64xi32, #tpu.memory_space<hbm>>
        %dma_start3A_987 = tpu.memref_slice %arg9[%dma_start3A_979] : memref<2x!tpu.dma_semaphore, #tpu.memory_space<semaphore_mem>> -> memref<1x!tpu.dma_semaphore, #tpu.memory_space<semaphore_mem>>
        %dma_start3A_988 = tpu.memref_squeeze %dma_start3A_987 : memref<1x!tpu.dma_semaphore, #tpu.memory_space<semaphore_mem>> -> memref<!tpu.dma_semaphore, #tpu.memory_space<semaphore_mem>>
        %dma_start3A_989 = arith.constant 0 : i32
        %dma_start3A_990 = arith.constant 0 : i32
        %dma_start3A_991 = tpu.memref_slice %arg6[%dma_start3A_978, %dma_start3A_989, %dma_start3A_990] : memref<2x8x64xi32, #tpu.memory_space<vmem>> -> memref<1x8x64xi32, #tpu.memory_space<vmem>>
        %dma_start3A_992 = tpu.memref_squeeze %dma_start3A_991 : memref<1x8x64xi32, #tpu.memory_space<vmem>> -> memref<8x64xi32, #tpu.memory_space<vmem>>
        %dma_start3A_993 = arith.constant 0 : i32
        %dma_start3A_994 = tpu.memref_slice %arg2[%select_n3A, %add3A_975, %mul3A_977, %dma_start3A_993] : memref<8x20x64x64xi32, #tpu.memory_space<hbm>> -> memref<1x1x8x64xi32, #tpu.memory_space<hbm>>
        %dma_start3A_995 = tpu.memref_squeeze %dma_start3A_994 : memref<1x1x8x64xi32, #tpu.memory_space<hbm>> -> memref<8x64xi32, #tpu.memory_space<hbm>>
        tpu.enqueue_dma source(%dma_start3A_995 : memref<8x64xi32, #tpu.memory_space<hbm>>) target(%dma_start3A_992 : memref<8x64xi32, #tpu.memory_space<vmem>>) target_semaphore(%dma_start3A_988 : memref<!tpu.dma_semaphore, #tpu.memory_space<semaphore_mem>>)
      } else {
      }
      %gt3A_857 = arith.constant 0 : i32
      %gt3A_858 = arith.cmpi sgt, %scan3A_297, %gt3A_857 : i32
      %convert_element_type3A_859 = arith.extui %gt3A_858 : i1 to i32
      %cond3A_860 = arith.constant 0 : i32
      %cond3A_861 = arith.cmpi ne, %convert_element_type3A_859, %cond3A_860 : i32
      scf.if %cond3A_861 {
        %sub3A_933 = arith.constant 2 : i32
        %sub3A_934 = arith.subi %add3A_301, %sub3A_933 : i32
        %jit3A_935 = arith.constant 8 : i32
        %div3A_936 = arith.divsi %sub3A_934, %jit3A_935 : i32
        %sign3A_937 = arith.constant 0 : i32
        %sign3A_938 = arith.cmpi sgt, %sub3A_934, %sign3A_937 : i32
        %sign3A_939 = arith.extui %sign3A_938 : i1 to i32
        %sign3A_940 = arith.constant 0 : i32
        %sign3A_941 = arith.cmpi slt, %sub3A_934, %sign3A_940 : i32
        %sign3A_942 = arith.extui %sign3A_941 : i1 to i32
        %sign3A_943 = arith.subi %sign3A_939, %sign3A_942 : i32
        %sign3A_944 = arith.constant 0 : i32
        %sign3A_945 = arith.cmpi sgt, %jit3A_935, %sign3A_944 : i32
        %sign3A_946 = arith.extui %sign3A_945 : i1 to i32
        %sign3A_947 = arith.constant 0 : i32
        %sign3A_948 = arith.cmpi slt, %jit3A_935, %sign3A_947 : i32
        %sign3A_949 = arith.extui %sign3A_948 : i1 to i32
        %sign3A_950 = arith.subi %sign3A_946, %sign3A_949 : i32
        %ne3A_951 = arith.cmpi ne, %sign3A_943, %sign3A_950 : i32
        %rem3A_952 = arith.remsi %sub3A_934, %jit3A_935 : i32
        %ne3A_953 = arith.constant 0 : i32
        %ne3A_954 = arith.cmpi ne, %rem3A_952, %ne3A_953 : i32
        %and3A_955 = arith.andi %ne3A_951, %ne3A_954 : i1
        %sub3A_956 = arith.constant 1 : i32
        %sub3A_957 = arith.subi %div3A_936, %sub3A_956 : i32
        %select_n3A_958 = arith.select %and3A_955, %sub3A_957, %div3A_936 : i32
        %jit3A_959 = arith.constant 8 : i32
        %eq3A_960 = arith.constant 0 : i32
        %eq3A_961 = arith.cmpi eq, %jit3A_959, %eq3A_960 : i32
        %jit3A_962 = arith.constant 1 : i32
        %select_n3A_963 = arith.select %eq3A_961, %jit3A_962, %jit3A_959 : i32
        %rem3A_964 = arith.remsi %sub3A_934, %select_n3A_963 : i32
        %ne3A_965 = arith.constant 0 : i32
        %ne3A_966 = arith.cmpi ne, %rem3A_964, %ne3A_965 : i32
        %lt3A_967 = arith.constant 0 : i32
        %lt3A_968 = arith.cmpi slt, %rem3A_964, %lt3A_967 : i32
        %lt3A_969 = arith.constant 0 : i32
        %lt3A_970 = arith.cmpi slt, %select_n3A_963, %lt3A_969 : i32
        %ne3A_971 = arith.xori %lt3A_968, %lt3A_970 : i1
        %and3A_972 = arith.andi %ne3A_971, %ne3A_966 : i1
        %add3A_973 = arith.addi %rem3A_964, %select_n3A_963 : i32
        %select_n3A_974 = arith.select %and3A_972, %add3A_973, %rem3A_964 : i32
        %add3A_975 = arith.addi %mul3A_32, %select_n3A_958 : i32
        %mul3A_976 = arith.constant 8 : i32
        %mul3A_977 = arith.muli %select_n3A_974, %mul3A_976 : i32
        %dma_wait3A_978 = arith.constant 1 : i32
        %dma_wait3A_979 = arith.constant 1 : i32
        %dma_wait3A_980 = arith.constant 0 : i32
        %dma_wait3A_981 = arith.constant 0 : i32
        %dma_wait3A_982 = arith.constant 0 : i32
        %dma_wait3A_983 = tpu.memref_slice %arg8[%dma_wait3A_978, %dma_wait3A_980, %dma_wait3A_981, %dma_wait3A_982] : memref<2x8x32x65xf32, #tpu.memory_space<vmem>> -> memref<1x8x32x64xf32, #tpu.memory_space<vmem>>
        %dma_wait3A_984 = tpu.memref_squeeze %dma_wait3A_983 : memref<1x8x32x64xf32, #tpu.memory_space<vmem>> -> memref<8x32x64xf32, #tpu.memory_space<vmem>>
        %dma_wait3A_985 = arith.constant 0 : i32
        %dma_wait3A_986 = arith.constant 0 : i32
        %dma_wait3A_987 = tpu.memref_slice %arg4[%select_n3A, %add3A_975, %mul3A_977, %dma_wait3A_985, %dma_wait3A_986] : memref<8x20x64x32x64xf32, #tpu.memory_space<hbm>> -> memref<1x1x8x32x64xf32, #tpu.memory_space<hbm>>
        %dma_wait3A_988 = tpu.memref_squeeze %dma_wait3A_987 : memref<1x1x8x32x64xf32, #tpu.memory_space<hbm>> -> memref<8x32x64xf32, #tpu.memory_space<hbm>>
        %dma_wait3A_989 = tpu.memref_slice %arg11[%dma_wait3A_979] : memref<2x!tpu.dma_semaphore, #tpu.memory_space<semaphore_mem>> -> memref<1x!tpu.dma_semaphore, #tpu.memory_space<semaphore_mem>>
        %dma_wait3A_990 = tpu.memref_squeeze %dma_wait3A_989 : memref<1x!tpu.dma_semaphore, #tpu.memory_space<semaphore_mem>> -> memref<!tpu.dma_semaphore, #tpu.memory_space<semaphore_mem>>
        %dma_wait3A_991 = arith.constant 0 : i32
        %dma_wait3A_992 = arith.constant 0 : i32
        %dma_wait3A_993 = tpu.memref_slice %arg4[%select_n3A, %add3A_975, %mul3A_977, %dma_wait3A_991, %dma_wait3A_992] : memref<8x20x64x32x64xf32, #tpu.memory_space<hbm>> -> memref<1x1x8x32x64xf32, #tpu.memory_space<hbm>>
        %dma_wait3A_994 = tpu.memref_squeeze %dma_wait3A_993 : memref<1x1x8x32x64xf32, #tpu.memory_space<hbm>> -> memref<8x32x64xf32, #tpu.memory_space<hbm>>
        %dma_wait3A_995 = arith.constant 0 : i32
        %dma_wait3A_996 = arith.constant 0 : i32
        %dma_wait3A_997 = arith.constant 0 : i32
        %dma_wait3A_998 = tpu.memref_slice %arg8[%dma_wait3A_978, %dma_wait3A_995, %dma_wait3A_996, %dma_wait3A_997] : memref<2x8x32x65xf32, #tpu.memory_space<vmem>> -> memref<1x8x32x64xf32, #tpu.memory_space<vmem>>
        %dma_wait3A_999 = tpu.memref_squeeze %dma_wait3A_998 : memref<1x8x32x64xf32, #tpu.memory_space<vmem>> -> memref<8x32x64xf32, #tpu.memory_space<vmem>>
        tpu.wait_dma2 semaphore(%dma_wait3A_990 : memref<!tpu.dma_semaphore, #tpu.memory_space<semaphore_mem>>) src(%dma_wait3A_999 : memref<8x32x64xf32, #tpu.memory_space<vmem>>) dst(%dma_wait3A_994 : memref<8x32x64xf32, #tpu.memory_space<hbm>>)
      } else {
      }
      %scan3A_862 = arith.constant 0 : i32
      %scan3A_863 = arith.constant 0 : i32
      %scan3A_864 = arith.constant 64 : i32
      %scan3A_865 = arith.addi %scan3A_863, %scan3A_864 : i32
      %scan3A_866 = arith.constant 1 : i32
      scf.for %scan3A_933 = %scan3A_863 to %scan3A_865 step %scan3A_866  : i32 {
        %jit3A_934 = arith.constant 8 : i32
        %div3A_935 = arith.divsi %scan3A_933, %jit3A_934 : i32
        %sign3A_936 = arith.constant 0 : i32
        %sign3A_937 = arith.cmpi sgt, %scan3A_933, %sign3A_936 : i32
        %sign3A_938 = arith.extui %sign3A_937 : i1 to i32
        %sign3A_939 = arith.constant 0 : i32
        %sign3A_940 = arith.cmpi slt, %scan3A_933, %sign3A_939 : i32
        %sign3A_941 = arith.extui %sign3A_940 : i1 to i32
        %sign3A_942 = arith.subi %sign3A_938, %sign3A_941 : i32
        %sign3A_943 = arith.constant 0 : i32
        %sign3A_944 = arith.cmpi sgt, %jit3A_934, %sign3A_943 : i32
        %sign3A_945 = arith.extui %sign3A_944 : i1 to i32
        %sign3A_946 = arith.constant 0 : i32
        %sign3A_947 = arith.cmpi slt, %jit3A_934, %sign3A_946 : i32
        %sign3A_948 = arith.extui %sign3A_947 : i1 to i32
        %sign3A_949 = arith.subi %sign3A_945, %sign3A_948 : i32
        %ne3A_950 = arith.cmpi ne, %sign3A_942, %sign3A_949 : i32
        %rem3A_951 = arith.remsi %scan3A_933, %jit3A_934 : i32
        %ne3A_952 = arith.constant 0 : i32
        %ne3A_953 = arith.cmpi ne, %rem3A_951, %ne3A_952 : i32
        %and3A_954 = arith.andi %ne3A_950, %ne3A_953 : i1
        %sub3A_955 = arith.constant 1 : i32
        %sub3A_956 = arith.subi %div3A_935, %sub3A_955 : i32
        %select_n3A_957 = arith.select %and3A_954, %sub3A_956, %div3A_935 : i32
        %jit3A_958 = arith.constant 8 : i32
        %eq3A_959 = arith.constant 0 : i32
        %eq3A_960 = arith.cmpi eq, %jit3A_958, %eq3A_959 : i32
        %jit3A_961 = arith.constant 1 : i32
        %select_n3A_962 = arith.select %eq3A_960, %jit3A_961, %jit3A_958 : i32
        %rem3A_963 = arith.remsi %scan3A_933, %select_n3A_962 : i32
        %ne3A_964 = arith.constant 0 : i32
        %ne3A_965 = arith.cmpi ne, %rem3A_963, %ne3A_964 : i32
        %lt3A_966 = arith.constant 0 : i32
        %lt3A_967 = arith.cmpi slt, %rem3A_963, %lt3A_966 : i32
        %lt3A_968 = arith.constant 0 : i32
        %lt3A_969 = arith.cmpi slt, %select_n3A_962, %lt3A_968 : i32
        %ne3A_970 = arith.xori %lt3A_967, %lt3A_969 : i1
        %and3A_971 = arith.andi %ne3A_970, %ne3A_965 : i1
        %add3A_972 = arith.addi %rem3A_963, %select_n3A_962 : i32
        %select_n3A_973 = arith.select %and3A_971, %add3A_972, %rem3A_963 : i32
        %mul3A_974 = arith.constant 8 : i32
        %mul3A_975 = arith.muli %select_n3A_973, %mul3A_974 : i32
        %add3A_976 = arith.constant 0 : i32
        %add3A_977 = arith.addi %mul3A_975, %add3A_976 : i32
        %add3A_978 = vector.broadcast %add3A_977 : i32 to vector<16xi32>
        %add3A_979 = arith.addi %broadcast_in_dim3A_36, %add3A_978 : vector<16xi32>
        %get3A = arith.constant 1 : i32
        %get3A_980 = arith.index_cast %get3A : i32 to index
        %get3A_981 = arith.index_cast %select_n3A_957 : i32 to index
        %get3A_982 = arith.index_cast %add3A_977 : i32 to index
        %get3A_983 = arith.constant 0 : index
        %get3A_984 = tpu.vector_load %arg7[%get3A_980, %get3A_981, %get3A_982, %get3A_983] {strides = array<i32>} : memref<2x8x64x32xf32, #tpu.memory_space<vmem>>, vector<16xf32>,
        %get3A_985 = arith.constant 1 : i32
        %get3A_986 = arith.index_cast %get3A_985 : i32 to index
        %get3A_987 = arith.index_cast %select_n3A_957 : i32 to index
        %get3A_988 = arith.index_cast %add3A_977 : i32 to index
        %get3A_989 = arith.constant 16 : index
        %get3A_990 = tpu.vector_load %arg7[%get3A_986, %get3A_987, %get3A_988, %get3A_989] {strides = array<i32>} : memref<2x8x64x32xf32, #tpu.memory_space<vmem>>, vector<16xf32>,
        %scatter3A = arith.constant 1 : i32
        %scatter3A_991 = arith.constant 0 : i32
        %scatter3A_992 = arith.constant 0 : i32
        %scatter3A_993 = tpu.memref_slice %arg8[%scatter3A, %select_n3A_957, %scatter3A_991, %scatter3A_992] : memref<2x8x32x65xf32, #tpu.memory_space<vmem>> -> memref<1x1x32x65xf32, #tpu.memory_space<vmem>>
        %scatter3A_994 = tpu.memref_squeeze %scatter3A_993 : memref<1x1x32x65xf32, #tpu.memory_space<vmem>> -> memref<32x65xf32, #tpu.memory_space<vmem>>
        tpu.vector_store_idx %scatter3A_994[%iota3A, %add3A_979], %get3A_984 : memref<32x65xf32, #tpu.memory_space<vmem>>[vector<16xi32>, vector<16xi32>], vector<16xf32>,
        %scatter3A_995 = arith.constant 1 : i32
        %scatter3A_996 = arith.constant 0 : i32
        %scatter3A_997 = arith.constant 0 : i32
        %scatter3A_998 = tpu.memref_slice %arg8[%scatter3A_995, %select_n3A_957, %scatter3A_996, %scatter3A_997] : memref<2x8x32x65xf32, #tpu.memory_space<vmem>> -> memref<1x1x32x65xf32, #tpu.memory_space<vmem>>
        %scatter3A_999 = tpu.memref_squeeze %scatter3A_998 : memref<1x1x32x65xf32, #tpu.memory_space<vmem>> -> memref<32x65xf32, #tpu.memory_space<vmem>>
        tpu.vector_store_idx %scatter3A_999[%add3A_39, %add3A_979], %get3A_990 : memref<32x65xf32, #tpu.memory_space<vmem>>[vector<16xi32>, vector<16xi32>], vector<16xf32>,
        %add3A_1000 = arith.constant 1 : i32
        %add3A_1001 = arith.addi %mul3A_975, %add3A_1000 : i32
        %add3A_1002 = vector.broadcast %add3A_1001 : i32 to vector<16xi32>
        %add3A_1003 = arith.addi %broadcast_in_dim3A_36, %add3A_1002 : vector<16xi32>
        %get3A_1004 = arith.constant 1 : i32
        %get3A_1005 = arith.index_cast %get3A_1004 : i32 to index
        %get3A_1006 = arith.index_cast %select_n3A_957 : i32 to index
        %get3A_1007 = arith.index_cast %add3A_1001 : i32 to index
        %get3A_1008 = arith.constant 0 : index
        %get3A_1009 = tpu.vector_load %arg7[%get3A_1005, %get3A_1006, %get3A_1007, %get3A_1008] {strides = array<i32>} : memref<2x8x64x32xf32, #tpu.memory_space<vmem>>, vector<16xf32>,
        %get3A_1010 = arith.constant 1 : i32
        %get3A_1011 = arith.index_cast %get3A_1010 : i32 to index
        %get3A_1012 = arith.index_cast %select_n3A_957 : i32 to index
        %get3A_1013 = arith.index_cast %add3A_1001 : i32 to index
        %get3A_1014 = arith.constant 16 : index
        %get3A_1015 = tpu.vector_load %arg7[%get3A_1011, %get3A_1012, %get3A_1013, %get3A_1014] {strides = array<i32>} : memref<2x8x64x32xf32, #tpu.memory_space<vmem>>, vector<16xf32>,
        %scatter3A_1016 = arith.constant 1 : i32
        %scatter3A_1017 = arith.constant 0 : i32
        %scatter3A_1018 = arith.constant 0 : i32
        %scatter3A_1019 = tpu.memref_slice %arg8[%scatter3A_1016, %select_n3A_957, %scatter3A_1017, %scatter3A_1018] : memref<2x8x32x65xf32, #tpu.memory_space<vmem>> -> memref<1x1x32x65xf32, #tpu.memory_space<vmem>>
        %scatter3A_1020 = tpu.memref_squeeze %scatter3A_1019 : memref<1x1x32x65xf32, #tpu.memory_space<vmem>> -> memref<32x65xf32, #tpu.memory_space<vmem>>
        tpu.vector_store_idx %scatter3A_1020[%iota3A, %add3A_1003], %get3A_1009 : memref<32x65xf32, #tpu.memory_space<vmem>>[vector<16xi32>, vector<16xi32>], vector<16xf32>,
        %scatter3A_1021 = arith.constant 1 : i32
        %scatter3A_1022 = arith.constant 0 : i32
        %scatter3A_1023 = arith.constant 0 : i32
        %scatter3A_1024 = tpu.memref_slice %arg8[%scatter3A_1021, %select_n3A_957, %scatter3A_1022, %scatter3A_1023] : memref<2x8x32x65xf32, #tpu.memory_space<vmem>> -> memref<1x1x32x65xf32, #tpu.memory_space<vmem>>
        %scatter3A_1025 = tpu.memref_squeeze %scatter3A_1024 : memref<1x1x32x65xf32, #tpu.memory_space<vmem>> -> memref<32x65xf32, #tpu.memory_space<vmem>>
        tpu.vector_store_idx %scatter3A_1025[%add3A_39, %add3A_1003], %get3A_1015 : memref<32x65xf32, #tpu.memory_space<vmem>>[vector<16xi32>, vector<16xi32>], vector<16xf32>,
        %add3A_1026 = arith.constant 2 : i32
        %add3A_1027 = arith.addi %mul3A_975, %add3A_1026 : i32
        %add3A_1028 = vector.broadcast %add3A_1027 : i32 to vector<16xi32>
        %add3A_1029 = arith.addi %broadcast_in_dim3A_36, %add3A_1028 : vector<16xi32>
        %get3A_1030 = arith.constant 1 : i32
        %get3A_1031 = arith.index_cast %get3A_1030 : i32 to index
        %get3A_1032 = arith.index_cast %select_n3A_957 : i32 to index
        %get3A_1033 = arith.index_cast %add3A_1027 : i32 to index
        %get3A_1034 = arith.constant 0 : index
        %get3A_1035 = tpu.vector_load %arg7[%get3A_1031, %get3A_1032, %get3A_1033, %get3A_1034] {strides = array<i32>} : memref<2x8x64x32xf32, #tpu.memory_space<vmem>>, vector<16xf32>,
        %get3A_1036 = arith.constant 1 : i32
        %get3A_1037 = arith.index_cast %get3A_1036 : i32 to index
        %get3A_1038 = arith.index_cast %select_n3A_957 : i32 to index
        %get3A_1039 = arith.index_cast %add3A_1027 : i32 to index
        %get3A_1040 = arith.constant 16 : index
        %get3A_1041 = tpu.vector_load %arg7[%get3A_1037, %get3A_1038, %get3A_1039, %get3A_1040] {strides = array<i32>} : memref<2x8x64x32xf32, #tpu.memory_space<vmem>>, vector<16xf32>,
        %scatter3A_1042 = arith.constant 1 : i32
        %scatter3A_1043 = arith.constant 0 : i32
        %scatter3A_1044 = arith.constant 0 : i32
        %scatter3A_1045 = tpu.memref_slice %arg8[%scatter3A_1042, %select_n3A_957, %scatter3A_1043, %scatter3A_1044] : memref<2x8x32x65xf32, #tpu.memory_space<vmem>> -> memref<1x1x32x65xf32, #tpu.memory_space<vmem>>
        %scatter3A_1046 = tpu.memref_squeeze %scatter3A_1045 : memref<1x1x32x65xf32, #tpu.memory_space<vmem>> -> memref<32x65xf32, #tpu.memory_space<vmem>>
        tpu.vector_store_idx %scatter3A_1046[%iota3A, %add3A_1029], %get3A_1035 : memref<32x65xf32, #tpu.memory_space<vmem>>[vector<16xi32>, vector<16xi32>], vector<16xf32>,
        %scatter3A_1047 = arith.constant 1 : i32
        %scatter3A_1048 = arith.constant 0 : i32
        %scatter3A_1049 = arith.constant 0 : i32
        %scatter3A_1050 = tpu.memref_slice %arg8[%scatter3A_1047, %select_n3A_957, %scatter3A_1048, %scatter3A_1049] : memref<2x8x32x65xf32, #tpu.memory_space<vmem>> -> memref<1x1x32x65xf32, #tpu.memory_space<vmem>>
        %scatter3A_1051 = tpu.memref_squeeze %scatter3A_1050 : memref<1x1x32x65xf32, #tpu.memory_space<vmem>> -> memref<32x65xf32, #tpu.memory_space<vmem>>
        tpu.vector_store_idx %scatter3A_1051[%add3A_39, %add3A_1029], %get3A_1041 : memref<32x65xf32, #tpu.memory_space<vmem>>[vector<16xi32>, vector<16xi32>], vector<16xf32>,
        %add3A_1052 = arith.constant 3 : i32
        %add3A_1053 = arith.addi %mul3A_975, %add3A_1052 : i32
        %add3A_1054 = vector.broadcast %add3A_1053 : i32 to vector<16xi32>
        %add3A_1055 = arith.addi %broadcast_in_dim3A_36, %add3A_1054 : vector<16xi32>
        %get3A_1056 = arith.constant 1 : i32
        %get3A_1057 = arith.index_cast %get3A_1056 : i32 to index
        %get3A_1058 = arith.index_cast %select_n3A_957 : i32 to index
        %get3A_1059 = arith.index_cast %add3A_1053 : i32 to index
        %get3A_1060 = arith.constant 0 : index
        %get3A_1061 = tpu.vector_load %arg7[%get3A_1057, %get3A_1058, %get3A_1059, %get3A_1060] {strides = array<i32>} : memref<2x8x64x32xf32, #tpu.memory_space<vmem>>, vector<16xf32>,
        %get3A_1062 = arith.constant 1 : i32
        %get3A_1063 = arith.index_cast %get3A_1062 : i32 to index
        %get3A_1064 = arith.index_cast %select_n3A_957 : i32 to index
        %get3A_1065 = arith.index_cast %add3A_1053 : i32 to index
        %get3A_1066 = arith.constant 16 : index
        %get3A_1067 = tpu.vector_load %arg7[%get3A_1063, %get3A_1064, %get3A_1065, %get3A_1066] {strides = array<i32>} : memref<2x8x64x32xf32, #tpu.memory_space<vmem>>, vector<16xf32>,
        %scatter3A_1068 = arith.constant 1 : i32
        %scatter3A_1069 = arith.constant 0 : i32
        %scatter3A_1070 = arith.constant 0 : i32
        %scatter3A_1071 = tpu.memref_slice %arg8[%scatter3A_1068, %select_n3A_957, %scatter3A_1069, %scatter3A_1070] : memref<2x8x32x65xf32, #tpu.memory_space<vmem>> -> memref<1x1x32x65xf32, #tpu.memory_space<vmem>>
        %scatter3A_1072 = tpu.memref_squeeze %scatter3A_1071 : memref<1x1x32x65xf32, #tpu.memory_space<vmem>> -> memref<32x65xf32, #tpu.memory_space<vmem>>
        tpu.vector_store_idx %scatter3A_1072[%iota3A, %add3A_1055], %get3A_1061 : memref<32x65xf32, #tpu.memory_space<vmem>>[vector<16xi32>, vector<16xi32>], vector<16xf32>,
        %scatter3A_1073 = arith.constant 1 : i32
        %scatter3A_1074 = arith.constant 0 : i32
        %scatter3A_1075 = arith.constant 0 : i32
        %scatter3A_1076 = tpu.memref_slice %arg8[%scatter3A_1073, %select_n3A_957, %scatter3A_1074, %scatter3A_1075] : memref<2x8x32x65xf32, #tpu.memory_space<vmem>> -> memref<1x1x32x65xf32, #tpu.memory_space<vmem>>
        %scatter3A_1077 = tpu.memref_squeeze %scatter3A_1076 : memref<1x1x32x65xf32, #tpu.memory_space<vmem>> -> memref<32x65xf32, #tpu.memory_space<vmem>>
        tpu.vector_store_idx %scatter3A_1077[%add3A_39, %add3A_1055], %get3A_1067 : memref<32x65xf32, #tpu.memory_space<vmem>>[vector<16xi32>, vector<16xi32>], vector<16xf32>,
        %add3A_1078 = arith.constant 4 : i32
        %add3A_1079 = arith.addi %mul3A_975, %add3A_1078 : i32
        %add3A_1080 = vector.broadcast %add3A_1079 : i32 to vector<16xi32>
        %add3A_1081 = arith.addi %broadcast_in_dim3A_36, %add3A_1080 : vector<16xi32>
        %get3A_1082 = arith.constant 1 : i32
        %get3A_1083 = arith.index_cast %get3A_1082 : i32 to index
        %get3A_1084 = arith.index_cast %select_n3A_957 : i32 to index
        %get3A_1085 = arith.index_cast %add3A_1079 : i32 to index
        %get3A_1086 = arith.constant 0 : index
        %get3A_1087 = tpu.vector_load %arg7[%get3A_1083, %get3A_1084, %get3A_1085, %get3A_1086] {strides = array<i32>} : memref<2x8x64x32xf32, #tpu.memory_space<vmem>>, vector<16xf32>,
        %get3A_1088 = arith.constant 1 : i32
        %get3A_1089 = arith.index_cast %get3A_1088 : i32 to index
        %get3A_1090 = arith.index_cast %select_n3A_957 : i32 to index
        %get3A_1091 = arith.index_cast %add3A_1079 : i32 to index
        %get3A_1092 = arith.constant 16 : index
        %get3A_1093 = tpu.vector_load %arg7[%get3A_1089, %get3A_1090, %get3A_1091, %get3A_1092] {strides = array<i32>} : memref<2x8x64x32xf32, #tpu.memory_space<vmem>>, vector<16xf32>,
        %scatter3A_1094 = arith.constant 1 : i32
        %scatter3A_1095 = arith.constant 0 : i32
        %scatter3A_1096 = arith.constant 0 : i32
        %scatter3A_1097 = tpu.memref_slice %arg8[%scatter3A_1094, %select_n3A_957, %scatter3A_1095, %scatter3A_1096] : memref<2x8x32x65xf32, #tpu.memory_space<vmem>> -> memref<1x1x32x65xf32, #tpu.memory_space<vmem>>
        %scatter3A_1098 = tpu.memref_squeeze %scatter3A_1097 : memref<1x1x32x65xf32, #tpu.memory_space<vmem>> -> memref<32x65xf32, #tpu.memory_space<vmem>>
        tpu.vector_store_idx %scatter3A_1098[%iota3A, %add3A_1081], %get3A_1087 : memref<32x65xf32, #tpu.memory_space<vmem>>[vector<16xi32>, vector<16xi32>], vector<16xf32>,
        %scatter3A_1099 = arith.constant 1 : i32
        %scatter3A_1100 = arith.constant 0 : i32
        %scatter3A_1101 = arith.constant 0 : i32
        %scatter3A_1102 = tpu.memref_slice %arg8[%scatter3A_1099, %select_n3A_957, %scatter3A_1100, %scatter3A_1101] : memref<2x8x32x65xf32, #tpu.memory_space<vmem>> -> memref<1x1x32x65xf32, #tpu.memory_space<vmem>>
        %scatter3A_1103 = tpu.memref_squeeze %scatter3A_1102 : memref<1x1x32x65xf32, #tpu.memory_space<vmem>> -> memref<32x65xf32, #tpu.memory_space<vmem>>
        tpu.vector_store_idx %scatter3A_1103[%add3A_39, %add3A_1081], %get3A_1093 : memref<32x65xf32, #tpu.memory_space<vmem>>[vector<16xi32>, vector<16xi32>], vector<16xf32>,
        %add3A_1104 = arith.constant 5 : i32
        %add3A_1105 = arith.addi %mul3A_975, %add3A_1104 : i32
        %add3A_1106 = vector.broadcast %add3A_1105 : i32 to vector<16xi32>
        %add3A_1107 = arith.addi %broadcast_in_dim3A_36, %add3A_1106 : vector<16xi32>
        %get3A_1108 = arith.constant 1 : i32
        %get3A_1109 = arith.index_cast %get3A_1108 : i32 to index
        %get3A_1110 = arith.index_cast %select_n3A_957 : i32 to index
        %get3A_1111 = arith.index_cast %add3A_1105 : i32 to index
        %get3A_1112 = arith.constant 0 : index
        %get3A_1113 = tpu.vector_load %arg7[%get3A_1109, %get3A_1110, %get3A_1111, %get3A_1112] {strides = array<i32>} : memref<2x8x64x32xf32, #tpu.memory_space<vmem>>, vector<16xf32>,
        %get3A_1114 = arith.constant 1 : i32
        %get3A_1115 = arith.index_cast %get3A_1114 : i32 to index
        %get3A_1116 = arith.index_cast %select_n3A_957 : i32 to index
        %get3A_1117 = arith.index_cast %add3A_1105 : i32 to index
        %get3A_1118 = arith.constant 16 : index
        %get3A_1119 = tpu.vector_load %arg7[%get3A_1115, %get3A_1116, %get3A_1117, %get3A_1118] {strides = array<i32>} : memref<2x8x64x32xf32, #tpu.memory_space<vmem>>, vector<16xf32>,
        %scatter3A_1120 = arith.constant 1 : i32
        %scatter3A_1121 = arith.constant 0 : i32
        %scatter3A_1122 = arith.constant 0 : i32
        %scatter3A_1123 = tpu.memref_slice %arg8[%scatter3A_1120, %select_n3A_957, %scatter3A_1121, %scatter3A_1122] : memref<2x8x32x65xf32, #tpu.memory_space<vmem>> -> memref<1x1x32x65xf32, #tpu.memory_space<vmem>>
        %scatter3A_1124 = tpu.memref_squeeze %scatter3A_1123 : memref<1x1x32x65xf32, #tpu.memory_space<vmem>> -> memref<32x65xf32, #tpu.memory_space<vmem>>
        tpu.vector_store_idx %scatter3A_1124[%iota3A, %add3A_1107], %get3A_1113 : memref<32x65xf32, #tpu.memory_space<vmem>>[vector<16xi32>, vector<16xi32>], vector<16xf32>,
        %scatter3A_1125 = arith.constant 1 : i32
        %scatter3A_1126 = arith.constant 0 : i32
        %scatter3A_1127 = arith.constant 0 : i32
        %scatter3A_1128 = tpu.memref_slice %arg8[%scatter3A_1125, %select_n3A_957, %scatter3A_1126, %scatter3A_1127] : memref<2x8x32x65xf32, #tpu.memory_space<vmem>> -> memref<1x1x32x65xf32, #tpu.memory_space<vmem>>
        %scatter3A_1129 = tpu.memref_squeeze %scatter3A_1128 : memref<1x1x32x65xf32, #tpu.memory_space<vmem>> -> memref<32x65xf32, #tpu.memory_space<vmem>>
        tpu.vector_store_idx %scatter3A_1129[%add3A_39, %add3A_1107], %get3A_1119 : memref<32x65xf32, #tpu.memory_space<vmem>>[vector<16xi32>, vector<16xi32>], vector<16xf32>,
        %add3A_1130 = arith.constant 6 : i32
        %add3A_1131 = arith.addi %mul3A_975, %add3A_1130 : i32
        %add3A_1132 = vector.broadcast %add3A_1131 : i32 to vector<16xi32>
        %add3A_1133 = arith.addi %broadcast_in_dim3A_36, %add3A_1132 : vector<16xi32>
        %get3A_1134 = arith.constant 1 : i32
        %get3A_1135 = arith.index_cast %get3A_1134 : i32 to index
        %get3A_1136 = arith.index_cast %select_n3A_957 : i32 to index
        %get3A_1137 = arith.index_cast %add3A_1131 : i32 to index
        %get3A_1138 = arith.constant 0 : index
        %get3A_1139 = tpu.vector_load %arg7[%get3A_1135, %get3A_1136, %get3A_1137, %get3A_1138] {strides = array<i32>} : memref<2x8x64x32xf32, #tpu.memory_space<vmem>>, vector<16xf32>,
        %get3A_1140 = arith.constant 1 : i32
        %get3A_1141 = arith.index_cast %get3A_1140 : i32 to index
        %get3A_1142 = arith.index_cast %select_n3A_957 : i32 to index
        %get3A_1143 = arith.index_cast %add3A_1131 : i32 to index
        %get3A_1144 = arith.constant 16 : index
        %get3A_1145 = tpu.vector_load %arg7[%get3A_1141, %get3A_1142, %get3A_1143, %get3A_1144] {strides = array<i32>} : memref<2x8x64x32xf32, #tpu.memory_space<vmem>>, vector<16xf32>,
        %scatter3A_1146 = arith.constant 1 : i32
        %scatter3A_1147 = arith.constant 0 : i32
        %scatter3A_1148 = arith.constant 0 : i32
        %scatter3A_1149 = tpu.memref_slice %arg8[%scatter3A_1146, %select_n3A_957, %scatter3A_1147, %scatter3A_1148] : memref<2x8x32x65xf32, #tpu.memory_space<vmem>> -> memref<1x1x32x65xf32, #tpu.memory_space<vmem>>
        %scatter3A_1150 = tpu.memref_squeeze %scatter3A_1149 : memref<1x1x32x65xf32, #tpu.memory_space<vmem>> -> memref<32x65xf32, #tpu.memory_space<vmem>>
        tpu.vector_store_idx %scatter3A_1150[%iota3A, %add3A_1133], %get3A_1139 : memref<32x65xf32, #tpu.memory_space<vmem>>[vector<16xi32>, vector<16xi32>], vector<16xf32>,
        %scatter3A_1151 = arith.constant 1 : i32
        %scatter3A_1152 = arith.constant 0 : i32
        %scatter3A_1153 = arith.constant 0 : i32
        %scatter3A_1154 = tpu.memref_slice %arg8[%scatter3A_1151, %select_n3A_957, %scatter3A_1152, %scatter3A_1153] : memref<2x8x32x65xf32, #tpu.memory_space<vmem>> -> memref<1x1x32x65xf32, #tpu.memory_space<vmem>>
        %scatter3A_1155 = tpu.memref_squeeze %scatter3A_1154 : memref<1x1x32x65xf32, #tpu.memory_space<vmem>> -> memref<32x65xf32, #tpu.memory_space<vmem>>
        tpu.vector_store_idx %scatter3A_1155[%add3A_39, %add3A_1133], %get3A_1145 : memref<32x65xf32, #tpu.memory_space<vmem>>[vector<16xi32>, vector<16xi32>], vector<16xf32>,
        %add3A_1156 = arith.constant 7 : i32
        %add3A_1157 = arith.addi %mul3A_975, %add3A_1156 : i32
        %add3A_1158 = vector.broadcast %add3A_1157 : i32 to vector<16xi32>
        %add3A_1159 = arith.addi %broadcast_in_dim3A_36, %add3A_1158 : vector<16xi32>
        %get3A_1160 = arith.constant 1 : i32
        %get3A_1161 = arith.index_cast %get3A_1160 : i32 to index
        %get3A_1162 = arith.index_cast %select_n3A_957 : i32 to index
        %get3A_1163 = arith.index_cast %add3A_1157 : i32 to index
        %get3A_1164 = arith.constant 0 : index
        %get3A_1165 = tpu.vector_load %arg7[%get3A_1161, %get3A_1162, %get3A_1163, %get3A_1164] {strides = array<i32>} : memref<2x8x64x32xf32, #tpu.memory_space<vmem>>, vector<16xf32>,
        %get3A_1166 = arith.constant 1 : i32
        %get3A_1167 = arith.index_cast %get3A_1166 : i32 to index
        %get3A_1168 = arith.index_cast %select_n3A_957 : i32 to index
        %get3A_1169 = arith.index_cast %add3A_1157 : i32 to index
        %get3A_1170 = arith.constant 16 : index
        %get3A_1171 = tpu.vector_load %arg7[%get3A_1167, %get3A_1168, %get3A_1169, %get3A_1170] {strides = array<i32>} : memref<2x8x64x32xf32, #tpu.memory_space<vmem>>, vector<16xf32>,
        %scatter3A_1172 = arith.constant 1 : i32
        %scatter3A_1173 = arith.constant 0 : i32
        %scatter3A_1174 = arith.constant 0 : i32
        %scatter3A_1175 = tpu.memref_slice %arg8[%scatter3A_1172, %select_n3A_957, %scatter3A_1173, %scatter3A_1174] : memref<2x8x32x65xf32, #tpu.memory_space<vmem>> -> memref<1x1x32x65xf32, #tpu.memory_space<vmem>>
        %scatter3A_1176 = tpu.memref_squeeze %scatter3A_1175 : memref<1x1x32x65xf32, #tpu.memory_space<vmem>> -> memref<32x65xf32, #tpu.memory_space<vmem>>
        tpu.vector_store_idx %scatter3A_1176[%iota3A, %add3A_1159], %get3A_1165 : memref<32x65xf32, #tpu.memory_space<vmem>>[vector<16xi32>, vector<16xi32>], vector<16xf32>,
        %scatter3A_1177 = arith.constant 1 : i32
        %scatter3A_1178 = arith.constant 0 : i32
        %scatter3A_1179 = arith.constant 0 : i32
        %scatter3A_1180 = tpu.memref_slice %arg8[%scatter3A_1177, %select_n3A_957, %scatter3A_1178, %scatter3A_1179] : memref<2x8x32x65xf32, #tpu.memory_space<vmem>> -> memref<1x1x32x65xf32, #tpu.memory_space<vmem>>
        %scatter3A_1181 = tpu.memref_squeeze %scatter3A_1180 : memref<1x1x32x65xf32, #tpu.memory_space<vmem>> -> memref<32x65xf32, #tpu.memory_space<vmem>>
        tpu.vector_store_idx %scatter3A_1181[%add3A_39, %add3A_1159], %get3A_1171 : memref<32x65xf32, #tpu.memory_space<vmem>>[vector<16xi32>, vector<16xi32>], vector<16xf32>,
      }
      %scan3A_867 = arith.constant 64 : i32
      %jit3A_868 = arith.constant 8 : i32
      %div3A_869 = arith.divsi %add3A_301, %jit3A_868 : i32
      %sign3A_870 = arith.constant 0 : i32
      %sign3A_871 = arith.cmpi sgt, %add3A_301, %sign3A_870 : i32
      %sign3A_872 = arith.extui %sign3A_871 : i1 to i32
      %sign3A_873 = arith.constant 0 : i32
      %sign3A_874 = arith.cmpi slt, %add3A_301, %sign3A_873 : i32
      %sign3A_875 = arith.extui %sign3A_874 : i1 to i32
      %sign3A_876 = arith.subi %sign3A_872, %sign3A_875 : i32
      %sign3A_877 = arith.constant 0 : i32
      %sign3A_878 = arith.cmpi sgt, %jit3A_868, %sign3A_877 : i32
      %sign3A_879 = arith.extui %sign3A_878 : i1 to i32
      %sign3A_880 = arith.constant 0 : i32
      %sign3A_881 = arith.cmpi slt, %jit3A_868, %sign3A_880 : i32
      %sign3A_882 = arith.extui %sign3A_881 : i1 to i32
      %sign3A_883 = arith.subi %sign3A_879, %sign3A_882 : i32
      %ne3A_884 = arith.cmpi ne, %sign3A_876, %sign3A_883 : i32
      %rem3A_885 = arith.remsi %add3A_301, %jit3A_868 : i32
      %ne3A_886 = arith.constant 0 : i32
      %ne3A_887 = arith.cmpi ne, %rem3A_885, %ne3A_886 : i32
      %and3A_888 = arith.andi %ne3A_884, %ne3A_887 : i1
      %sub3A_889 = arith.constant 1 : i32
      %sub3A_890 = arith.subi %div3A_869, %sub3A_889 : i32
      %select_n3A_891 = arith.select %and3A_888, %sub3A_890, %div3A_869 : i32
      %jit3A_892 = arith.constant 8 : i32
      %eq3A_893 = arith.constant 0 : i32
      %eq3A_894 = arith.cmpi eq, %jit3A_892, %eq3A_893 : i32
      %jit3A_895 = arith.constant 1 : i32
      %select_n3A_896 = arith.select %eq3A_894, %jit3A_895, %jit3A_892 : i32
      %rem3A_897 = arith.remsi %add3A_301, %select_n3A_896 : i32
      %ne3A_898 = arith.constant 0 : i32
      %ne3A_899 = arith.cmpi ne, %rem3A_897, %ne3A_898 : i32
      %lt3A_900 = arith.constant 0 : i32
      %lt3A_901 = arith.cmpi slt, %rem3A_897, %lt3A_900 : i32
      %lt3A_902 = arith.constant 0 : i32
      %lt3A_903 = arith.cmpi slt, %select_n3A_896, %lt3A_902 : i32
      %ne3A_904 = arith.xori %lt3A_901, %lt3A_903 : i1
      %and3A_905 = arith.andi %ne3A_904, %ne3A_899 : i1
      %add3A_906 = arith.addi %rem3A_897, %select_n3A_896 : i32
      %select_n3A_907 = arith.select %and3A_905, %add3A_906, %rem3A_897 : i32
      %add3A_908 = arith.addi %mul3A_32, %select_n3A_891 : i32
      %mul3A_909 = arith.constant 8 : i32
      %mul3A_910 = arith.muli %select_n3A_907, %mul3A_909 : i32
      %dma_start3A_911 = arith.constant 1 : i32
      %dma_start3A_912 = arith.constant 1 : i32
      %dma_start3A_913 = arith.constant 0 : i32
      %dma_start3A_914 = arith.constant 0 : i32
      %dma_start3A_915 = arith.constant 0 : i32
      %dma_start3A_916 = tpu.memref_slice %arg8[%dma_start3A_911, %dma_start3A_913, %dma_start3A_914, %dma_start3A_915] : memref<2x8x32x65xf32, #tpu.memory_space<vmem>> -> memref<1x8x32x64xf32, #tpu.memory_space<vmem>>
      %dma_start3A_917 = tpu.memref_squeeze %dma_start3A_916 : memref<1x8x32x64xf32, #tpu.memory_space<vmem>> -> memref<8x32x64xf32, #tpu.memory_space<vmem>>
      %dma_start3A_918 = arith.constant 0 : i32
      %dma_start3A_919 = arith.constant 0 : i32
      %dma_start3A_920 = tpu.memref_slice %arg4[%select_n3A, %add3A_908, %mul3A_910, %dma_start3A_918, %dma_start3A_919] : memref<8x20x64x32x64xf32, #tpu.memory_space<hbm>> -> memref<1x1x8x32x64xf32, #tpu.memory_space<hbm>>
      %dma_start3A_921 = tpu.memref_squeeze %dma_start3A_920 : memref<1x1x8x32x64xf32, #tpu.memory_space<hbm>> -> memref<8x32x64xf32, #tpu.memory_space<hbm>>
      %dma_start3A_922 = tpu.memref_slice %arg11[%dma_start3A_912] : memref<2x!tpu.dma_semaphore, #tpu.memory_space<semaphore_mem>> -> memref<1x!tpu.dma_semaphore, #tpu.memory_space<semaphore_mem>>
      %dma_start3A_923 = tpu.memref_squeeze %dma_start3A_922 : memref<1x!tpu.dma_semaphore, #tpu.memory_space<semaphore_mem>> -> memref<!tpu.dma_semaphore, #tpu.memory_space<semaphore_mem>>
      %dma_start3A_924 = arith.constant 0 : i32
      %dma_start3A_925 = arith.constant 0 : i32
      %dma_start3A_926 = tpu.memref_slice %arg4[%select_n3A, %add3A_908, %mul3A_910, %dma_start3A_924, %dma_start3A_925] : memref<8x20x64x32x64xf32, #tpu.memory_space<hbm>> -> memref<1x1x8x32x64xf32, #tpu.memory_space<hbm>>
      %dma_start3A_927 = tpu.memref_squeeze %dma_start3A_926 : memref<1x1x8x32x64xf32, #tpu.memory_space<hbm>> -> memref<8x32x64xf32, #tpu.memory_space<hbm>>
      %dma_start3A_928 = arith.constant 0 : i32
      %dma_start3A_929 = arith.constant 0 : i32
      %dma_start3A_930 = arith.constant 0 : i32
      %dma_start3A_931 = tpu.memref_slice %arg8[%dma_start3A_911, %dma_start3A_928, %dma_start3A_929, %dma_start3A_930] : memref<2x8x32x65xf32, #tpu.memory_space<vmem>> -> memref<1x8x32x64xf32, #tpu.memory_space<vmem>>
      %dma_start3A_932 = tpu.memref_squeeze %dma_start3A_931 : memref<1x8x32x64xf32, #tpu.memory_space<vmem>> -> memref<8x32x64xf32, #tpu.memory_space<vmem>>
      tpu.enqueue_dma source(%dma_start3A_932 : memref<8x32x64xf32, #tpu.memory_space<vmem>>) target(%dma_start3A_927 : memref<8x32x64xf32, #tpu.memory_space<hbm>>) target_semaphore(%dma_start3A_923 : memref<!tpu.dma_semaphore, #tpu.memory_space<semaphore_mem>>)
    }
    %scan3A_244 = arith.constant 20 : i32
    %add3A_245 = arith.constant 4 : i32
    %add3A_246 = arith.addi %mul3A_32, %add3A_245 : i32
    %dma_wait3A_247 = arith.constant 0 : i32
    %dma_wait3A_248 = arith.constant 0 : i32
    %dma_wait3A_249 = arith.constant 0 : i32
    %dma_wait3A_250 = arith.constant 0 : i32
    %dma_wait3A_251 = arith.constant 0 : i32
    %dma_wait3A_252 = tpu.memref_slice %arg8[%dma_wait3A_247, %dma_wait3A_249, %dma_wait3A_250, %dma_wait3A_251] : memref<2x8x32x65xf32, #tpu.memory_space<vmem>> -> memref<1x8x32x64xf32, #tpu.memory_space<vmem>>
    %dma_wait3A_253 = tpu.memref_squeeze %dma_wait3A_252 : memref<1x8x32x64xf32, #tpu.memory_space<vmem>> -> memref<8x32x64xf32, #tpu.memory_space<vmem>>
    %dma_wait3A_254 = arith.constant 48 : i32
    %dma_wait3A_255 = arith.constant 0 : i32
    %dma_wait3A_256 = arith.constant 0 : i32
    %dma_wait3A_257 = tpu.memref_slice %arg4[%select_n3A, %add3A_246, %dma_wait3A_254, %dma_wait3A_255, %dma_wait3A_256] : memref<8x20x64x32x64xf32, #tpu.memory_space<hbm>> -> memref<1x1x8x32x64xf32, #tpu.memory_space<hbm>>
    %dma_wait3A_258 = tpu.memref_squeeze %dma_wait3A_257 : memref<1x1x8x32x64xf32, #tpu.memory_space<hbm>> -> memref<8x32x64xf32, #tpu.memory_space<hbm>>
    %dma_wait3A_259 = tpu.memref_slice %arg11[%dma_wait3A_248] : memref<2x!tpu.dma_semaphore, #tpu.memory_space<semaphore_mem>> -> memref<1x!tpu.dma_semaphore, #tpu.memory_space<semaphore_mem>>
    %dma_wait3A_260 = tpu.memref_squeeze %dma_wait3A_259 : memref<1x!tpu.dma_semaphore, #tpu.memory_space<semaphore_mem>> -> memref<!tpu.dma_semaphore, #tpu.memory_space<semaphore_mem>>
    %dma_wait3A_261 = arith.constant 48 : i32
    %dma_wait3A_262 = arith.constant 0 : i32
    %dma_wait3A_263 = arith.constant 0 : i32
    %dma_wait3A_264 = tpu.memref_slice %arg4[%select_n3A, %add3A_246, %dma_wait3A_261, %dma_wait3A_262, %dma_wait3A_263] : memref<8x20x64x32x64xf32, #tpu.memory_space<hbm>> -> memref<1x1x8x32x64xf32, #tpu.memory_space<hbm>>
    %dma_wait3A_265 = tpu.memref_squeeze %dma_wait3A_264 : memref<1x1x8x32x64xf32, #tpu.memory_space<hbm>> -> memref<8x32x64xf32, #tpu.memory_space<hbm>>
    %dma_wait3A_266 = arith.constant 0 : i32
    %dma_wait3A_267 = arith.constant 0 : i32
    %dma_wait3A_268 = arith.constant 0 : i32
    %dma_wait3A_269 = tpu.memref_slice %arg8[%dma_wait3A_247, %dma_wait3A_266, %dma_wait3A_267, %dma_wait3A_268] : memref<2x8x32x65xf32, #tpu.memory_space<vmem>> -> memref<1x8x32x64xf32, #tpu.memory_space<vmem>>
    %dma_wait3A_270 = tpu.memref_squeeze %dma_wait3A_269 : memref<1x8x32x64xf32, #tpu.memory_space<vmem>> -> memref<8x32x64xf32, #tpu.memory_space<vmem>>
    tpu.wait_dma2 semaphore(%dma_wait3A_260 : memref<!tpu.dma_semaphore, #tpu.memory_space<semaphore_mem>>) src(%dma_wait3A_270 : memref<8x32x64xf32, #tpu.memory_space<vmem>>) dst(%dma_wait3A_265 : memref<8x32x64xf32, #tpu.memory_space<hbm>>)
    %add3A_271 = arith.constant 4 : i32
    %add3A_272 = arith.addi %mul3A_32, %add3A_271 : i32
    %dma_wait3A_273 = arith.constant 1 : i32
    %dma_wait3A_274 = arith.constant 1 : i32
    %dma_wait3A_275 = arith.constant 0 : i32
    %dma_wait3A_276 = arith.constant 0 : i32
    %dma_wait3A_277 = arith.constant 0 : i32
    %dma_wait3A_278 = tpu.memref_slice %arg8[%dma_wait3A_273, %dma_wait3A_275, %dma_wait3A_276, %dma_wait3A_277] : memref<2x8x32x65xf32, #tpu.memory_space<vmem>> -> memref<1x8x32x64xf32, #tpu.memory_space<vmem>>
    %dma_wait3A_279 = tpu.memref_squeeze %dma_wait3A_278 : memref<1x8x32x64xf32, #tpu.memory_space<vmem>> -> memref<8x32x64xf32, #tpu.memory_space<vmem>>
    %dma_wait3A_280 = arith.constant 56 : i32
    %dma_wait3A_281 = arith.constant 0 : i32
    %dma_wait3A_282 = arith.constant 0 : i32
    %dma_wait3A_283 = tpu.memref_slice %arg4[%select_n3A, %add3A_272, %dma_wait3A_280, %dma_wait3A_281, %dma_wait3A_282] : memref<8x20x64x32x64xf32, #tpu.memory_space<hbm>> -> memref<1x1x8x32x64xf32, #tpu.memory_space<hbm>>
    %dma_wait3A_284 = tpu.memref_squeeze %dma_wait3A_283 : memref<1x1x8x32x64xf32, #tpu.memory_space<hbm>> -> memref<8x32x64xf32, #tpu.memory_space<hbm>>
    %dma_wait3A_285 = tpu.memref_slice %arg11[%dma_wait3A_274] : memref<2x!tpu.dma_semaphore, #tpu.memory_space<semaphore_mem>> -> memref<1x!tpu.dma_semaphore, #tpu.memory_space<semaphore_mem>>
    %dma_wait3A_286 = tpu.memref_squeeze %dma_wait3A_285 : memref<1x!tpu.dma_semaphore, #tpu.memory_space<semaphore_mem>> -> memref<!tpu.dma_semaphore, #tpu.memory_space<semaphore_mem>>
    %dma_wait3A_287 = arith.constant 56 : i32
    %dma_wait3A_288 = arith.constant 0 : i32
    %dma_wait3A_289 = arith.constant 0 : i32
    %dma_wait3A_290 = tpu.memref_slice %arg4[%select_n3A, %add3A_272, %dma_wait3A_287, %dma_wait3A_288, %dma_wait3A_289] : memref<8x20x64x32x64xf32, #tpu.memory_space<hbm>> -> memref<1x1x8x32x64xf32, #tpu.memory_space<hbm>>
    %dma_wait3A_291 = tpu.memref_squeeze %dma_wait3A_290 : memref<1x1x8x32x64xf32, #tpu.memory_space<hbm>> -> memref<8x32x64xf32, #tpu.memory_space<hbm>>
    %dma_wait3A_292 = arith.constant 0 : i32
    %dma_wait3A_293 = arith.constant 0 : i32
    %dma_wait3A_294 = arith.constant 0 : i32
    %dma_wait3A_295 = tpu.memref_slice %arg8[%dma_wait3A_273, %dma_wait3A_292, %dma_wait3A_293, %dma_wait3A_294] : memref<2x8x32x65xf32, #tpu.memory_space<vmem>> -> memref<1x8x32x64xf32, #tpu.memory_space<vmem>>
    %dma_wait3A_296 = tpu.memref_squeeze %dma_wait3A_295 : memref<1x8x32x64xf32, #tpu.memory_space<vmem>> -> memref<8x32x64xf32, #tpu.memory_space<vmem>>
    tpu.wait_dma2 semaphore(%dma_wait3A_286 : memref<!tpu.dma_semaphore, #tpu.memory_space<semaphore_mem>>) src(%dma_wait3A_296 : memref<8x32x64xf32, #tpu.memory_space<vmem>>) dst(%dma_wait3A_291 : memref<8x32x64xf32, #tpu.memory_space<hbm>>)
    return
  }
}

</mosaic_0001>

<sc_bundles>
// kernel: kernel.3.cloned.1.call-start
scs
__scs_entry_jumppad:
0x0: {  	(pc) =	sbr.rel $0x88, $3  }
0x1: {  	(tag) =	ssettag $0x0;
	lr =	simm.s32 $0x1  }
0x2: {  	[smem:$0x3F9F] =	sst lr;
	_ =	strace $0xD0000000  }
0x3: {  	_ = 	snop  }
0x4: {  	_ = 	snop  }
0x5: {  	_ = 	snop  }
0x6: {  	_ = 	snop  }
0x7: {  	_ = 	snop  }
__scs_overlays_trampoline_lowered:
0x8: {  	[smem:$0x3FAE] =	sst s0  }
0x9: {  	[smem:$0x3FAF] =	sst s1  }
0xa: {  	[smem:$0x3FB0] =	sst s2  }
0xb: {  	[smem:$0x3FB1] =	sst s3  }
0xc: {  	[smem:$0x3FB2] =	sst s4  }
0xd: {  	[smem:$0x3FB3] =	sst s5  }
0xe: {  	[smem:$0x3FB4] =	sst s6  }
0xf: {  	[smem:$0x3FB5] =	sst s7  }
0x10: {  	[smem:$0x3FB6] =	sst s8  }
0x11: {  	[smem:$0x3FB7] =	sst s9;
	s0 =	simm.s32 @!p0 $0x0  }
0x12: {  	s1 =	sld [smem:$0x3F9D];
	s0 =	simm.s32 @p0 $0x1  }
0x13: {  	[smem:$0x3FB8] =	sst s0;
	s0 =	simm.s32 @!p1 $0x0  }
0x14: {  	s2 =	sld [smem:$0x3F9C];
	s0 =	simm.s32 @p1 $0x1  }
0x15: {  	[smem:$0x3FB9] =	sst s0;
	s0 =	simm.s32 @!p2 $0x0  }
0x16: {  	s3 =	sld [smem:$0x3FDB];
	s0 =	simm.s32 @p2 $0x1  }
0x17: {  	s4 =	simm.s32 $0x1BF5;
	[smem:$0x3FBB] =	sst s0  }
0x18: {  	s0 =	sld [smem:$0x3F9E];
	_ =	swait.ge [sflag:s4], $0x0  }
0x19: {  	s7 =	sld [smem:$0x3F9F]  }
0x1a: {  	s8 =	sadd.s32 $0xFFFFE003, lr  }
0x1b: {  	s9 =	sadd.s32 $0xFFFFFEF7, lr;
	s5 =	simm.s32 $0xFFFFFFFF;
	p2 =	slt.u32 s8, $0xFFFFF086  }
0x1c: {  	p1 =	slt.u32 s9, $0xF7A;
	s5 =	simm.s32 @!p2 $0x0  }
0x1d: {  	s5 =	simm.s32 @p1 $0x1;
	p0 =	seq.s32 s7, s2  }
0x1e: {  	s7 =	smul.u32 @!p0 $0xF7A, s2;
	p2 =	seq.s32 @!p0 s5, $0x0  }
0x1f: {  	s9 =	smul.u32 $0xF7A, s1;
	s8 =	simm.s32 @!p0 $0x1BF5;
	p2 =	por !p2, p0  }
0x20: {  	[sflag:s8] =	ssyncset.s32 @!p0 $0xFFFFF086;
	s6 =	sadd.s32 @!p0 s3, s7;
	s7 =	simm.s32 @!p0 $0x108  }
0x21: {  	s3 =	sadd.s32 s3, s9;
	s6 =	sadd.s32 @!p0 $0x88, s6;
	s7 =	simm.s32 @p2 $0x1082  }
0x22: {  	[simem:s7], [sflag:s8] =	dma.local @!p0 [hbm:s6], $0xF7A  }
0x23: {  	s9 =	sor.u32 $0xD0000000, s2;
	s6 =	simm.s32 $0x108;
	_ =	swait.ge @!p0 [sflag:s8], $0x0  }
0x24: {  	s3 =	sadd.s32 $0x88, s3;
	s6 =	simm.s32 @!p1 $0x1082;
	[sflag:s4] =	ssyncset.s32 $0xFFFFF086  }
0x25: {  	[simem:s6], [sflag:s4] =	dma.local [hbm:s3], $0xF7A  }
0x26: {  	[smem:$0x3F9F] =	sst s1;
	(tag) =	ssettag s2;
	_ =	strace s9  }
0x27: {  	s1 =	sld [smem:$0x3FAF]  }
0x28: {  	s2 =	sld [smem:$0x3FB0]  }
0x29: {  	s4 =	sld [smem:$0x3FB2]  }
0x2a: {  	p0 =	seq.s32 s5, $0x0;
	s5 =	sld [smem:$0x3FB3]  }
0x2b: {  	s6 =	sld [smem:$0x3FB4]  }
0x2c: {  	s7 =	sld [smem:$0x3FB5]  }
0x2d: {  	s3 =	simm.s32 $0x108;
	s8 =	sld [smem:$0x3FB6]  }
0x2e: {  	s3 =	simm.s32 @!p0 $0x1082;
	s9 =	sld [smem:$0x3FB7]  }
0x2f: {  	lr =	sadd.s32 s0, s3;
	s0 =	sld [smem:$0x3FAE]  }
0x30: {  	s3 =	sld [smem:$0x3FB1]  }
0x31: {  	[smem:$0x3FBA] =	sst s10  }
0x32: {  	s10 =	sld [smem:$0x3FB8];
	_ =	sdelay $0x3  }
0x33: {  	p0 =	seq.s32 s10, $0x1;
	s10 =	sld [smem:$0x3FBA];
	_ =	sdelay $0x3  }
0x34: {  	[smem:$0x3FBA] =	sst s10  }
0x35: {  	s10 =	sld [smem:$0x3FB9];
	_ =	sdelay $0x3  }
0x36: {  	p1 =	seq.s32 s10, $0x1;
	s10 =	sld [smem:$0x3FBA];
	_ =	sdelay $0x3  }
0x37: {  	[smem:$0x3FBA] =	sst s10  }
0x38: {  	s10 =	sld [smem:$0x3FBB]  }
0x39: {  	_ = 	snop;
	(pc) =	sbr.ind lr, $3  }
0x3a: {  	_ = 	snop  }
0x3b: {  	_ = 	snop  }
0x3c: {  	p2 =	seq.s32 s10, $0x1;
	s10 =	sld [smem:$0x3FBA]  }
0x3d: {  	_ =	shalt  }
0x3e: {  	_ =	shalt  }
0x3f: {  	_ =	shalt  }
0x40: {  	_ =	shalt  }
0x41: {  	_ =	shalt  }
0x42: {  	_ =	shalt  }
0x43: {  	_ =	shalt  }
0x44: {  	_ =	shalt  }
0x45: {  	_ =	shalt  }
0x46: {  	_ =	shalt  }
0x47: {  	_ =	shalt  }
0x48: {  	_ =	shalt  }
0x49: {  	_ =	shalt  }
0x4a: {  	_ =	shalt  }
0x4b: {  	_ =	shalt  }
0x4c: {  	_ =	shalt  }
0x4d: {  	_ =	shalt  }
0x4e: {  	_ =	shalt  }
0x4f: {  	_ =	shalt  }
0x50: {  	_ =	shalt  }
0x51: {  	_ =	shalt  }
0x52: {  	_ =	shalt  }
0x53: {  	_ =	shalt  }
0x54: {  	_ =	shalt  }
0x55: {  	_ =	shalt  }
0x56: {  	_ =	shalt  }
0x57: {  	_ =	shalt  }
0x58: {  	_ =	shalt  }
0x59: {  	_ =	shalt  }
0x5a: {  	_ =	shalt  }
0x5b: {  	_ =	shalt  }
0x5c: {  	_ =	shalt  }
0x5d: {  	_ =	shalt  }
0x5e: {  	_ =	shalt  }
0x5f: {  	_ =	shalt  }
0x60: {  	_ =	shalt  }
0x61: {  	_ =	shalt  }
0x62: {  	_ =	shalt  }
0x63: {  	_ =	shalt  }
0x64: {  	_ =	shalt  }
0x65: {  	_ =	shalt  }
0x66: {  	_ =	shalt  }
0x67: {  	_ =	shalt  }
0x68: {  	_ =	shalt  }
0x69: {  	_ =	shalt  }
0x6a: {  	_ =	shalt  }
0x6b: {  	_ =	shalt  }
0x6c: {  	_ =	shalt  }
0x6d: {  	_ =	shalt  }
0x6e: {  	_ =	shalt  }
0x6f: {  	_ =	shalt  }
0x70: {  	_ =	shalt  }
0x71: {  	_ =	shalt  }
0x72: {  	_ =	shalt  }
0x73: {  	_ =	shalt  }
0x74: {  	_ =	shalt  }
0x75: {  	_ =	shalt  }
0x76: {  	_ =	shalt  }
0x77: {  	_ =	shalt  }
0x78: {  	_ =	shalt  }
0x79: {  	_ =	shalt  }
0x7a: {  	_ =	shalt  }
0x7b: {  	_ =	shalt  }
0x7c: {  	_ =	shalt  }
0x7d: {  	_ =	shalt  }
0x7e: {  	_ =	shalt  }
0x7f: {  	_ =	shalt  }
0x80: {  	_ =	shalt  }
0x81: {  	_ =	shalt  }
0x82: {  	_ =	shalt  }
0x83: {  	_ =	shalt  }
0x84: {  	_ =	shalt  }
0x85: {  	_ =	shalt  }
0x86: {  	_ =	shalt  }
0x87: {  	_ =	shalt  }
.Lfunc_end0:
.L_simem_size_0:
called_computation_lowered:
.L_overlay_start_0:
0x88: {  	s2 =	sld [smem:$0x3FD9]  }
0x89: {  	s3 =	sld [smem:$0x3FFE];
	_ =	sdelay $0x1  }
0x8a: {  	s1 =	srdreg.scid  }
0x8b: {  	s0 =	sand.u32 $0x1, s1  }
0x8c: {  	s17 =	sshll.u32 s0, $0xA;
	s2 =	sadd.s32 s3, s2  }
0x8d: {  	s2 =	sadd.s32 s2, s17  }
0x8e: {  	[smem:$0x3FC6] =	sst s2  }
0x8f: {  	_ = 	snop  }
0x90: {  	s2 =	sld [smem:$0x3FD0];
	(tm) =	ssettm $0x1  }
0x91: {  	s18 =	sld [smem:$0x3FFB];
	_ =	sdelay $0x3  }
0x92: {  	_ =	strace s18  }
0x93: {  	s3 =	sld [smem:$0x3FFC];
	_ =	sdelay $0x3  }
0x94: {  	_ =	strace s3  }
0x95: {  	s3 =	sld [smem:$0x3FFD];
	_ =	sdelay $0x3  }
0x96: {  	_ =	strace s3  }
0x97: {  	_ =	strace $0x8FFFFFFF  }
0x98: {  	s19 =	sld [smem:$0x3FDB];
	_ =	sdelay $0x1  }
0x99: {  	s4 =	simm.s32 $_scs_section_size  }
0x9a: {  	s5 =	simm.s32 $_size__tile_overlayer_lowered;
	s6 =	simm.s32 $_tile_overlayer_lowered  }
0x9b: {  	s22 =	simm.s32 $0x1BFF;
	s21 =	sshll.u32 s6, $0x1;
	s3 =	sadd.s32 s4, s19  }
0x9c: {  	s7 =	simm.s32 $0x0;
	s20 =	sshll.u32 s5, $0x1;
	s5 =	sadd.s32 s21, s3  }
0x9d: {  	[timem:s7], [sflag:s22] =	dma.local [hbm:s5], s20  }
0x9e: {  	_ =	swait.ge [sflag:s22], s20  }
0x9f: {  	s4 =	ssub.s32 $0x0, s20;
	[sflag:s22] =	ssyncset.done $0x0  }
0xa0: {  	[sflag:s22] =	ssyncadd.s32 s4;
	_ =	sdelay $0x1  }
0xa1: {  	s23 =	simm.s32 $0x1B8B  }
0xa2: {  	_ =	swait.ge [sflag:s23], $0x1  }
0xa3: {  	[sflag:s23] =	ssyncset.done $0x0  }
0xa4: {  	s25 =	simm.s32 $0x1B8E;
	s24 =	sld [smem:$0x3FFE];
	[sflag:s23] =	ssyncadd.s32 $0xFFFFFFFF  }
0xa5: {  	s26 =	simm.s32 $execute0_lowered;
	[smem:$0x3FD2] =	sst s25  }
0xa6: {  	s5 =	sshll.u32 s26, $0x1;
	_ =	strace $0x80000046;
	[dreg:$0x1] =	wrdreg $0xFFFFFFFF  }
0xa7: {  	s28 =	simm.s32 $_size_execute0_lowered;
	s3 =	sadd.s32 s3, s5;
	[dreg:$0x0] =	wrdreg $0x0  }
0xa8: {  	s5 =	sshll.u32 s28, $0x1;
	[dreg:$0x2] =	wrdreg s3  }
0xa9: {  	[dreg:$0x3] =	wrdreg s5  }
0xaa: {  	[dreg:$0x4] =	wrdreg $0xC0  }
0xab: {  	_ =	task [dreg:s7], $0x5FFFF  }
0xac: {  	[dreg:$0x1] =	wrdreg $0xFFFFFFFF  }
0xad: {  	[dreg:$0x0] =	wrdreg $0x60  }
0xae: {  	[dreg:$0x2] =	wrdreg s2  }
0xaf: {  	[dreg:$0x3] =	wrdreg s24  }
0xb0: {  	[dreg:$0x4] =	wrdreg $0x0  }
0xb1: {  	[dreg:$0x5] =	wrdreg $0x9  }
0xb2: {  	_ =	task.clear_ibuf [dreg:s7], $0x6FFFF;
	_ =	strace $0x90000046  }
0xb3: {  	s29 =	simm.s32 $0x9;
	_ =	strace $0x80000048  }
0xb4: {  	_ =	swait.ge [sflag:s29], $0x1  }
0xb5: {  	[sflag:s29] =	ssyncadd.s32 $0xFFFFFFFF  }
0xb6: {  	_ =	strace $0x90000048  }
0xb7: {  	_ =	sfence  }
0xb8: {  	s30 =	sld [smem:$0x0];
	_ =	sdelay $0x2  }
0xb9: {  	s31 =	sshll.u32 s1, $0xD;
	s1 =	sshrl.u32 s1, $0x2  }
0xba: {  	s3 =	sand.u32 $0x4000, s31;
	s1 =	sadd.s32 s1, s30  }
0xbb: {  	s0 =	sor.u32 s3, s0;
	s1 =	sshll.u32 s1, $0x11  }
0xbc: {  	s0 =	sor.u32 s1, s0  }
0xbd: {  	s0 =	sadd.s32 $0x8F2B, s0  }
0xbe: {  	[sflag:s0] =	ssyncadd.remote.s32 $0x1  }
0xbf: {  	_ =	sfence.sel $0xFFFF  }
0xc0: {  	[dreg:$0x0] =	wrdreg $0xFFFFFFFF;
	(pc) =	sbr.abs _section_cstart, $3  }
0xc1: {  	[dreg:$0x1] =	wrdreg $0xFFFFFFFF  }
0xc2: {  	_ =	task.clear_ibuf [dreg:s7], $0x2FFFF;
	_ =	strace $0x9FFFFFFF  }
0xc3: {  	(tm) =	ssettm $0x7FFFFFFF  }
tec
execute0_lowered:
.L_overlay_start_1:
0x0: {  	(tag) =	ssettag $0x1  }
0x1: {  	s30 =	rddreg [dreg:$0x0]  }
0x2: {  	s0 =	rddreg [dreg:$0x1]  }
0x3: {  	s2 =	rddreg [dreg:$0x2]  }
0x4: {  	s1 =	stileid.u32;
	s3 =	srdreg.scid  }
0x5: {  	s16 =	simm.s32 $0x40;
	s17 =	simm.s32 $0x3;
	s18 =	simm.s32 $0x2  }
0x6: {  	s4 =	sshll.u32 s1, $0x1;
	s5 =	sand.u32 $0x1, s3;
	s8 =	sshrl.u32 s1, $0x1  }
0x7: {  	s3 =	simm.s32 $0x0;
	s4 =	sand.u32 $0x2, s4;
	s31 =	smul.u32 $0x280000, s8  }
0x8: {  	s9 =	sadd.s32 $0x400, s0;
	s7 =	sor.u32 s5, s4;
	s4 =	smul.u32 $0x14000, s8  }
0x9: {  	v0 =	vlaneseq.u32;
	[smem:$0x7FF] =	sst s3;
	s5 =	ssub.s32 $0x2, s5;
	s6 =	smul.u32 $0x5000, s7  }
0xa: {  	v1 =	vimm.s32 $0x0;
	vm0 =	vcmask $0x300;
	v0 =	vmul.u32 $0x48, v0;
	_ =	strace $0x80000047;
	[dreg:$0x4] =	wrdreg s9;
	s28 =	sshrl.u32 s5, $0x1  }
0xb: {  	v1 =	vsel vm0, $0x3, v1;
	s26 =	sadd.s32 s4, s6;
	s6 =	sadd.s32 $0x1400, s0;
	s0 =	ssub.s32 s5, s28  }
0xc: {  	v2 =	vadd.s32 $0x480, v0;
	v3 =	vor.u32 $0x1, v0;
	v4 =	vadd.s32 $0x481, v0;
	[dreg:$0x7] =	wrdreg s31;
	s9 =	sshrl.u32 s26, $0x3;
	s0 =	smax.u32 s0, $0x1  }
0xd: {  	p0 =	sne.s32 s1, $0x0;
	v5 =	vor.u32 $0x2, v0;
	v6 =	vadd.s32 $0x482, v0;
	v7 =	vor.u32 $0x3, v0;
	s29 =	sadd.s32 s30, s9;
	[dreg:$0x8] =	wrdreg s0  }
0xe: {  	s12 =	simm.s32 $0x6;
	v8 =	vadd.s32 $0x483, v0;
	v9 =	vor.u32 $0x4, v0;
	v10 =	vadd.s32 $0x484, v0;
	s0 =	sshrl.u32 @!p0 s2, $0x3;
	[dreg:$0x5] =	wrdreg s29  }
0xf: {  	s1 =	simm.s32 $0x0;
	v11 =	vor.u32 $0x5, v0;
	v12 =	vadd.s32 $0x485, v0;
	v13 =	vor.u32 $0x6, v0;
	s5 =	sadd.s32 $0x40, s29;
	[dreg:$0x9] =	wrdreg s0  }
0x10: {  	v14 =	vadd.s32 $0x486, v0;
	v15 =	vor.u32 $0x7, v0;
	v16 =	vadd.s32 $0x487, v0;
	s7 =	smul.u32 $0x5, s7;
	s9 =	simm.s32 $0x4;
	[dreg:$0x6] =	wrdreg s5  }
.LBB2_1:
0x11: {  	[dreg:$0xa] =	wrdreg s1  }
0x12: {  	s1 =	rddreg [dreg:$0x4]  }
0x13: {  	s0 =	simm.s32 @!p0 $0x1C07;
	s5 =	rddreg [dreg:$0x9]  }
0x14: {  	[spmem:s5], [sflag:s0] =	dma.local @!p0 [hbm:s1], $0xFA0  }
0x15: {  	s0 =	simm.s32 @!p0 $0x7  }
0x16: {  	_ =	swait.ge @!p0 [sflag:s0], $0xFA0  }
0x17: {  	[sflag:s0] =	ssyncset.done @!p0 $0x0  }
0x18: {  	s31 =	simm.s32 $0x7D0;
	s29 =	rddreg [dreg:$0x5];
	[sflag:s0] =	ssyncadd.s32 @!p0 $0xFFFFF060  }
0x19: {  	[tilespmem:s31], [sflag:$0x1] =	stream.linear.gather [hbm4b:s29+s3], $0x200, $0x38;
	[tilespmem:$0x11BD0] =	vst v63  }
0x1a: {  	s8 =	simm.s32 $0x9D0;
	s5 =	rddreg [dreg:$0x6]  }
0x1b: {  	[tilespmem:s8], [sflag:$0x2] =	stream.linear.gather [hbm4b:s5+s3], $0x200, $0x38;
	[tilespmem:$0x11BD0] =	vst v63  }
0x1c: {  	s10 =	simm.s32 $0x1;
	[bflag:$0x0] =	sbarrier.arrive $0xFFFF  }
0x1d: {  	_ =	swait.ge [sflag:s10], $0x200  }
0x1e: {  	[sflag:s10] =	ssyncset.done $0x0  }
0x1f: {  	s11 =	simm.s32 $0xBD0;
	[sflag:s10] =	ssyncadd.s32 $0xFFFFFE00  }
0x20: {  	[tilespmem:s11], [sflag:$0x3] =	stream.indirect.gather [spmem:s2], $0x20, s31, s16, $0xb8;
	[tilespmem:$0x11BD0] =	vst v63  }
0x21: {  	s13 =	simm.s32 $0x810;
	s14 =	simm.s32 $0x13D0  }
0x22: {  	[tilespmem:s14], [sflag:$0x3] =	stream.indirect.gather [spmem:s2], $0x20, s13, s16, $0xb8;
	[tilespmem:$0x11BD0] =	vst v63  }
0x23: {  	s15 =	simm.s32 $0x850;
	s19 =	simm.s32 $0x1BD0  }
0x24: {  	[tilespmem:s19], [sflag:$0x3] =	stream.indirect.gather [spmem:s2], $0x20, s15, s16, $0xb8;
	[tilespmem:$0x11BD0] =	vst v63  }
0x25: {  	s20 =	simm.s32 $0x890;
	s21 =	simm.s32 $0x23D0  }
0x26: {  	[tilespmem:s21], [sflag:$0x3] =	stream.indirect.gather [spmem:s2], $0x20, s20, s16, $0xb8;
	[tilespmem:$0x11BD0] =	vst v63  }
0x27: {  	s22 =	simm.s32 $0x8D0;
	s23 =	simm.s32 $0x2BD0  }
0x28: {  	[tilespmem:s23], [sflag:$0x3] =	stream.indirect.gather [spmem:s2], $0x20, s22, s16, $0xb8;
	[tilespmem:$0x11BD0] =	vst v63  }
0x29: {  	s24 =	simm.s32 $0x910;
	s25 =	simm.s32 $0x33D0  }
0x2a: {  	[tilespmem:s25], [sflag:$0x3] =	stream.indirect.gather [spmem:s2], $0x20, s24, s16, $0xb8;
	[tilespmem:$0x11BD0] =	vst v63  }
0x2b: {  	s26 =	simm.s32 $0x950;
	s28 =	simm.s32 $0x3BD0  }
0x2c: {  	[tilespmem:s28], [sflag:$0x3] =	stream.indirect.gather [spmem:s2], $0x20, s26, s16, $0xb8;
	[tilespmem:$0x11BD0] =	vst v63  }
0x2d: {  	s29 =	simm.s32 $0x990;
	s31 =	simm.s32 $0x43D0;
	s15 =	simm.s32 $0x0  }
0x2e: {  	[tilespmem:s31], [sflag:$0x3] =	stream.indirect.gather [spmem:s2], $0x20, s29, s16, $0xb8;
	[tilespmem:$0x11BD0] =	vst v63  }
.LBB2_2:
0x2f: {  	_ =	swait.ge [sflag:s17], $0x800  }
0x30: {  	[sflag:s17] =	ssyncset.done $0x0  }
0x31: {  	[sflag:s17] =	ssyncadd.s32 $0xFFFFF800  }
0x32: {  	_ =	swait.ge [sflag:s17], $0x800  }
0x33: {  	[sflag:s17] =	ssyncset.done $0x0  }
0x34: {  	[sflag:s17] =	ssyncadd.s32 $0xFFFFF800  }
0x35: {  	_ =	swait.ge [sflag:s17], $0x800  }
0x36: {  	[sflag:s17] =	ssyncset.done $0x0  }
0x37: {  	[sflag:s17] =	ssyncadd.s32 $0xFFFFF800  }
0x38: {  	_ =	swait.ge [sflag:s17], $0x800  }
0x39: {  	[sflag:s17] =	ssyncset.done $0x0  }
0x3a: {  	[sflag:s17] =	ssyncadd.s32 $0xFFFFF800  }
0x3b: {  	_ =	swait.ge [sflag:s17], $0x800  }
0x3c: {  	[sflag:s17] =	ssyncset.done $0x0  }
0x3d: {  	[sflag:s17] =	ssyncadd.s32 $0xFFFFF800  }
0x3e: {  	s11 =	sshll.u32 s15, $0x1;
	p1 =	seq.s32 s15, $0x13;
	_ =	swait.ge [sflag:s17], $0x800  }
0x3f: {  	s0 =	sadd.s32 @!p1 $0x2, s11;
	[sflag:s17] =	ssyncset.done $0x0  }
0x40: {  	s1 =	sshrl.u32 @!p1 s0, $0x3;
	[sflag:s17] =	ssyncadd.s32 $0xFFFFF800  }
0x41: {  	s1 =	sadd.s32 @!p1 s7, s1;
	_ =	swait.ge [sflag:s17], $0x800  }
0x42: {  	s0 =	sshll.u32 @!p1 s0, $0x9;
	s1 =	sshll.u32 @!p1 s1, $0xC;
	[sflag:s17] =	ssyncset.done $0x0  }
0x43: {  	s0 =	sand.u32 @!p1 $0xC00, s0;
	s1 =	sadd.s32 @!p1 s4, s1;
	[sflag:s17] =	ssyncadd.s32 $0xFFFFF800  }
0x44: {  	s0 =	sor.u32 @!p1 s0, s1;
	_ =	swait.ge [sflag:s17], $0x800  }
0x45: {  	s5 =	simm.s32 @!p1 $0x7D0;
	s0 =	sshrl.u32 @!p1 s0, $0x3;
	[sflag:s17] =	ssyncset.done $0x0  }
0x46: {  	s1 =	simm.s32 @!p1 $0x0;
	s0 =	sadd.s32 @!p1 s30, s0;
	[sflag:s17] =	ssyncadd.s32 $0xFFFFF800  }
0x47: {  	[tilespmem:s5], [sflag:$0x1] =	stream.linear.gather @!p1 [hbm4b:s0+s1], $0x200, $0x38;
	[tilespmem:$0x11BD0] =	vst v63  }
0x48: {  	_ =	swait.ge [sflag:s18], $0x200  }
0x49: {  	[sflag:s18] =	ssyncset.done $0x0  }
0x4a: {  	s19 =	simm.s32 $0x9D0;
	s20 =	simm.s32 $0x4BD0;
	[sflag:s18] =	ssyncadd.s32 $0xFFFFFE00  }
0x4b: {  	[tilespmem:s20], [sflag:$0x4] =	stream.indirect.gather [spmem:s2], $0x20, s19, s16, $0xb8;
	[tilespmem:$0x11BD0] =	vst v63  }
0x4c: {  	s21 =	simm.s32 $0xA10;
	s22 =	simm.s32 $0x53D0  }
0x4d: {  	[tilespmem:s22], [sflag:$0x4] =	stream.indirect.gather [spmem:s2], $0x20, s21, s16, $0xb8;
	[tilespmem:$0x11BD0] =	vst v63  }
0x4e: {  	s23 =	simm.s32 $0xA50;
	s24 =	simm.s32 $0x5BD0  }
0x4f: {  	[tilespmem:s24], [sflag:$0x4] =	stream.indirect.gather [spmem:s2], $0x20, s23, s16, $0xb8;
	[tilespmem:$0x11BD0] =	vst v63  }
0x50: {  	s25 =	simm.s32 $0xA90;
	s26 =	simm.s32 $0x63D0  }
0x51: {  	[tilespmem:s26], [sflag:$0x4] =	stream.indirect.gather [spmem:s2], $0x20, s25, s16, $0xb8;
	[tilespmem:$0x11BD0] =	vst v63  }
0x52: {  	s8 =	simm.s32 $0xB10;
	s1 =	simm.s32 $0xAD0;
	s5 =	simm.s32 $0x6BD0  }
0x53: {  	[tilespmem:s5], [sflag:$0x4] =	stream.indirect.gather [spmem:s2], $0x20, s1, s16, $0xb8;
	[tilespmem:$0x11BD0] =	vst v63  }
0x54: {  	s13 =	simm.s32 $0x73D0;
	s14 =	simm.s32 $0xB50;
	s22 =	simm.s32 $0x0  }
0x55: {  	[tilespmem:s13], [sflag:$0x4] =	stream.indirect.gather [spmem:s2], $0x20, s8, s16, $0xb8;
	[tilespmem:$0x11BD0] =	vst v63  }
0x56: {  	p2 =	seq.s32 s15, $0x0;
	s19 =	simm.s32 $0x7BD0;
	s8 =	sand.u32 $0x38, s22  }
0x57: {  	[tilespmem:s19], [sflag:$0x4] =	stream.indirect.gather [spmem:s2], $0x20, s14, s16, $0xb8;
	[tilespmem:$0x11BD0] =	vst v63  }
0x58: {  	s0 =	simm.s32 @!p2 $0x5;
	s20 =	simm.s32 $0xB90;
	s21 =	simm.s32 $0x83D0;
	v17 =	vmov s8  }
0x59: {  	v17 =	vshrl.u32 v17, $0x3;
	[tilespmem:s21], [sflag:$0x4] =	stream.indirect.gather [spmem:s2], $0x20, s20, s16, $0xb8;
	[tilespmem:$0x11BD0] =	vst v63  }
0x5a: {  	v17 =	vshll.u32 v17, v1;
	_ =	swait.ge @!p2 [sflag:s0], $0x4000  }
0x5b: {  	s23 =	sshll.u32 s8, $0x5;
	v17 =	vbroadcast v17, $0x0;
	[sflag:s0] =	ssyncset.done @!p2 $0x0  }
0x5c: {  	s24 =	sadd.s32 $0xBD0, s23;
	[sflag:s0] =	ssyncadd.s32 @!p2 $0xFFFFC000  }
0x5d: {  	v19 =	vadd.s32 v0, v17;
	v18 =	vld [tilespmem:s24+$0x0]  }
0x5e: {  	s25 =	simm.s32 $0x0;
	s26 =	sor.u32 $0x1, s8;
	v17 =	vadd.s32 v2, v17;
	v20 =	vld [tilespmem:s24+$0x10]  }
0x5f: {  	s13 =	smul.u32 $0x2400, s25;
	v21 =	vmov s26  }
0x60: {  	v21 =	vshrl.u32 v21, $0x3  }
0x61: {  	s20 =	sshra.s32 s13, $0x2;
	v21 =	vshll.u32 v21, v1  }
0x62: {  	s14 =	sshll.u32 s26, $0x5;
	[tilespmem:v19+s20+$0x8BD0] =	vst.idx.msk $0xffff, v18;
	v18 =	vbroadcast v21, $0x0  }
0x63: {  	s0 =	sadd.s32 $0xBD0, s14;
	[tilespmem:v17+s20+$0x8BD0] =	vst.idx.msk $0xffff, v20  }
0x64: {  	v17 =	vld [tilespmem:s0+$0x0];
	v19 =	vadd.s32 v3, v18  }
0x65: {  	s19 =	sor.u32 $0x2, s8;
	v20 =	vld [tilespmem:s0+$0x10];
	v18 =	vadd.s32 v4, v18  }
0x66: {  	v21 =	vmov s19  }
0x67: {  	v21 =	vshrl.u32 v21, $0x3  }
0x68: {  	v21 =	vshll.u32 v21, v1  }
0x69: {  	s21 =	sshll.u32 s19, $0x5;
	[tilespmem:v19+s20+$0x8BD0] =	vst.idx.msk $0xffff, v17;
	v17 =	vbroadcast v21, $0x0  }
0x6a: {  	s0 =	sadd.s32 $0xBD0, s21;
	[tilespmem:v18+s20+$0x8BD0] =	vst.idx.msk $0xffff, v20  }
0x6b: {  	v18 =	vld [tilespmem:s0+$0x0];
	v19 =	vadd.s32 v5, v17  }
0x6c: {  	s22 =	sor.u32 $0x3, s8;
	v20 =	vld [tilespmem:s0+$0x10];
	v17 =	vadd.s32 v6, v17  }
0x6d: {  	v21 =	vmov s22  }
0x6e: {  	v21 =	vshrl.u32 v21, $0x3  }
0x6f: {  	v21 =	vshll.u32 v21, v1  }
0x70: {  	s23 =	sshll.u32 s22, $0x5;
	[tilespmem:v19+s20+$0x8BD0] =	vst.idx.msk $0xffff, v18;
	v18 =	vbroadcast v21, $0x0  }
0x71: {  	s0 =	sadd.s32 $0xBD0, s23;
	[tilespmem:v17+s20+$0x8BD0] =	vst.idx.msk $0xffff, v20  }
0x72: {  	v17 =	vld [tilespmem:s0+$0x0];
	v19 =	vadd.s32 v7, v18  }
0x73: {  	s24 =	sor.u32 $0x4, s8;
	v20 =	vld [tilespmem:s0+$0x10];
	v18 =	vadd.s32 v8, v18  }
0x74: {  	v21 =	vmov s24  }
0x75: {  	v21 =	vshrl.u32 v21, $0x3  }
0x76: {  	v21 =	vshll.u32 v21, v1  }
0x77: {  	s25 =	sshll.u32 s24, $0x5;
	v21 =	vbroadcast v21, $0x0;
	[tilespmem:v19+s20+$0x8BD0] =	vst.idx.msk $0xffff, v17  }
0x78: {  	s0 =	sadd.s32 $0xBD0, s25;
	[tilespmem:v18+s20+$0x8BD0] =	vst.idx.msk $0xffff, v20  }
0x79: {  	v18 =	vadd.s32 v9, v21;
	v17 =	vld [tilespmem:s0+$0x0]  }
0x7a: {  	s26 =	sor.u32 $0x5, s8;
	v20 =	vadd.s32 v10, v21;
	v19 =	vld [tilespmem:s0+$0x10]  }
0x7b: {  	v21 =	vmov s26  }
0x7c: {  	v21 =	vshrl.u32 v21, $0x3  }
0x7d: {  	v21 =	vshll.u32 v21, v1  }
0x7e: {  	s5 =	sshll.u32 s26, $0x5;
	v21 =	vbroadcast v21, $0x0;
	[tilespmem:v18+s20+$0x8BD0] =	vst.idx.msk $0xffff, v17  }
0x7f: {  	s0 =	sadd.s32 $0xBD0, s5;
	[tilespmem:v20+s20+$0x8BD0] =	vst.idx.msk $0xffff, v19  }
0x80: {  	v18 =	vadd.s32 v11, v21;
	v17 =	vld [tilespmem:s0+$0x0]  }
0x81: {  	s13 =	sor.u32 $0x6, s8;
	v20 =	vadd.s32 v12, v21;
	v19 =	vld [tilespmem:s0+$0x10]  }
0x82: {  	v21 =	vmov s13  }
0x83: {  	v21 =	vshrl.u32 v21, $0x3  }
0x84: {  	v21 =	vshll.u32 v21, v1  }
0x85: {  	s14 =	sshll.u32 s13, $0x5;
	[tilespmem:v18+s20+$0x8BD0] =	vst.idx.msk $0xffff, v17;
	v17 =	vbroadcast v21, $0x0  }
0x86: {  	s0 =	sadd.s32 $0xBD0, s14;
	[tilespmem:v20+s20+$0x8BD0] =	vst.idx.msk $0xffff, v19  }
0x87: {  	v18 =	vld [tilespmem:s0+$0x0];
	v19 =	vadd.s32 v13, v17  }
0x88: {  	s19 =	sor.u32 $0x7, s8;
	v20 =	vld [tilespmem:s0+$0x10];
	v17 =	vadd.s32 v14, v17  }
0x89: {  	v21 =	vmov s19  }
0x8a: {  	v21 =	vshrl.u32 v21, $0x3  }
0x8b: {  	v21 =	vshll.u32 v21, v1  }
0x8c: {  	s10 =	smov.u32 s30;
	s1 =	sshll.u32 s19, $0x5;
	s21 =	sshrl.u32 s15, $0x2;
	v21 =	vbroadcast v21, $0x0;
	[tilespmem:v19+s20+$0x8BD0] =	vst.idx.msk $0xffff, v18  }
0x8d: {  	s1 =	sadd.s32 $0xBD0, s1;
	s8 =	sadd.s32 s7, s21;
	s22 =	sshll.u32 s15, $0xF;
	[tilespmem:v17+s20+$0x8BD0] =	vst.idx.msk $0xffff, v20  }
0x8e: {  	s23 =	simm.s32 $0x0;
	s19 =	sand.u32 $0x18000, s22;
	s22 =	simm.s32 $0x8;
	v24 =	vadd.s32 v15, v21;
	v23 =	vld [tilespmem:s1+$0x0]  }
0x8f: {  	s21 =	simm.s32 $0xBD0;
	s31 =	smul.u32 $0x2400, s23;
	s26 =	sand.u32 $0x38, s22  }
0x90: {  	s24 =	simm.s32 $0x2;
	s5 =	sshll.u32 s26, $0x5;
	s30 =	sor.u32 $0x2, s26;
	v19 =	vadd.s32 v16, v21;
	v17 =	vmov s26;
	v20 =	vld [tilespmem:s1+$0x10]  }
0x91: {  	s29 =	sor.u32 $0x5, s26;
	s25 =	sor.u32 $0x1, s26;
	s14 =	sor.u32 $0x3, s26;
	v18 =	vmov s30;
	v17 =	vshrl.u32 v17, $0x3  }
0x92: {  	s13 =	sor.u32 $0x4, s26;
	s23 =	sor.u32 $0x6, s26;
	s0 =	sshll.u32 s25, $0x5;
	v21 =	vmov s25;
	v18 =	vshrl.u32 v18, $0x3;
	v17 =	vshll.u32 v17, v1  }
0x93: {  	s28 =	sshll.u32 s14, $0x5;
	s25 =	sshll.u32 s13, $0x5;
	v21 =	vshrl.u32 v21, $0x3;
	v22 =	vbroadcast v17, $0x0;
	v17 =	vmov s14;
	s14 =	sshll.u32 s29, $0x5;
	[tilespmem:v24+s20+$0x8BD0] =	vst.idx.msk $0xffff, v23  }
.LBB2_3:
0x94: {  	s5 =	sadd.s32 s5, s21  }
0x95: {  	v23 =	vmov s13;
	v24 =	vmov s29;
	s13 =	sor.u32 $0x7, s26;
	[tilespmem:v19+s20+$0x8BD0] =	vst.idx.msk $0xffff, v20;
	s26 =	smov.u32 s24;
	s1 =	sadd.s32 $0x1, s24  }
0x96: {  	p2 =	sne.s32 s24, $0x3F;
	v19 =	vld [tilespmem:s5+$0x0];
	v20 =	vadd.s32 v0, v22;
	v23 =	vshrl.u32 v23, $0x3;
	v24 =	vshrl.u32 v24, $0x3;
	s29 =	sshll.u32 s13, $0x5  }
0x97: {  	v22 =	vadd.s32 v2, v22;
	v25 =	vld [tilespmem:s5+$0x10];
	v23 =	vshll.u32 v23, v1;
	v24 =	vshll.u32 v24, v1  }
0x98: {  	v26 =	vmov s13;
	v23 =	vbroadcast v23, $0x0;
	v24 =	vbroadcast v24, $0x0  }
0x99: {  	v26 =	vshrl.u32 v26, $0x3  }
0x9a: {  	s20 =	sshra.s32 s31, $0x2;
	v21 =	vshll.u32 v21, v1;
	v26 =	vshll.u32 v26, v1  }
0x9b: {  	[tilespmem:v20+s20+$0x8BD0] =	vst.idx.msk $0xffff, v19;
	v19 =	vbroadcast v21, $0x0;
	v21 =	vbroadcast v26, $0x0  }
0x9c: {  	s0 =	sadd.s32 s0, s21;
	[tilespmem:v22+s20+$0x8BD0] =	vst.idx.msk $0xffff, v25  }
0x9d: {  	v20 =	vld [tilespmem:s0+$0x0];
	v22 =	vadd.s32 v3, v19  }
0x9e: {  	v19 =	vadd.s32 v4, v19;
	v25 =	vld [tilespmem:s0+$0x10];
	_ =	sdelay $0x2  }
0x9f: {  	v18 =	vshll.u32 v18, v1  }
0xa0: {  	v18 =	vbroadcast v18, $0x0;
	s0 =	sshll.u32 s30, $0x5;
	[tilespmem:v22+s20+$0x8BD0] =	vst.idx.msk $0xffff, v20  }
0xa1: {  	s0 =	sadd.s32 s0, s21;
	[tilespmem:v19+s20+$0x8BD0] =	vst.idx.msk $0xffff, v25  }
0xa2: {  	v20 =	vadd.s32 v5, v18;
	v19 =	vld [tilespmem:s0+$0x0]  }
0xa3: {  	v18 =	vadd.s32 v6, v18;
	v22 =	vld [tilespmem:s0+$0x10];
	_ =	sdelay $0x1  }
0xa4: {  	v17 =	vshrl.u32 v17, $0x3  }
0xa5: {  	v17 =	vshll.u32 v17, v1  }
0xa6: {  	v17 =	vbroadcast v17, $0x0;
	[tilespmem:v20+s20+$0x8BD0] =	vst.idx.msk $0xffff, v19  }
0xa7: {  	s0 =	sadd.s32 s28, s21;
	[tilespmem:v18+s20+$0x8BD0] =	vst.idx.msk $0xffff, v22  }
0xa8: {  	v19 =	vadd.s32 v7, v17;
	v18 =	vld [tilespmem:s0+$0x0]  }
0xa9: {  	v17 =	vadd.s32 v8, v17;
	v20 =	vld [tilespmem:s0+$0x10];
	_ =	sdelay $0x3  }
0xaa: {  	[tilespmem:v19+s20+$0x8BD0] =	vst.idx.msk $0xffff, v18  }
0xab: {  	s0 =	sadd.s32 s25, s21;
	[tilespmem:v17+s20+$0x8BD0] =	vst.idx.msk $0xffff, v20  }
0xac: {  	v18 =	vadd.s32 v9, v23;
	v17 =	vld [tilespmem:s0+$0x0]  }
0xad: {  	v20 =	vadd.s32 v10, v23;
	v19 =	vld [tilespmem:s0+$0x10];
	_ =	sdelay $0x3  }
0xae: {  	[tilespmem:v18+s20+$0x8BD0] =	vst.idx.msk $0xffff, v17  }
0xaf: {  	s0 =	sadd.s32 s14, s21;
	[tilespmem:v20+s20+$0x8BD0] =	vst.idx.msk $0xffff, v19  }
0xb0: {  	v18 =	vadd.s32 v11, v24;
	v17 =	vld [tilespmem:s0+$0x0]  }
0xb1: {  	v20 =	vadd.s32 v12, v24;
	v19 =	vld [tilespmem:s0+$0x10]  }
0xb2: {  	v22 =	vmov s23  }
0xb3: {  	v22 =	vshrl.u32 v22, $0x3  }
0xb4: {  	v22 =	vshll.u32 v22, v1  }
0xb5: {  	s0 =	sshll.u32 s23, $0x5;
	[tilespmem:v18+s20+$0x8BD0] =	vst.idx.msk $0xffff, v17;
	v17 =	vbroadcast v22, $0x0  }
0xb6: {  	s0 =	sadd.s32 s0, s21;
	[tilespmem:v20+s20+$0x8BD0] =	vst.idx.msk $0xffff, v19  }
0xb7: {  	v18 =	vld [tilespmem:s0+$0x0];
	v19 =	vadd.s32 v13, v17  }
0xb8: {  	v17 =	vadd.s32 v14, v17;
	v20 =	vld [tilespmem:s0+$0x10];
	_ =	sdelay $0x3  }
0xb9: {  	[tilespmem:v19+s20+$0x8BD0] =	vst.idx.msk $0xffff, v18  }
0xba: {  	s22 =	sadd.s32 $0x8, s22;
	s5 =	sadd.s32 s29, s21;
	s0 =	sshrl.u32 s26, $0x3;
	[tilespmem:v17+s20+$0x8BD0] =	vst.idx.msk $0xffff, v20  }
0xbb: {  	s24 =	smov.u32 s1;
	v24 =	vadd.s32 v15, v21;
	s13 =	sshll.u32 s0, $0xD;
	s31 =	smul.u32 $0x2400, s0;
	v23 =	vld [tilespmem:s5+$0x0]  }
.Ltmp0:
0xbc: {  	s26 =	sand.u32 $0x38, s22;
	s0 =	sshra.s32 s13, $0x2;
	v19 =	vadd.s32 v16, v21;
	v20 =	vld [tilespmem:s5+$0x10];
	(pc) =	sbr.rel @p2 .LBB2_3-.Ltmp0, $4  }
0xbd: {  	s30 =	sor.u32 $0x2, s26;
	s29 =	sor.u32 $0x5, s26;
	v17 =	vmov s26;
	s5 =	sshll.u32 s26, $0x5  }
0xbe: {  	s14 =	sor.u32 $0x3, s26;
	s21 =	sadd.s32 $0xBD0, s0;
	s0 =	sor.u32 $0x1, s26;
	v18 =	vmov s30;
	v17 =	vshrl.u32 v17, $0x3  }
0xbf: {  	s28 =	sshll.u32 s14, $0x5;
	s13 =	sor.u32 $0x4, s26;
	v21 =	vmov s0;
	s0 =	sshll.u32 s0, $0x5;
	v18 =	vshrl.u32 v18, $0x3;
	v17 =	vshll.u32 v17, v1  }
0xc0: {  	s23 =	sor.u32 $0x6, s26;
	s25 =	sshll.u32 s13, $0x5;
	v21 =	vshrl.u32 v21, $0x3;
	v22 =	vbroadcast v17, $0x0;
	v17 =	vmov s14;
	s14 =	sshll.u32 s29, $0x5;
	[tilespmem:v24+s20+$0x8BD0] =	vst.idx.msk $0xffff, v23  }
0xc1: {  	_ =	sdelay $0x3  }
0xc2: {  	s1 =	sadd.s32 s5, s21;
	[tilespmem:v19+s20+$0x8BD0] =	vst.idx.msk $0xffff, v20  }
0xc3: {  	v19 =	vld [tilespmem:s1+$0x0];
	v54 =	vadd.s32 v0, v22  }
0xc4: {  	v23 =	vld [tilespmem:s1+$0x10];
	v55 =	vadd.s32 v2, v22;
	_ =	sdelay $0x2  }
0xc5: {  	s20 =	sshra.s32 s31, $0x2;
	v21 =	vshll.u32 v21, v1  }
0xc6: {  	[tilespmem:v54+s20+$0x8BD0] =	vst.idx.msk $0xffff, v19;
	v19 =	vbroadcast v21, $0x0  }
0xc7: {  	s0 =	sadd.s32 s0, s21;
	[tilespmem:v55+s20+$0x8BD0] =	vst.idx.msk $0xffff, v23  }
0xc8: {  	v20 =	vld [tilespmem:s0+$0x0];
	v21 =	vadd.s32 v3, v19  }
0xc9: {  	v22 =	vld [tilespmem:s0+$0x10];
	v19 =	vadd.s32 v4, v19;
	_ =	sdelay $0x2  }
0xca: {  	v18 =	vshll.u32 v18, v1  }
0xcb: {  	s1 =	sshll.u32 s30, $0x5;
	v18 =	vbroadcast v18, $0x0;
	[tilespmem:v21+s20+$0x8BD0] =	vst.idx.msk $0xffff, v20  }
0xcc: {  	s0 =	sadd.s32 s1, s21;
	[tilespmem:v19+s20+$0x8BD0] =	vst.idx.msk $0xffff, v22  }
0xcd: {  	v56 =	vadd.s32 v5, v18;
	v19 =	vld [tilespmem:s0+$0x0]  }
0xce: {  	v18 =	vadd.s32 v6, v18;
	v21 =	vld [tilespmem:s0+$0x10];
	_ =	sdelay $0x1  }
0xcf: {  	v17 =	vshrl.u32 v17, $0x3  }
0xd0: {  	v17 =	vshll.u32 v17, v1  }
0xd1: {  	v17 =	vbroadcast v17, $0x0;
	[tilespmem:v56+s20+$0x8BD0] =	vst.idx.msk $0xffff, v19  }
0xd2: {  	s5 =	sadd.s32 s28, s21;
	[tilespmem:v18+s20+$0x8BD0] =	vst.idx.msk $0xffff, v21  }
0xd3: {  	v19 =	vadd.s32 v7, v17;
	v18 =	vld [tilespmem:s5+$0x0]  }
0xd4: {  	v17 =	vadd.s32 v8, v17;
	v20 =	vld [tilespmem:s5+$0x10]  }
0xd5: {  	v57 =	vmov s13  }
0xd6: {  	v21 =	vshrl.u32 v57, $0x3  }
0xd7: {  	v21 =	vshll.u32 v21, v1  }
0xd8: {  	v21 =	vbroadcast v21, $0x0;
	[tilespmem:v19+s20+$0x8BD0] =	vst.idx.msk $0xffff, v18  }
0xd9: {  	s22 =	sadd.s32 s25, s21;
	[tilespmem:v17+s20+$0x8BD0] =	vst.idx.msk $0xffff, v20  }
0xda: {  	v18 =	vadd.s32 v9, v21;
	v17 =	vld [tilespmem:s22+$0x0]  }
0xdb: {  	v58 =	vadd.s32 v10, v21;
	v19 =	vld [tilespmem:s22+$0x10]  }
0xdc: {  	v59 =	vmov s29  }
0xdd: {  	v21 =	vshrl.u32 v59, $0x3  }
0xde: {  	v21 =	vshll.u32 v21, v1  }
0xdf: {  	v21 =	vbroadcast v21, $0x0;
	[tilespmem:v18+s20+$0x8BD0] =	vst.idx.msk $0xffff, v17  }
0xe0: {  	s24 =	sadd.s32 s14, s21;
	[tilespmem:v58+s20+$0x8BD0] =	vst.idx.msk $0xffff, v19  }
0xe1: {  	v18 =	vadd.s32 v11, v21;
	v17 =	vld [tilespmem:s24+$0x0]  }
0xe2: {  	v60 =	vadd.s32 v12, v21;
	v19 =	vld [tilespmem:s24+$0x10]  }
0xe3: {  	v61 =	vmov s23  }
0xe4: {  	v21 =	vshrl.u32 v61, $0x3  }
0xe5: {  	v21 =	vshll.u32 v21, v1  }
0xe6: {  	s25 =	sshll.u32 s23, $0x5;
	[tilespmem:v18+s20+$0x8BD0] =	vst.idx.msk $0xffff, v17;
	v17 =	vbroadcast v21, $0x0  }
0xe7: {  	s0 =	sadd.s32 s25, s21;
	[tilespmem:v60+s20+$0x8BD0] =	vst.idx.msk $0xffff, v19  }
0xe8: {  	v18 =	vld [tilespmem:s0+$0x0];
	v19 =	vadd.s32 v13, v17  }
0xe9: {  	s28 =	sor.u32 $0x7, s26;
	v20 =	vld [tilespmem:s0+$0x10];
	v17 =	vadd.s32 v14, v17  }
0xea: {  	v62 =	vmov s28  }
0xeb: {  	v21 =	vshrl.u32 v62, $0x3  }
0xec: {  	v21 =	vshll.u32 v21, v1  }
0xed: {  	s29 =	sshll.u32 s28, $0x5;
	v21 =	vbroadcast v21, $0x0;
	[tilespmem:v19+s20+$0x8BD0] =	vst.idx.msk $0xffff, v18  }
0xee: {  	s0 =	sadd.s32 s29, s21;
	[tilespmem:v17+s20+$0x8BD0] =	vst.idx.msk $0xffff, v20  }
0xef: {  	v18 =	vadd.s32 v15, v21;
	v17 =	vld [tilespmem:s0+$0x0]  }
0xf0: {  	s31 =	rddreg [dreg:$0x7];
	s30 =	sshll.u32 s8, $0x11;
	v63 =	vadd.s32 v16, v21;
	v19 =	vld [tilespmem:s0+$0x10]  }
0xf1: {  	s0 =	sadd.s32 s31, s30  }
0xf2: {  	s0 =	sor.u32 s19, s0  }
0xf3: {  	s8 =	sshrl.u32 s0, $0x3  }
0xf4: {  	s13 =	simm.s32 $0x8C18;
	s0 =	sadd.s32 s6, s8;
	[tilespmem:v18+s20+$0x8BD0] =	vst.idx.msk $0xffff, v17  }
0xf5: {  	s1 =	simm.s32 $0x8BD0;
	s5 =	simm.s32 $0x8;
	s14 =	sadd.s32 $0x0, s0;
	[tilespmem:v63+s20+$0x8BD0] =	vst.idx.msk $0xffff, v19  }
.LBB2_5:
0xf6: {  	[hbm4b:s14+s3] =	stream.linear.scatter [tilespmem:s1], [sflag:$0x5], $0x40, $0x38;
	[tilespmem:$0x11BD0] =	vst v63  }
0xf7: {  	s14 =	smov.u32 s5;
	s1 =	smov.u32 s13;
	p2 =	sne.s32 s5, $0x7F8  }
.Ltmp1:
0xf8: {  	s5 =	sadd.s32 $0x8, s5;
	(pc) =	sbr.rel @p2 .LBB2_5-.Ltmp1, $2  }
0xf9: {  	_ =	sdelay $0x2  }
0xfa: {  	s13 =	sadd.s32 $0x48, s13;
	s14 =	sadd.s32 s14, s0  }
0xfb: {  	[hbm4b:s14+s3] =	stream.linear.scatter [tilespmem:s1], [sflag:$0x5], $0x40, $0x38;
	[tilespmem:$0x11BD0] =	vst v63  }
0xfc: {  	s0 =	simm.s32 @!p1 $0x1  }
0xfd: {  	_ =	swait.ge @!p1 [sflag:s0], $0x200  }
0xfe: {  	s1 =	simm.s32 @!p1 $0x7D0;
	[sflag:s0] =	ssyncset.done @!p1 $0x0  }
0xff: {  	s5 =	simm.s32 @!p1 $0xBD0;
	[sflag:s0] =	ssyncadd.s32 @!p1 $0xFFFFFE00;
	s0 =	simm.s32 @!p1 $0x40  }
0x100: {  	[tilespmem:s5], [sflag:$0x3] =	stream.indirect.gather @!p1 [spmem:s2], $0x20, s1, s0, $0xb8;
	[tilespmem:$0x11BD0] =	vst v63  }
0x101: {  	s1 =	simm.s32 @!p1 $0x810;
	s5 =	simm.s32 @!p1 $0x13D0  }
0x102: {  	[tilespmem:s5], [sflag:$0x3] =	stream.indirect.gather @!p1 [spmem:s2], $0x20, s1, s0, $0xb8;
	[tilespmem:$0x11BD0] =	vst v63  }
0x103: {  	s1 =	simm.s32 @!p1 $0x850;
	s5 =	simm.s32 @!p1 $0x1BD0  }
0x104: {  	[tilespmem:s5], [sflag:$0x3] =	stream.indirect.gather @!p1 [spmem:s2], $0x20, s1, s0, $0xb8;
	[tilespmem:$0x11BD0] =	vst v63  }
0x105: {  	s1 =	simm.s32 @!p1 $0x890;
	s5 =	simm.s32 @!p1 $0x23D0  }
0x106: {  	[tilespmem:s5], [sflag:$0x3] =	stream.indirect.gather @!p1 [spmem:s2], $0x20, s1, s0, $0xb8;
	[tilespmem:$0x11BD0] =	vst v63  }
0x107: {  	s1 =	simm.s32 @!p1 $0x8D0;
	s5 =	simm.s32 @!p1 $0x2BD0  }
0x108: {  	[tilespmem:s5], [sflag:$0x3] =	stream.indirect.gather @!p1 [spmem:s2], $0x20, s1, s0, $0xb8;
	[tilespmem:$0x11BD0] =	vst v63  }
0x109: {  	s1 =	simm.s32 @!p1 $0x910;
	s5 =	simm.s32 @!p1 $0x33D0  }
0x10a: {  	[tilespmem:s5], [sflag:$0x3] =	stream.indirect.gather @!p1 [spmem:s2], $0x20, s1, s0, $0xb8;
	[tilespmem:$0x11BD0] =	vst v63  }
0x10b: {  	s1 =	simm.s32 @!p1 $0x950;
	s5 =	simm.s32 @!p1 $0x3BD0  }
0x10c: {  	[tilespmem:s5], [sflag:$0x3] =	stream.indirect.gather @!p1 [spmem:s2], $0x20, s1, s0, $0xb8;
	[tilespmem:$0x11BD0] =	vst v63  }
0x10d: {  	s1 =	simm.s32 @!p1 $0x990;
	s5 =	simm.s32 @!p1 $0x43D0  }
0x10e: {  	[tilespmem:s5], [sflag:$0x3] =	stream.indirect.gather @!p1 [spmem:s2], $0x20, s1, s0, $0xb8;
	[tilespmem:$0x11BD0] =	vst v63  }
0x10f: {  	_ =	swait.ge [sflag:s9], $0x800  }
0x110: {  	[sflag:s9] =	ssyncset.done $0x0  }
0x111: {  	[sflag:s9] =	ssyncadd.s32 $0xFFFFF800  }
0x112: {  	_ =	swait.ge [sflag:s9], $0x800  }
0x113: {  	[sflag:s9] =	ssyncset.done $0x0  }
0x114: {  	[sflag:s9] =	ssyncadd.s32 $0xFFFFF800  }
0x115: {  	_ =	swait.ge [sflag:s9], $0x800  }
0x116: {  	[sflag:s9] =	ssyncset.done $0x0  }
0x117: {  	[sflag:s9] =	ssyncadd.s32 $0xFFFFF800  }
0x118: {  	_ =	swait.ge [sflag:s9], $0x800  }
0x119: {  	[sflag:s9] =	ssyncset.done $0x0  }
0x11a: {  	[sflag:s9] =	ssyncadd.s32 $0xFFFFF800  }
0x11b: {  	_ =	swait.ge [sflag:s9], $0x800  }
0x11c: {  	[sflag:s9] =	ssyncset.done $0x0  }
0x11d: {  	[sflag:s9] =	ssyncadd.s32 $0xFFFFF800  }
0x11e: {  	_ =	swait.ge [sflag:s9], $0x800  }
0x11f: {  	s0 =	sadd.s32 @!p1 $0x3, s11;
	[sflag:s9] =	ssyncset.done $0x0  }
0x120: {  	p2 =	seq.s32 @!p1 s15, $0x0;
	s1 =	sshrl.u32 @!p1 s0, $0x3;
	[sflag:s9] =	ssyncadd.s32 $0xFFFFF800  }
0x121: {  	s22 =	simm.s32 $0x0;
	s1 =	sadd.s32 @!p1 s7, s1;
	_ =	swait.ge [sflag:s9], $0x800  }
0x122: {  	s0 =	sshll.u32 @!p1 s0, $0x9;
	s1 =	sshll.u32 @!p1 s1, $0xC;
	[sflag:s9] =	ssyncset.done $0x0  }
0x123: {  	s0 =	sand.u32 @!p1 $0xE00, s0;
	s1 =	sadd.s32 @!p1 s4, s1;
	[sflag:s9] =	ssyncadd.s32 $0xFFFFF800  }
0x124: {  	s14 =	sand.u32 $0x38, s22;
	s0 =	sor.u32 @!p1 s0, s1;
	_ =	swait.ge [sflag:s9], $0x800  }
0x125: {  	s5 =	simm.s32 @!p1 $0x9D0;
	s0 =	sshrl.u32 @!p1 s0, $0x3;
	[sflag:s9] =	ssyncset.done $0x0  }
0x126: {  	s1 =	simm.s32 @!p1 $0x0;
	s0 =	sadd.s32 @!p1 s10, s0;
	[sflag:s9] =	ssyncadd.s32 $0xFFFFF800  }
0x127: {  	v17 =	vmov s14;
	[tilespmem:s5], [sflag:$0x2] =	stream.linear.gather @!p1 [hbm4b:s0+s1], $0x200, $0x38;
	[tilespmem:$0x11BD0] =	vst v63  }
0x128: {  	v17 =	vshrl.u32 v17, $0x3;
	p1 =	por p1, !p2  }
0x129: {  	v17 =	vshll.u32 v17, v1;
	_ =	swait.ge @p1 [sflag:s12], $0x4000  }
0x12a: {  	v17 =	vbroadcast v17, $0x0;
	s0 =	sshll.u32 s14, $0x5;
	[sflag:s12] =	ssyncset.done @p1 $0x0  }
0x12b: {  	s0 =	sadd.s32 $0x4BD0, s0;
	[sflag:s12] =	ssyncadd.s32 @p1 $0xFFFFC000  }
0x12c: {  	v19 =	vadd.s32 v0, v17;
	v18 =	vld [tilespmem:s0+$0x0]  }
0x12d: {  	s23 =	simm.s32 $0x0;
	s24 =	sor.u32 $0x1, s14;
	v17 =	vadd.s32 v2, v17;
	v20 =	vld [tilespmem:s0+$0x10]  }
0x12e: {  	s25 =	smul.u32 $0x2400, s23;
	v21 =	vmov s24  }
0x12f: {  	v21 =	vshrl.u32 v21, $0x3  }
0x130: {  	v21 =	vshll.u32 v21, v1;
	s11 =	sshra.s32 s25, $0x2  }
0x131: {  	s26 =	sshll.u32 s24, $0x5;
	[tilespmem:v19+s11+$0xD3D0] =	vst.idx.msk $0xffff, v18;
	v18 =	vbroadcast v21, $0x0  }
0x132: {  	s0 =	sadd.s32 $0x4BD0, s26;
	[tilespmem:v17+s11+$0xD3D0] =	vst.idx.msk $0xffff, v20  }
0x133: {  	v17 =	vld [tilespmem:s0+$0x0];
	v19 =	vadd.s32 v3, v18  }
0x134: {  	s31 =	sor.u32 $0x2, s14;
	v20 =	vld [tilespmem:s0+$0x10];
	v18 =	vadd.s32 v4, v18  }
0x135: {  	v21 =	vmov s31  }
0x136: {  	v21 =	vshrl.u32 v21, $0x3  }
0x137: {  	v21 =	vshll.u32 v21, v1  }
0x138: {  	s1 =	sshll.u32 s31, $0x5;
	[tilespmem:v19+s11+$0xD3D0] =	vst.idx.msk $0xffff, v17;
	v17 =	vbroadcast v21, $0x0  }
0x139: {  	s0 =	sadd.s32 $0x4BD0, s1;
	[tilespmem:v18+s11+$0xD3D0] =	vst.idx.msk $0xffff, v20  }
0x13a: {  	v18 =	vld [tilespmem:s0+$0x0];
	v19 =	vadd.s32 v5, v17  }
0x13b: {  	s5 =	sor.u32 $0x3, s14;
	v20 =	vld [tilespmem:s0+$0x10];
	v17 =	vadd.s32 v6, v17  }
0x13c: {  	v21 =	vmov s5  }
0x13d: {  	v21 =	vshrl.u32 v21, $0x3  }
0x13e: {  	v21 =	vshll.u32 v21, v1  }
0x13f: {  	s30 =	smov.u32 s10;
	s10 =	sshll.u32 s5, $0x5;
	[tilespmem:v19+s11+$0xD3D0] =	vst.idx.msk $0xffff, v18;
	v18 =	vbroadcast v21, $0x0  }
0x140: {  	s0 =	sadd.s32 $0x4BD0, s10;
	[tilespmem:v17+s11+$0xD3D0] =	vst.idx.msk $0xffff, v20  }
0x141: {  	v17 =	vld [tilespmem:s0+$0x0];
	v19 =	vadd.s32 v7, v18  }
0x142: {  	s13 =	sor.u32 $0x4, s14;
	v20 =	vld [tilespmem:s0+$0x10];
	v18 =	vadd.s32 v8, v18  }
0x143: {  	v21 =	vmov s13  }
0x144: {  	v21 =	vshrl.u32 v21, $0x3  }
0x145: {  	v21 =	vshll.u32 v21, v1  }
0x146: {  	s19 =	sshll.u32 s13, $0x5;
	v21 =	vbroadcast v21, $0x0;
	[tilespmem:v19+s11+$0xD3D0] =	vst.idx.msk $0xffff, v17  }
0x147: {  	s0 =	sadd.s32 $0x4BD0, s19;
	[tilespmem:v18+s11+$0xD3D0] =	vst.idx.msk $0xffff, v20  }
0x148: {  	v18 =	vadd.s32 v9, v21;
	v17 =	vld [tilespmem:s0+$0x0]  }
0x149: {  	s20 =	sor.u32 $0x5, s14;
	v20 =	vadd.s32 v10, v21;
	v19 =	vld [tilespmem:s0+$0x10]  }
0x14a: {  	v21 =	vmov s20  }
0x14b: {  	v21 =	vshrl.u32 v21, $0x3  }
0x14c: {  	v21 =	vshll.u32 v21, v1  }
0x14d: {  	s21 =	sshll.u32 s20, $0x5;
	v21 =	vbroadcast v21, $0x0;
	[tilespmem:v18+s11+$0xD3D0] =	vst.idx.msk $0xffff, v17  }
0x14e: {  	s0 =	sadd.s32 $0x4BD0, s21;
	[tilespmem:v20+s11+$0xD3D0] =	vst.idx.msk $0xffff, v19  }
0x14f: {  	v18 =	vadd.s32 v11, v21;
	v17 =	vld [tilespmem:s0+$0x0]  }
0x150: {  	s22 =	sor.u32 $0x6, s14;
	v20 =	vadd.s32 v12, v21;
	v19 =	vld [tilespmem:s0+$0x10]  }
0x151: {  	v21 =	vmov s22  }
0x152: {  	v21 =	vshrl.u32 v21, $0x3  }
0x153: {  	v21 =	vshll.u32 v21, v1  }
0x154: {  	s23 =	sshll.u32 s22, $0x5;
	[tilespmem:v18+s11+$0xD3D0] =	vst.idx.msk $0xffff, v17;
	v17 =	vbroadcast v21, $0x0  }
0x155: {  	s0 =	sadd.s32 $0x4BD0, s23;
	[tilespmem:v20+s11+$0xD3D0] =	vst.idx.msk $0xffff, v19  }
0x156: {  	v18 =	vld [tilespmem:s0+$0x0];
	v19 =	vadd.s32 v13, v17  }
0x157: {  	s24 =	sor.u32 $0x7, s14;
	v20 =	vld [tilespmem:s0+$0x10];
	v17 =	vadd.s32 v14, v17  }
0x158: {  	v21 =	vmov s24  }
0x159: {  	v21 =	vshrl.u32 v21, $0x3  }
0x15a: {  	v21 =	vshll.u32 v21, v1  }
0x15b: {  	s25 =	sshll.u32 s24, $0x5;
	v21 =	vbroadcast v21, $0x0;
	[tilespmem:v19+s11+$0xD3D0] =	vst.idx.msk $0xffff, v18  }
0x15c: {  	s0 =	sadd.s32 $0x4BD0, s25;
	[tilespmem:v17+s11+$0xD3D0] =	vst.idx.msk $0xffff, v20  }
0x15d: {  	s26 =	simm.s32 $0x0;
	s20 =	simm.s32 $0x8;
	v24 =	vadd.s32 v15, v21;
	v23 =	vld [tilespmem:s0+$0x0]  }
0x15e: {  	s29 =	smul.u32 $0x2400, s26;
	s1 =	simm.s32 $0x2;
	s24 =	sand.u32 $0x38, s20  }
0x15f: {  	s19 =	simm.s32 $0x4BD0;
	s5 =	sshll.u32 s24, $0x5;
	s28 =	sor.u32 $0x2, s24;
	v19 =	vadd.s32 v16, v21;
	v17 =	vmov s24;
	v20 =	vld [tilespmem:s0+$0x10]  }
0x160: {  	s26 =	sor.u32 $0x5, s24;
	s13 =	sor.u32 $0x1, s24;
	s31 =	sor.u32 $0x3, s24;
	v18 =	vmov s28;
	v17 =	vshrl.u32 v17, $0x3  }
0x161: {  	s21 =	sor.u32 $0x6, s24;
	v21 =	vmov s13;
	v18 =	vshrl.u32 v18, $0x3;
	s0 =	sshll.u32 s13, $0x5;
	s13 =	sor.u32 $0x4, s24;
	v17 =	vshll.u32 v17, v1  }
0x162: {  	s25 =	sshll.u32 s31, $0x5;
	s14 =	sshll.u32 s26, $0x5;
	v21 =	vshrl.u32 v21, $0x3;
	s23 =	sshll.u32 s13, $0x5;
	v22 =	vbroadcast v17, $0x0;
	v17 =	vmov s31;
	[tilespmem:v24+s11+$0xD3D0] =	vst.idx.msk $0xffff, v23  }
.LBB2_7:
0x163: {  	s5 =	sadd.s32 s5, s19  }
0x164: {  	v23 =	vmov s13;
	v24 =	vmov s26;
	s13 =	sor.u32 $0x7, s24;
	[tilespmem:v19+s11+$0xD3D0] =	vst.idx.msk $0xffff, v20;
	s24 =	smov.u32 s1;
	s22 =	sadd.s32 $0x1, s1  }
0x165: {  	p1 =	sne.s32 s1, $0x3F;
	v19 =	vld [tilespmem:s5+$0x0];
	v20 =	vadd.s32 v0, v22;
	v23 =	vshrl.u32 v23, $0x3;
	v24 =	vshrl.u32 v24, $0x3;
	s26 =	sshll.u32 s13, $0x5  }
0x166: {  	v22 =	vadd.s32 v2, v22;
	v25 =	vld [tilespmem:s5+$0x10];
	v23 =	vshll.u32 v23, v1;
	v24 =	vshll.u32 v24, v1  }
0x167: {  	v26 =	vmov s13;
	v23 =	vbroadcast v23, $0x0;
	v24 =	vbroadcast v24, $0x0  }
0x168: {  	v26 =	vshrl.u32 v26, $0x3  }
0x169: {  	s11 =	sshra.s32 s29, $0x2;
	v21 =	vshll.u32 v21, v1;
	v26 =	vshll.u32 v26, v1  }
0x16a: {  	[tilespmem:v20+s11+$0xD3D0] =	vst.idx.msk $0xffff, v19;
	v19 =	vbroadcast v21, $0x0;
	v21 =	vbroadcast v26, $0x0  }
0x16b: {  	s0 =	sadd.s32 s0, s19;
	[tilespmem:v22+s11+$0xD3D0] =	vst.idx.msk $0xffff, v25  }
0x16c: {  	v20 =	vld [tilespmem:s0+$0x0];
	v22 =	vadd.s32 v3, v19  }
0x16d: {  	v19 =	vadd.s32 v4, v19;
	v25 =	vld [tilespmem:s0+$0x10];
	_ =	sdelay $0x2  }
0x16e: {  	v18 =	vshll.u32 v18, v1  }
0x16f: {  	v18 =	vbroadcast v18, $0x0;
	s0 =	sshll.u32 s28, $0x5;
	[tilespmem:v22+s11+$0xD3D0] =	vst.idx.msk $0xffff, v20  }
0x170: {  	s0 =	sadd.s32 s0, s19;
	[tilespmem:v19+s11+$0xD3D0] =	vst.idx.msk $0xffff, v25  }
0x171: {  	v20 =	vadd.s32 v5, v18;
	v19 =	vld [tilespmem:s0+$0x0]  }
0x172: {  	v18 =	vadd.s32 v6, v18;
	v22 =	vld [tilespmem:s0+$0x10];
	_ =	sdelay $0x1  }
0x173: {  	v17 =	vshrl.u32 v17, $0x3  }
0x174: {  	v17 =	vshll.u32 v17, v1  }
0x175: {  	v17 =	vbroadcast v17, $0x0;
	[tilespmem:v20+s11+$0xD3D0] =	vst.idx.msk $0xffff, v19  }
0x176: {  	s0 =	sadd.s32 s25, s19;
	[tilespmem:v18+s11+$0xD3D0] =	vst.idx.msk $0xffff, v22  }
0x177: {  	v19 =	vadd.s32 v7, v17;
	v18 =	vld [tilespmem:s0+$0x0]  }
0x178: {  	v17 =	vadd.s32 v8, v17;
	v20 =	vld [tilespmem:s0+$0x10];
	_ =	sdelay $0x3  }
0x179: {  	[tilespmem:v19+s11+$0xD3D0] =	vst.idx.msk $0xffff, v18  }
0x17a: {  	s0 =	sadd.s32 s23, s19;
	[tilespmem:v17+s11+$0xD3D0] =	vst.idx.msk $0xffff, v20  }
0x17b: {  	v18 =	vadd.s32 v9, v23;
	v17 =	vld [tilespmem:s0+$0x0]  }
0x17c: {  	v20 =	vadd.s32 v10, v23;
	v19 =	vld [tilespmem:s0+$0x10];
	_ =	sdelay $0x3  }
0x17d: {  	[tilespmem:v18+s11+$0xD3D0] =	vst.idx.msk $0xffff, v17  }
0x17e: {  	s0 =	sadd.s32 s14, s19;
	[tilespmem:v20+s11+$0xD3D0] =	vst.idx.msk $0xffff, v19  }
0x17f: {  	v18 =	vadd.s32 v11, v24;
	v17 =	vld [tilespmem:s0+$0x0]  }
0x180: {  	v20 =	vadd.s32 v12, v24;
	v19 =	vld [tilespmem:s0+$0x10]  }
0x181: {  	v22 =	vmov s21  }
0x182: {  	v22 =	vshrl.u32 v22, $0x3  }
0x183: {  	v22 =	vshll.u32 v22, v1  }
0x184: {  	s0 =	sshll.u32 s21, $0x5;
	[tilespmem:v18+s11+$0xD3D0] =	vst.idx.msk $0xffff, v17;
	v17 =	vbroadcast v22, $0x0  }
0x185: {  	s0 =	sadd.s32 s0, s19;
	[tilespmem:v20+s11+$0xD3D0] =	vst.idx.msk $0xffff, v19  }
0x186: {  	v18 =	vld [tilespmem:s0+$0x0];
	v19 =	vadd.s32 v13, v17  }
0x187: {  	v17 =	vadd.s32 v14, v17;
	v20 =	vld [tilespmem:s0+$0x10];
	_ =	sdelay $0x3  }
0x188: {  	[tilespmem:v19+s11+$0xD3D0] =	vst.idx.msk $0xffff, v18  }
0x189: {  	s20 =	sadd.s32 $0x8, s20;
	s1 =	sadd.s32 s26, s19;
	s0 =	sshrl.u32 s24, $0x3;
	[tilespmem:v17+s11+$0xD3D0] =	vst.idx.msk $0xffff, v20  }
0x18a: {  	v24 =	vadd.s32 v15, v21;
	s24 =	sand.u32 $0x38, s20;
	s5 =	sshll.u32 s0, $0xD;
	s29 =	smul.u32 $0x2400, s0;
	v23 =	vld [tilespmem:s1+$0x0]  }
.Ltmp2:
0x18b: {  	s28 =	sor.u32 $0x2, s24;
	s0 =	sshra.s32 s5, $0x2;
	v19 =	vadd.s32 v16, v21;
	v20 =	vld [tilespmem:s1+$0x10];
	(pc) =	sbr.rel @p1 .LBB2_7-.Ltmp2, $4  }
0x18c: {  	s26 =	sor.u32 $0x5, s24;
	s13 =	sor.u32 $0x4, s24;
	s5 =	sshll.u32 s24, $0x5;
	v17 =	vmov s24  }
0x18d: {  	s19 =	sadd.s32 $0x4BD0, s0;
	s0 =	sor.u32 $0x1, s24;
	v18 =	vmov s28;
	v17 =	vshrl.u32 v17, $0x3;
	s1 =	sor.u32 $0x3, s24  }
0x18e: {  	s21 =	sor.u32 $0x6, s24;
	v21 =	vmov s0;
	s0 =	sshll.u32 s0, $0x5;
	v18 =	vshrl.u32 v18, $0x3;
	v17 =	vshll.u32 v17, v1;
	s25 =	sshll.u32 s1, $0x5  }
0x18f: {  	s23 =	sshll.u32 s13, $0x5;
	s14 =	sshll.u32 s26, $0x5;
	v21 =	vshrl.u32 v21, $0x3;
	v22 =	vbroadcast v17, $0x0;
	v17 =	vmov s1;
	s1 =	smov.u32 s22;
	[tilespmem:v24+s11+$0xD3D0] =	vst.idx.msk $0xffff, v23  }
0x190: {  	_ =	sdelay $0x3  }
0x191: {  	s1 =	sadd.s32 s5, s19;
	[tilespmem:v19+s11+$0xD3D0] =	vst.idx.msk $0xffff, v20  }
0x192: {  	v19 =	vld [tilespmem:s1+$0x0];
	v54 =	vadd.s32 v0, v22  }
0x193: {  	v23 =	vld [tilespmem:s1+$0x10];
	v55 =	vadd.s32 v2, v22;
	_ =	sdelay $0x2  }
0x194: {  	s10 =	sshra.s32 s29, $0x2;
	v21 =	vshll.u32 v21, v1  }
0x195: {  	[tilespmem:v54+s10+$0xD3D0] =	vst.idx.msk $0xffff, v19;
	v19 =	vbroadcast v21, $0x0  }
0x196: {  	s0 =	sadd.s32 s0, s19;
	[tilespmem:v55+s10+$0xD3D0] =	vst.idx.msk $0xffff, v23  }
0x197: {  	v20 =	vld [tilespmem:s0+$0x0];
	v21 =	vadd.s32 v3, v19  }
0x198: {  	v22 =	vld [tilespmem:s0+$0x10];
	v19 =	vadd.s32 v4, v19;
	_ =	sdelay $0x2  }
0x199: {  	v18 =	vshll.u32 v18, v1  }
0x19a: {  	s20 =	sshll.u32 s28, $0x5;
	v18 =	vbroadcast v18, $0x0;
	[tilespmem:v21+s10+$0xD3D0] =	vst.idx.msk $0xffff, v20  }
0x19b: {  	s0 =	sadd.s32 s20, s19;
	[tilespmem:v19+s10+$0xD3D0] =	vst.idx.msk $0xffff, v22  }
0x19c: {  	v56 =	vadd.s32 v5, v18;
	v19 =	vld [tilespmem:s0+$0x0]  }
0x19d: {  	v18 =	vadd.s32 v6, v18;
	v21 =	vld [tilespmem:s0+$0x10];
	_ =	sdelay $0x1  }
0x19e: {  	v17 =	vshrl.u32 v17, $0x3  }
0x19f: {  	v17 =	vshll.u32 v17, v1  }
0x1a0: {  	v17 =	vbroadcast v17, $0x0;
	[tilespmem:v56+s10+$0xD3D0] =	vst.idx.msk $0xffff, v19  }
0x1a1: {  	s22 =	sadd.s32 s25, s19;
	[tilespmem:v18+s10+$0xD3D0] =	vst.idx.msk $0xffff, v21  }
0x1a2: {  	v19 =	vadd.s32 v7, v17;
	v18 =	vld [tilespmem:s22+$0x0]  }
0x1a3: {  	v17 =	vadd.s32 v8, v17;
	v20 =	vld [tilespmem:s22+$0x10]  }
0x1a4: {  	v57 =	vmov s13  }
0x1a5: {  	v21 =	vshrl.u32 v57, $0x3  }
0x1a6: {  	v21 =	vshll.u32 v21, v1  }
0x1a7: {  	v21 =	vbroadcast v21, $0x0;
	[tilespmem:v19+s10+$0xD3D0] =	vst.idx.msk $0xffff, v18  }
0x1a8: {  	s23 =	sadd.s32 s23, s19;
	[tilespmem:v17+s10+$0xD3D0] =	vst.idx.msk $0xffff, v20  }
0x1a9: {  	v18 =	vadd.s32 v9, v21;
	v17 =	vld [tilespmem:s23+$0x0]  }
0x1aa: {  	v58 =	vadd.s32 v10, v21;
	v19 =	vld [tilespmem:s23+$0x10]  }
0x1ab: {  	v59 =	vmov s26  }
0x1ac: {  	v21 =	vshrl.u32 v59, $0x3  }
0x1ad: {  	v21 =	vshll.u32 v21, v1  }
0x1ae: {  	v21 =	vbroadcast v21, $0x0;
	[tilespmem:v18+s10+$0xD3D0] =	vst.idx.msk $0xffff, v17  }
0x1af: {  	s25 =	sadd.s32 s14, s19;
	[tilespmem:v58+s10+$0xD3D0] =	vst.idx.msk $0xffff, v19  }
0x1b0: {  	v18 =	vadd.s32 v11, v21;
	v17 =	vld [tilespmem:s25+$0x0]  }
0x1b1: {  	v60 =	vadd.s32 v12, v21;
	v19 =	vld [tilespmem:s25+$0x10]  }
0x1b2: {  	v61 =	vmov s21  }
0x1b3: {  	v21 =	vshrl.u32 v61, $0x3  }
0x1b4: {  	v21 =	vshll.u32 v21, v1  }
0x1b5: {  	s26 =	sshll.u32 s21, $0x5;
	[tilespmem:v18+s10+$0xD3D0] =	vst.idx.msk $0xffff, v17;
	v17 =	vbroadcast v21, $0x0  }
0x1b6: {  	s0 =	sadd.s32 s26, s19;
	[tilespmem:v60+s10+$0xD3D0] =	vst.idx.msk $0xffff, v19  }
0x1b7: {  	v18 =	vld [tilespmem:s0+$0x0];
	v19 =	vadd.s32 v13, v17  }
0x1b8: {  	s28 =	sor.u32 $0x7, s24;
	v20 =	vld [tilespmem:s0+$0x10];
	v17 =	vadd.s32 v14, v17  }
0x1b9: {  	v62 =	vmov s28  }
0x1ba: {  	v21 =	vshrl.u32 v62, $0x3  }
0x1bb: {  	v21 =	vshll.u32 v21, v1  }
0x1bc: {  	s29 =	sshll.u32 s28, $0x5;
	v21 =	vbroadcast v21, $0x0;
	[tilespmem:v19+s10+$0xD3D0] =	vst.idx.msk $0xffff, v18  }
0x1bd: {  	s0 =	sadd.s32 s29, s19;
	[tilespmem:v17+s10+$0xD3D0] =	vst.idx.msk $0xffff, v20  }
0x1be: {  	v18 =	vadd.s32 v15, v21;
	v17 =	vld [tilespmem:s0+$0x0]  }
0x1bf: {  	v63 =	vadd.s32 v16, v21;
	v19 =	vld [tilespmem:s0+$0x10];
	_ =	sdelay $0x2  }
0x1c0: {  	s31 =	sadd.s32 s8, s6  }
0x1c1: {  	s5 =	simm.s32 $0x8;
	s0 =	sadd.s32 $0x800, s31;
	[tilespmem:v18+s10+$0xD3D0] =	vst.idx.msk $0xffff, v17  }
0x1c2: {  	s8 =	simm.s32 $0xD418;
	s1 =	simm.s32 $0xD3D0;
	s11 =	sadd.s32 $0x0, s0;
	[tilespmem:v63+s10+$0xD3D0] =	vst.idx.msk $0xffff, v19  }
.LBB2_9:
0x1c3: {  	[hbm4b:s11+s3] =	stream.linear.scatter [tilespmem:s1], [sflag:$0x6], $0x40, $0x38;
	[tilespmem:$0x11BD0] =	vst v63  }
0x1c4: {  	s11 =	smov.u32 s5;
	s1 =	smov.u32 s8;
	p1 =	sne.s32 s5, $0x7F8  }
.Ltmp3:
0x1c5: {  	s5 =	sadd.s32 $0x8, s5;
	(pc) =	sbr.rel @p1 .LBB2_9-.Ltmp3, $2  }
0x1c6: {  	_ =	sdelay $0x2  }
0x1c7: {  	s8 =	sadd.s32 $0x48, s8;
	s11 =	sadd.s32 s11, s0  }
0x1c8: {  	s15 =	sadd.s32 $0x1, s15  }
0x1c9: {  	p1 =	sne.s32 s15, $0x14  }
.Ltmp4:
0x1ca: {  	_ = 	snop;
	(pc) =	sbr.rel @p1 .LBB2_2-.Ltmp4, $2  }
0x1cb: {  	_ =	sdelay $0x2  }
0x1cc: {  	[hbm4b:s11+s3] =	stream.linear.scatter [tilespmem:s1], [sflag:$0x6], $0x40, $0x38;
	[tilespmem:$0x11BD0] =	vst v63  }
0x1cd: {  	s0 =	simm.s32 $0x5  }
0x1ce: {  	_ =	swait.ge [sflag:s0], $0x4000  }
0x1cf: {  	[sflag:s0] =	ssyncset.done $0x0  }
0x1d0: {  	[sflag:s0] =	ssyncadd.s32 $0xFFFFC000  }
0x1d1: {  	_ =	swait.ge [sflag:s12], $0x4000  }
0x1d2: {  	s1 =	rddreg [dreg:$0xa]  }
0x1d3: {  	s31 =	rddreg [dreg:$0x8];
	s1 =	sadd.s32 $0x1, s1  }
0x1d4: {  	p1 =	sne.s32 s1, s31  }
.Ltmp5:
0x1d5: {  	_ = 	snop;
	(pc) =	sbr.rel @p1 .LBB2_1-.Ltmp5, $3  }
0x1d6: {  	_ =	sdelay $0x1  }
0x1d7: {  	[sflag:s12] =	ssyncset.done $0x0  }
0x1d8: {  	[sflag:s12] =	ssyncadd.s32 $0xFFFFC000  }
0x1d9: {  	_ =	sfence.sel $0x180000  }
0x1da: {  	[bflag:$0x0] =	sbarrier.arrive $0xFFFF  }
0x1db: {  	_ =	strace $0x90000047  }
0x1dc: {  	[bflag:$0x2] =	sbarrier.arrive $0xFFFF  }
0x1dd: {  	s0 =	rddreg [dreg:$0x3]  }
0x1de: {  	s0 =	sadd.s32 @!p0 $0x100000, s0  }
0x1df: {  	[sflag:s0] =	ssyncadd.tile.s32 @!p0 $0x1;
	_ =	shalt  }
.Lfunc_end2:
_tile_overlayer_lowered:
.L_overlay_start_2:
0x1e0: {  	(tag) =	ssettag $0x2  }
0x1e1: {  	s0 =	rddreg [dreg:$0x0];
	s2 =	stileid.u32  }
0x1e2: {  	s1 =	rddreg [dreg:$0x1];
	p0 =	sne.s32 s2, $0x0  }
0x1e3: {  	s3 =	rddreg [dreg:$0x2];
	[bflag:$0x3] =	sbarrier.arrive $0xFFFF;
	s2 =	simm.s32 @!p0 $0x1C07  }
0x1e4: {  	[timem:s3], [sflag:s2] =	dma.local @!p0 [hbm:s0], s1  }
0x1e5: {  	s0 =	simm.s32 @!p0 $0x7  }
0x1e6: {  	_ =	swait.ge @!p0 [sflag:s0], s1  }
0x1e7: {  	s1 =	ssub.s32 @!p0 $0x0, s1;
	[sflag:s0] =	ssyncset.done @!p0 $0x0  }
0x1e8: {  	[sflag:s0] =	ssyncadd.s32 @!p0 s1  }
0x1e9: {  	[bflag:$0x3] =	sbarrier.arrive $0xFFFF  }
0x1ea: {  	_ =	shalt  }

</sc_bundles>
